<compile_context>
chip_gen: v7x
topology: tpu7x:2x2x1
jax: 0.10.2.dev20260603
libtpu: 0.0.44.dev20260713+nightly
codegen_flags: <defaults>
</compile_context>

<pallas_src>
import functools

import jax
import jax.numpy as jnp
from jax import lax
from jax.experimental import pallas as pl
from jax.experimental.pallas import tpu as pltpu
from jax.experimental.pallas import tpu_sc as plsc

N = 10000
NP = 10240
D = 128
E = 320000
NC, NS, L = 2, 16, 16
B = 128
NB = 80
NB2 = 160
NR = 4
HD = D // 2
EPAD = NC * NS * NB * B
RPT = NP // NS
DEGW = 16
RB = 1280
GRID = NP // RB


@functools.cache
def _sc_kernels():
    mesh = plsc.VectorSubcoreMesh(core_axis_name="c", subcore_axis_name="s",
                                  num_cores=NC, num_subcores=NS)

    def _make_aggregate(W):
        @functools.partial(
            pl.kernel,
            out_type=jax.ShapeDtypeStruct((NC, NP, W), jnp.float32),
            mesh=mesh,
            scratch_types=[
                pltpu.VMEM((NB // 2, B), jnp.int32),
                pltpu.VMEM((NB // 2, B), jnp.int32),
                pltpu.VMEM((B, W), jnp.float32),
                pltpu.VMEM((B, W), jnp.float32),
                pltpu.VMEM_SHARED((NP, W), jnp.float32),
                pltpu.SemaphoreType.DMA,
                pltpu.SemaphoreType.DMA,
            ],
        )
        def agg(hs_hbm, src_hbm, dst_hbm, zeros_hbm, out_hbm,
                src_v, dst_v, rb0, rb1, acc, g0, g1):
            c = lax.axis_index("c")
            s = lax.axis_index("s")
            NH = NB // 2

            base = s * RPT
            for k in range(RPT // B):
                pltpu.sync_copy(zeros_hbm, acc.at[pl.ds(base + k * B, B)])
            plsc.subcore_barrier()

            for h in range(2):
                pltpu.sync_copy(src_hbm.at[c, s, pl.ds(h * NH, NH)], src_v)
                pltpu.sync_copy(dst_hbm.at[c, s, pl.ds(h * NH, NH)], dst_v)
                pltpu.async_copy(hs_hbm.at[src_v.at[0]], rb0, g0)
                pltpu.async_copy(hs_hbm.at[src_v.at[1]], rb1, g1)

                def body(i, carry):
                    j = 2 * i
                    pltpu.make_async_copy(
                        hs_hbm.at[src_v.at[j]], rb0, g0).wait()
                    pltpu.sync_copy(rb0, acc.at[dst_v.at[j]], add=True)
                    pltpu.async_copy(hs_hbm.at[src_v.at[j + 2]], rb0, g0)
                    pltpu.make_async_copy(
                        hs_hbm.at[src_v.at[j + 1]], rb1, g1).wait()
                    pltpu.sync_copy(rb1, acc.at[dst_v.at[j + 1]], add=True)
                    pltpu.async_copy(hs_hbm.at[src_v.at[j + 3]], rb1, g1)
                    return carry
                lax.fori_loop(0, NH // 2 - 1, body, 0)

                j = NH - 2
                pltpu.make_async_copy(hs_hbm.at[src_v.at[j]], rb0, g0).wait()
                pltpu.sync_copy(rb0, acc.at[dst_v.at[j]], add=True)
                pltpu.make_async_copy(
                    hs_hbm.at[src_v.at[j + 1]], rb1, g1).wait()
                pltpu.sync_copy(rb1, acc.at[dst_v.at[j + 1]], add=True)

            plsc.subcore_barrier()
            for k in range(RPT // B):
                pltpu.sync_copy(acc.at[pl.ds(base + k * B, B)],
                                out_hbm.at[c, pl.ds(base + k * B, B)])

        return agg

    return _make_aggregate(D)


def _dis_block(degp_ref):
    deg = degp_ref[0] + degp_ref[1] + 1.0
    return lax.rsqrt(deg)


def _tc_layer1(xp, W1, degp):
    def body(x_ref, w_ref, degp_ref, t_ref, hs_ref):
        t = jnp.dot(x_ref[...], w_ref[...], preferred_element_type=jnp.float32)
        disb = _dis_block(degp_ref)
        t_ref[...] = t
        hs_ref[...] = t * disb

    return pl.pallas_call(
        body,
        grid=(GRID,),
        in_specs=[
            pl.BlockSpec((RB, D), lambda i: (i, 0)),
            pl.BlockSpec((D, D), lambda i: (0, 0)),
            pl.BlockSpec((NC, RB, D), lambda i: (0, i, 0)),
        ],
        out_specs=[
            pl.BlockSpec((RB, D), lambda i: (i, 0)),
            pl.BlockSpec((RB, D), lambda i: (i, 0)),
        ],
        out_shape=[
            jax.ShapeDtypeStruct((NP, D), jnp.float32),
            jax.ShapeDtypeStruct((NP, D), jnp.float32),
        ],
    )(xp, W1, degp)


def _tc_layer2(aggp, degp, t1, W2, b1):
    def body(agg_ref, degp_ref, t1_ref, w_ref, b_ref, t2_ref, hs_ref):
        i = pl.program_id(0)
        disb = _dis_block(degp_ref)
        q = agg_ref[0] + agg_ref[1]
        z = disb * q + disb * disb * t1_ref[...] + b_ref[...]
        h = jnp.maximum(z, 0.0)
        t2 = jnp.dot(h, w_ref[...], preferred_element_type=jnp.float32)
        rows = i * RB + lax.broadcasted_iota(jnp.int32, (RB, D), 0)
        t2_ref[...] = t2
        hs_ref[...] = jnp.where(rows < N, t2 * disb, 0.0)

    return pl.pallas_call(
        body,
        grid=(GRID,),
        in_specs=[
            pl.BlockSpec((NC, RB, D), lambda i: (0, i, 0)),
            pl.BlockSpec((NC, RB, D), lambda i: (0, i, 0)),
            pl.BlockSpec((RB, D), lambda i: (i, 0)),
            pl.BlockSpec((D, D), lambda i: (0, 0)),
            pl.BlockSpec((1, D), lambda i: (0, 0)),
        ],
        out_specs=[
            pl.BlockSpec((RB, D), lambda i: (i, 0)),
            pl.BlockSpec((RB, D), lambda i: (i, 0)),
        ],
        out_shape=[
            jax.ShapeDtypeStruct((NP, D), jnp.float32),
            jax.ShapeDtypeStruct((NP, D), jnp.float32),
        ],
    )(aggp, degp, t1, W2, b1)


def _tc_layer3(aggp, degp, t2, b2):
    def body(agg_ref, degp_ref, t2_ref, b_ref, out_ref):
        disb = _dis_block(degp_ref)
        q = agg_ref[0] + agg_ref[1]
        out_ref[...] = disb * q + disb * disb * t2_ref[...] + b_ref[...]

    return pl.pallas_call(
        body,
        grid=(GRID,),
        in_specs=[
            pl.BlockSpec((NC, RB, D), lambda i: (0, i, 0)),
            pl.BlockSpec((NC, RB, D), lambda i: (0, i, 0)),
            pl.BlockSpec((RB, D), lambda i: (i, 0)),
            pl.BlockSpec((1, D), lambda i: (0, 0)),
        ],
        out_specs=pl.BlockSpec((RB, D), lambda i: (i, 0)),
        out_shape=jax.ShapeDtypeStruct((NP, D), jnp.float32),
    )(aggp, degp, t2, b2)


def kernel(x, edge_index, W1, b1, W2, b2):
    sc_aggregate = _sc_kernels()
    pad = EPAD - E
    pad_idx = N + jnp.arange(pad, dtype=jnp.int32) % (NP - N)
    src_all = jnp.concatenate([edge_index[0], pad_idx])
    dst_all = jnp.concatenate([edge_index[1], pad_idx])
    srcp = src_all.reshape(NC, NS, NB, B)
    dstp = dst_all.reshape(NC, NS, NB, B)
    xp = jnp.pad(x, ((0, NP - N), (0, 0)))

    ones_table = jnp.ones((NP, D), jnp.float32)
    zerosD = jnp.zeros((B, D), jnp.float32)

    degp = sc_aggregate(ones_table, srcp, dstp, zerosD)
    t1, hs1 = _tc_layer1(xp, W1, degp)
    aggp1 = sc_aggregate(hs1, srcp, dstp, zerosD)
    t2, hs2 = _tc_layer2(aggp1, degp, t1, W2, b1.reshape(1, D))
    aggp2 = sc_aggregate(hs2, srcp, dstp, zerosD)
    outp = _tc_layer3(aggp2, degp, t2, b2.reshape(1, D))
    return outp[:N]

# --- scband reference (transcript-rebuilt; emitter-appended) ---
"""Pipeline reference for scband-gcn-19318762897896 (READ-ONLY COPY).

The authoritative reference and input builder live on the scoring server;
editing this copy changes nothing except your own understanding.
"""

import jax, jax.numpy as jnp
import numpy as np

N = 10000
E = 320000
D_IN = 128
D_HID = 128
D_OUT = 128


def setup_inputs(seed: int = 0) -> dict:
    key = jax.random.key(seed)
    k1, k2, k3, k4 = jax.random.split(key, 4)
    x = jax.random.normal(k1, (N, D_IN), dtype=jnp.float32)
    edge_index = jax.random.randint(k2, (2, E), 0, N, dtype=jnp.int32)
    W1 = jax.random.normal(k3, (D_IN, D_HID), dtype=jnp.float32) * (1.0 / np.sqrt(D_IN))
    b1 = jnp.zeros((D_HID,), dtype=jnp.float32)
    W2 = jax.random.normal(k4, (D_HID, D_OUT), dtype=jnp.float32) * (1.0 / np.sqrt(D_HID))
    b2 = jnp.zeros((D_OUT,), dtype=jnp.float32)
    return {"x": x, "edge_index": edge_index, "W1": W1, "b1": b1, "W2": W2, "b2": b2}


def gcn_conv(x, edge_index, W, b):
    # Faithful PyG GCNConv: add self-loops, symmetric deg^-1/2 normalization,
    # linear transform, gather messages along src, scatter-add into dst.
    n = x.shape[0]
    loop = jnp.arange(n, dtype=edge_index.dtype)
    src = jnp.concatenate([edge_index[0], loop])
    dst = jnp.concatenate([edge_index[1], loop])
    h = x @ W
    deg = jnp.zeros((n,), dtype=h.dtype).at[dst].add(1.0)
    deg_inv_sqrt = jnp.where(deg > 0, jax.lax.rsqrt(deg), 0.0)
    norm = deg_inv_sqrt[src] * deg_inv_sqrt[dst]
    msg = h[src] * norm[:, None]
    out = jnp.zeros((n, h.shape[1]), dtype=h.dtype).at[dst].add(msg)
    return out + b


def reference(x, edge_index, W1, b1, W2, b2):
    h = jax.nn.relu(gcn_conv(x, edge_index, W1, b1))
    out = gcn_conv(h, edge_index, W2, b2)
    return out

if __name__ == "__main__":
    import jax
    _d = setup_inputs()
    print(jax.jit(kernel)(*tuple(_d.values())))

</pallas_src>

<mosaic_0001>
#map = affine_map<(d0, d1) -> (0, 0)>
#map1 = affine_map<(d0, d1) -> (0, 0, 0, 0)>
#map2 = affine_map<(d0, d1) -> (0, 0, 0)>
module attributes {stable_mosaic.version = 14 : i64} {
  func.func @agg(%arg0: i32, %arg1: i32, %arg2: memref<10240x128xf32, #tpu.memory_space<hbm>>, %arg3: memref<2x16x80x128xi32, #tpu.memory_space<hbm>>, %arg4: memref<2x16x80x128xi32, #tpu.memory_space<hbm>>, %arg5: memref<128x128xf32, #tpu.memory_space<hbm>>, %arg6: memref<2x10240x128xf32, #tpu.memory_space<hbm>>, %arg7: memref<40x128xi32, #tpu.memory_space<vmem>>, %arg8: memref<40x128xi32, #tpu.memory_space<vmem>>, %arg9: memref<128x128xf32, #tpu.memory_space<vmem>>, %arg10: memref<128x128xf32, #tpu.memory_space<vmem>>, %arg11: memref<10240x128xf32, #tpu.memory_space<vmem_shared>>, %arg12: memref<!tpu.dma_semaphore, #tpu.memory_space<semaphore_mem>>, %arg13: memref<!tpu.dma_semaphore, #tpu.memory_space<semaphore_mem>>) attributes {dimension_semantics = [#tpu.dimension_semantics<core_parallel>, #tpu.dimension_semantics<subcore_parallel>], iteration_bounds = array<i64: 2, 16>, scalar_prefetch = 0 : i64, scratch_operands = 7 : i64, tpu.core_type = #tpu.core_type<sc_vector_subcore>, window_params = [{transform_indices = #map}, {transform_indices = #map1}, {transform_indices = #map1}, {transform_indices = #map}, {transform_indices = #map2}]} {
    %mul3A = arith.constant 640 : i32
    %mul3A_0 = arith.muli %arg1, %mul3A : i32
    %add3A = arith.constant 0 : i32
    %add3A_1 = arith.addi %mul3A_0, %add3A : i32
    "tpu.region"() ({
      %run_scoped3A_99 = tpu.sem_alloc : memref<!tpu.dma_semaphore, #tpu.memory_space<semaphore_mem>>
      %dma_start3A_100 = arith.constant 0 : i32
      %dma_start3A_101 = tpu.memref_slice %arg11[%add3A_1, %dma_start3A_100] : memref<10240x128xf32, #tpu.memory_space<vmem_shared>> -> memref<128x128xf32, #tpu.memory_space<vmem_shared>>
      tpu.enqueue_dma source(%arg5 : memref<128x128xf32, #tpu.memory_space<hbm>>) target(%dma_start3A_101 : memref<128x128xf32, #tpu.memory_space<vmem_shared>>) target_semaphore(%run_scoped3A_99 : memref<!tpu.dma_semaphore, #tpu.memory_space<semaphore_mem>>)
      %dma_wait3A_102 = arith.constant 0 : i32
      %dma_wait3A_103 = tpu.memref_slice %arg11[%add3A_1, %dma_wait3A_102] : memref<10240x128xf32, #tpu.memory_space<vmem_shared>> -> memref<128x128xf32, #tpu.memory_space<vmem_shared>>
      tpu.wait_dma2 semaphore(%run_scoped3A_99 : memref<!tpu.dma_semaphore, #tpu.memory_space<semaphore_mem>>) src(%arg5 : memref<128x128xf32, #tpu.memory_space<hbm>>) dst(%dma_wait3A_103 : memref<128x128xf32, #tpu.memory_space<vmem_shared>>)
      tpu.yield
    }) : () -> ()
    %add3A_2 = arith.constant 128 : i32
    %add3A_3 = arith.addi %mul3A_0, %add3A_2 : i32
    "tpu.region"() ({
      %run_scoped3A_99 = tpu.sem_alloc : memref<!tpu.dma_semaphore, #tpu.memory_space<semaphore_mem>>
      %dma_start3A_100 = arith.constant 0 : i32
      %dma_start3A_101 = tpu.memref_slice %arg11[%add3A_3, %dma_start3A_100] : memref<10240x128xf32, #tpu.memory_space<vmem_shared>> -> memref<128x128xf32, #tpu.memory_space<vmem_shared>>
      tpu.enqueue_dma source(%arg5 : memref<128x128xf32, #tpu.memory_space<hbm>>) target(%dma_start3A_101 : memref<128x128xf32, #tpu.memory_space<vmem_shared>>) target_semaphore(%run_scoped3A_99 : memref<!tpu.dma_semaphore, #tpu.memory_space<semaphore_mem>>)
      %dma_wait3A_102 = arith.constant 0 : i32
      %dma_wait3A_103 = tpu.memref_slice %arg11[%add3A_3, %dma_wait3A_102] : memref<10240x128xf32, #tpu.memory_space<vmem_shared>> -> memref<128x128xf32, #tpu.memory_space<vmem_shared>>
      tpu.wait_dma2 semaphore(%run_scoped3A_99 : memref<!tpu.dma_semaphore, #tpu.memory_space<semaphore_mem>>) src(%arg5 : memref<128x128xf32, #tpu.memory_space<hbm>>) dst(%dma_wait3A_103 : memref<128x128xf32, #tpu.memory_space<vmem_shared>>)
      tpu.yield
    }) : () -> ()
    %add3A_4 = arith.constant 256 : i32
    %add3A_5 = arith.addi %mul3A_0, %add3A_4 : i32
    "tpu.region"() ({
      %run_scoped3A_99 = tpu.sem_alloc : memref<!tpu.dma_semaphore, #tpu.memory_space<semaphore_mem>>
      %dma_start3A_100 = arith.constant 0 : i32
      %dma_start3A_101 = tpu.memref_slice %arg11[%add3A_5, %dma_start3A_100] : memref<10240x128xf32, #tpu.memory_space<vmem_shared>> -> memref<128x128xf32, #tpu.memory_space<vmem_shared>>
      tpu.enqueue_dma source(%arg5 : memref<128x128xf32, #tpu.memory_space<hbm>>) target(%dma_start3A_101 : memref<128x128xf32, #tpu.memory_space<vmem_shared>>) target_semaphore(%run_scoped3A_99 : memref<!tpu.dma_semaphore, #tpu.memory_space<semaphore_mem>>)
      %dma_wait3A_102 = arith.constant 0 : i32
      %dma_wait3A_103 = tpu.memref_slice %arg11[%add3A_5, %dma_wait3A_102] : memref<10240x128xf32, #tpu.memory_space<vmem_shared>> -> memref<128x128xf32, #tpu.memory_space<vmem_shared>>
      tpu.wait_dma2 semaphore(%run_scoped3A_99 : memref<!tpu.dma_semaphore, #tpu.memory_space<semaphore_mem>>) src(%arg5 : memref<128x128xf32, #tpu.memory_space<hbm>>) dst(%dma_wait3A_103 : memref<128x128xf32, #tpu.memory_space<vmem_shared>>)
      tpu.yield
    }) : () -> ()
    %add3A_6 = arith.constant 384 : i32
    %add3A_7 = arith.addi %mul3A_0, %add3A_6 : i32
    "tpu.region"() ({
      %run_scoped3A_99 = tpu.sem_alloc : memref<!tpu.dma_semaphore, #tpu.memory_space<semaphore_mem>>
      %dma_start3A_100 = arith.constant 0 : i32
      %dma_start3A_101 = tpu.memref_slice %arg11[%add3A_7, %dma_start3A_100] : memref<10240x128xf32, #tpu.memory_space<vmem_shared>> -> memref<128x128xf32, #tpu.memory_space<vmem_shared>>
      tpu.enqueue_dma source(%arg5 : memref<128x128xf32, #tpu.memory_space<hbm>>) target(%dma_start3A_101 : memref<128x128xf32, #tpu.memory_space<vmem_shared>>) target_semaphore(%run_scoped3A_99 : memref<!tpu.dma_semaphore, #tpu.memory_space<semaphore_mem>>)
      %dma_wait3A_102 = arith.constant 0 : i32
      %dma_wait3A_103 = tpu.memref_slice %arg11[%add3A_7, %dma_wait3A_102] : memref<10240x128xf32, #tpu.memory_space<vmem_shared>> -> memref<128x128xf32, #tpu.memory_space<vmem_shared>>
      tpu.wait_dma2 semaphore(%run_scoped3A_99 : memref<!tpu.dma_semaphore, #tpu.memory_space<semaphore_mem>>) src(%arg5 : memref<128x128xf32, #tpu.memory_space<hbm>>) dst(%dma_wait3A_103 : memref<128x128xf32, #tpu.memory_space<vmem_shared>>)
      tpu.yield
    }) : () -> ()
    %add3A_8 = arith.constant 512 : i32
    %add3A_9 = arith.addi %mul3A_0, %add3A_8 : i32
    "tpu.region"() ({
      %run_scoped3A_99 = tpu.sem_alloc : memref<!tpu.dma_semaphore, #tpu.memory_space<semaphore_mem>>
      %dma_start3A_100 = arith.constant 0 : i32
      %dma_start3A_101 = tpu.memref_slice %arg11[%add3A_9, %dma_start3A_100] : memref<10240x128xf32, #tpu.memory_space<vmem_shared>> -> memref<128x128xf32, #tpu.memory_space<vmem_shared>>
      tpu.enqueue_dma source(%arg5 : memref<128x128xf32, #tpu.memory_space<hbm>>) target(%dma_start3A_101 : memref<128x128xf32, #tpu.memory_space<vmem_shared>>) target_semaphore(%run_scoped3A_99 : memref<!tpu.dma_semaphore, #tpu.memory_space<semaphore_mem>>)
      %dma_wait3A_102 = arith.constant 0 : i32
      %dma_wait3A_103 = tpu.memref_slice %arg11[%add3A_9, %dma_wait3A_102] : memref<10240x128xf32, #tpu.memory_space<vmem_shared>> -> memref<128x128xf32, #tpu.memory_space<vmem_shared>>
      tpu.wait_dma2 semaphore(%run_scoped3A_99 : memref<!tpu.dma_semaphore, #tpu.memory_space<semaphore_mem>>) src(%arg5 : memref<128x128xf32, #tpu.memory_space<hbm>>) dst(%dma_wait3A_103 : memref<128x128xf32, #tpu.memory_space<vmem_shared>>)
      tpu.yield
    }) : () -> ()
    %barrier3A = arith.constant 0 : index
    tpu.barrier barrier_id(%barrier3A)
    "tpu.region"() ({
      %run_scoped3A_99 = tpu.sem_alloc : memref<!tpu.dma_semaphore, #tpu.memory_space<semaphore_mem>>
      %dma_start3A_100 = arith.constant 0 : i32
      %dma_start3A_101 = arith.constant 0 : i32
      %dma_start3A_102 = tpu.memref_slice %arg3[%arg0, %arg1, %dma_start3A_100, %dma_start3A_101] : memref<2x16x80x128xi32, #tpu.memory_space<hbm>> -> memref<1x1x40x128xi32, #tpu.memory_space<hbm>>
      %dma_start3A_103 = tpu.memref_squeeze %dma_start3A_102 : memref<1x1x40x128xi32, #tpu.memory_space<hbm>> -> memref<40x128xi32, #tpu.memory_space<hbm>>
      %dma_start3A_104 = arith.constant 0 : i32
      %dma_start3A_105 = arith.constant 0 : i32
      %dma_start3A_106 = tpu.memref_slice %arg3[%arg0, %arg1, %dma_start3A_104, %dma_start3A_105] : memref<2x16x80x128xi32, #tpu.memory_space<hbm>> -> memref<1x1x40x128xi32, #tpu.memory_space<hbm>>
      %dma_start3A_107 = tpu.memref_squeeze %dma_start3A_106 : memref<1x1x40x128xi32, #tpu.memory_space<hbm>> -> memref<40x128xi32, #tpu.memory_space<hbm>>
      tpu.enqueue_dma source(%dma_start3A_107 : memref<40x128xi32, #tpu.memory_space<hbm>>) target(%arg7 : memref<40x128xi32, #tpu.memory_space<vmem>>) target_semaphore(%run_scoped3A_99 : memref<!tpu.dma_semaphore, #tpu.memory_space<semaphore_mem>>)
      %dma_wait3A_108 = arith.constant 0 : i32
      %dma_wait3A_109 = arith.constant 0 : i32
      %dma_wait3A_110 = tpu.memref_slice %arg3[%arg0, %arg1, %dma_wait3A_108, %dma_wait3A_109] : memref<2x16x80x128xi32, #tpu.memory_space<hbm>> -> memref<1x1x40x128xi32, #tpu.memory_space<hbm>>
      %dma_wait3A_111 = tpu.memref_squeeze %dma_wait3A_110 : memref<1x1x40x128xi32, #tpu.memory_space<hbm>> -> memref<40x128xi32, #tpu.memory_space<hbm>>
      %dma_wait3A_112 = arith.constant 0 : i32
      %dma_wait3A_113 = arith.constant 0 : i32
      %dma_wait3A_114 = tpu.memref_slice %arg3[%arg0, %arg1, %dma_wait3A_112, %dma_wait3A_113] : memref<2x16x80x128xi32, #tpu.memory_space<hbm>> -> memref<1x1x40x128xi32, #tpu.memory_space<hbm>>
      %dma_wait3A_115 = tpu.memref_squeeze %dma_wait3A_114 : memref<1x1x40x128xi32, #tpu.memory_space<hbm>> -> memref<40x128xi32, #tpu.memory_space<hbm>>
      tpu.wait_dma2 semaphore(%run_scoped3A_99 : memref<!tpu.dma_semaphore, #tpu.memory_space<semaphore_mem>>) src(%dma_wait3A_115 : memref<40x128xi32, #tpu.memory_space<hbm>>) dst(%arg7 : memref<40x128xi32, #tpu.memory_space<vmem>>)
      tpu.yield
    }) : () -> ()
    "tpu.region"() ({
      %run_scoped3A_99 = tpu.sem_alloc : memref<!tpu.dma_semaphore, #tpu.memory_space<semaphore_mem>>
      %dma_start3A_100 = arith.constant 0 : i32
      %dma_start3A_101 = arith.constant 0 : i32
      %dma_start3A_102 = tpu.memref_slice %arg4[%arg0, %arg1, %dma_start3A_100, %dma_start3A_101] : memref<2x16x80x128xi32, #tpu.memory_space<hbm>> -> memref<1x1x40x128xi32, #tpu.memory_space<hbm>>
      %dma_start3A_103 = tpu.memref_squeeze %dma_start3A_102 : memref<1x1x40x128xi32, #tpu.memory_space<hbm>> -> memref<40x128xi32, #tpu.memory_space<hbm>>
      %dma_start3A_104 = arith.constant 0 : i32
      %dma_start3A_105 = arith.constant 0 : i32
      %dma_start3A_106 = tpu.memref_slice %arg4[%arg0, %arg1, %dma_start3A_104, %dma_start3A_105] : memref<2x16x80x128xi32, #tpu.memory_space<hbm>> -> memref<1x1x40x128xi32, #tpu.memory_space<hbm>>
      %dma_start3A_107 = tpu.memref_squeeze %dma_start3A_106 : memref<1x1x40x128xi32, #tpu.memory_space<hbm>> -> memref<40x128xi32, #tpu.memory_space<hbm>>
      tpu.enqueue_dma source(%dma_start3A_107 : memref<40x128xi32, #tpu.memory_space<hbm>>) target(%arg8 : memref<40x128xi32, #tpu.memory_space<vmem>>) target_semaphore(%run_scoped3A_99 : memref<!tpu.dma_semaphore, #tpu.memory_space<semaphore_mem>>)
      %dma_wait3A_108 = arith.constant 0 : i32
      %dma_wait3A_109 = arith.constant 0 : i32
      %dma_wait3A_110 = tpu.memref_slice %arg4[%arg0, %arg1, %dma_wait3A_108, %dma_wait3A_109] : memref<2x16x80x128xi32, #tpu.memory_space<hbm>> -> memref<1x1x40x128xi32, #tpu.memory_space<hbm>>
      %dma_wait3A_111 = tpu.memref_squeeze %dma_wait3A_110 : memref<1x1x40x128xi32, #tpu.memory_space<hbm>> -> memref<40x128xi32, #tpu.memory_space<hbm>>
      %dma_wait3A_112 = arith.constant 0 : i32
      %dma_wait3A_113 = arith.constant 0 : i32
      %dma_wait3A_114 = tpu.memref_slice %arg4[%arg0, %arg1, %dma_wait3A_112, %dma_wait3A_113] : memref<2x16x80x128xi32, #tpu.memory_space<hbm>> -> memref<1x1x40x128xi32, #tpu.memory_space<hbm>>
      %dma_wait3A_115 = tpu.memref_squeeze %dma_wait3A_114 : memref<1x1x40x128xi32, #tpu.memory_space<hbm>> -> memref<40x128xi32, #tpu.memory_space<hbm>>
      tpu.wait_dma2 semaphore(%run_scoped3A_99 : memref<!tpu.dma_semaphore, #tpu.memory_space<semaphore_mem>>) src(%dma_wait3A_115 : memref<40x128xi32, #tpu.memory_space<hbm>>) dst(%arg8 : memref<40x128xi32, #tpu.memory_space<vmem>>)
      tpu.yield
    }) : () -> ()
    %dma_start3A = arith.constant 0 : i32
    %dma_start3A_10 = arith.constant 0 : i32
    %dma_start3A_11 = tpu.memref_slice %arg7[%dma_start3A, %dma_start3A_10] : memref<40x128xi32, #tpu.memory_space<vmem>> -> memref<1x128xi32, #tpu.memory_space<vmem>>
    %dma_start3A_12 = tpu.memref_squeeze %dma_start3A_11 : memref<1x128xi32, #tpu.memory_space<vmem>> -> memref<128xi32, #tpu.memory_space<vmem>>
    %dma_start3A_13 = arith.constant 0 : i32
    %dma_start3A_14 = arith.constant 0 : i32
    %dma_start3A_15 = tpu.memref_slice %arg2[%dma_start3A_13, %dma_start3A_14] : memref<10240x128xf32, #tpu.memory_space<hbm>> -> memref<10240x128xf32, #tpu.memory_space<hbm>>
    tpu.enqueue_indirect_dma source(%dma_start3A_15 : memref<10240x128xf32, #tpu.memory_space<hbm>>) target(%arg9 : memref<128x128xf32, #tpu.memory_space<vmem>>) offsets(%dma_start3A_12 : memref<128xi32, #tpu.memory_space<vmem>>) semaphore(%arg12 : memref<!tpu.dma_semaphore, #tpu.memory_space<semaphore_mem>>)
    %dma_start3A_16 = arith.constant 1 : i32
    %dma_start3A_17 = arith.constant 0 : i32
    %dma_start3A_18 = tpu.memref_slice %arg7[%dma_start3A_16, %dma_start3A_17] : memref<40x128xi32, #tpu.memory_space<vmem>> -> memref<1x128xi32, #tpu.memory_space<vmem>>
    %dma_start3A_19 = tpu.memref_squeeze %dma_start3A_18 : memref<1x128xi32, #tpu.memory_space<vmem>> -> memref<128xi32, #tpu.memory_space<vmem>>
    %dma_start3A_20 = arith.constant 0 : i32
    %dma_start3A_21 = arith.constant 0 : i32
    %dma_start3A_22 = tpu.memref_slice %arg2[%dma_start3A_20, %dma_start3A_21] : memref<10240x128xf32, #tpu.memory_space<hbm>> -> memref<10240x128xf32, #tpu.memory_space<hbm>>
    tpu.enqueue_indirect_dma source(%dma_start3A_22 : memref<10240x128xf32, #tpu.memory_space<hbm>>) target(%arg10 : memref<128x128xf32, #tpu.memory_space<vmem>>) offsets(%dma_start3A_19 : memref<128xi32, #tpu.memory_space<vmem>>) semaphore(%arg13 : memref<!tpu.dma_semaphore, #tpu.memory_space<semaphore_mem>>)
    %scan3A = arith.constant 0 : i32
    %scan3A_23 = arith.constant 0 : i32
    %scan3A_24 = arith.constant 19 : i32
    %scan3A_25 = arith.addi %scan3A_23, %scan3A_24 : i32
    %scan3A_26 = arith.constant 1 : i32
    scf.for %scan3A_99 = %scan3A_23 to %scan3A_25 step %scan3A_26  : i32 {
      %mul3A_100 = arith.constant 2 : i32
      %mul3A_101 = arith.muli %mul3A_100, %scan3A_99 : i32
      %dma_wait3A_102 = arith.constant 0 : i32
      %dma_wait3A_103 = tpu.memref_slice %arg7[%mul3A_101, %dma_wait3A_102] : memref<40x128xi32, #tpu.memory_space<vmem>> -> memref<1x128xi32, #tpu.memory_space<vmem>>
      %dma_wait3A_104 = tpu.memref_squeeze %dma_wait3A_103 : memref<1x128xi32, #tpu.memory_space<vmem>> -> memref<128xi32, #tpu.memory_space<vmem>>
      %dma_wait3A_105 = arith.constant 0 : i32
      %dma_wait3A_106 = arith.constant 0 : i32
      %dma_wait3A_107 = tpu.memref_slice %arg2[%dma_wait3A_105, %dma_wait3A_106] : memref<10240x128xf32, #tpu.memory_space<hbm>> -> memref<10240x128xf32, #tpu.memory_space<hbm>>
      tpu.wait_indirect_dma semaphore(%arg12 : memref<!tpu.dma_semaphore, #tpu.memory_space<semaphore_mem>>) src(%dma_wait3A_107 : memref<10240x128xf32, #tpu.memory_space<hbm>>) dst(%arg9 : memref<128x128xf32, #tpu.memory_space<vmem>>)
      "tpu.region"() ({
        %run_scoped3A_134 = tpu.sem_alloc : memref<!tpu.dma_semaphore, #tpu.memory_space<semaphore_mem>>
        %dma_start3A_135 = arith.constant 0 : i32
        %dma_start3A_136 = tpu.memref_slice %arg8[%mul3A_101, %dma_start3A_135] : memref<40x128xi32, #tpu.memory_space<vmem>> -> memref<1x128xi32, #tpu.memory_space<vmem>>
        %dma_start3A_137 = tpu.memref_squeeze %dma_start3A_136 : memref<1x128xi32, #tpu.memory_space<vmem>> -> memref<128xi32, #tpu.memory_space<vmem>>
        %dma_start3A_138 = arith.constant 0 : i32
        %dma_start3A_139 = arith.constant 0 : i32
        %dma_start3A_140 = tpu.memref_slice %arg11[%dma_start3A_138, %dma_start3A_139] : memref<10240x128xf32, #tpu.memory_space<vmem_shared>> -> memref<10240x128xf32, #tpu.memory_space<vmem_shared>>
        tpu.enqueue_indirect_dma source(%arg9 : memref<128x128xf32, #tpu.memory_space<vmem>>) target(%dma_start3A_140 : memref<10240x128xf32, #tpu.memory_space<vmem_shared>>) offsets(%dma_start3A_137 : memref<128xi32, #tpu.memory_space<vmem>>) semaphore(%run_scoped3A_134 : memref<!tpu.dma_semaphore, #tpu.memory_space<semaphore_mem>>) {add = true}
        %dma_wait3A_141 = arith.constant 0 : i32
        %dma_wait3A_142 = tpu.memref_slice %arg8[%mul3A_101, %dma_wait3A_141] : memref<40x128xi32, #tpu.memory_space<vmem>> -> memref<1x128xi32, #tpu.memory_space<vmem>>
        %dma_wait3A_143 = tpu.memref_squeeze %dma_wait3A_142 : memref<1x128xi32, #tpu.memory_space<vmem>> -> memref<128xi32, #tpu.memory_space<vmem>>
        %dma_wait3A_144 = arith.constant 0 : i32
        %dma_wait3A_145 = arith.constant 0 : i32
        %dma_wait3A_146 = tpu.memref_slice %arg11[%dma_wait3A_144, %dma_wait3A_145] : memref<10240x128xf32, #tpu.memory_space<vmem_shared>> -> memref<10240x128xf32, #tpu.memory_space<vmem_shared>>
        tpu.wait_indirect_dma semaphore(%run_scoped3A_134 : memref<!tpu.dma_semaphore, #tpu.memory_space<semaphore_mem>>) src(%arg9 : memref<128x128xf32, #tpu.memory_space<vmem>>) dst(%dma_wait3A_146 : memref<10240x128xf32, #tpu.memory_space<vmem_shared>>)
        tpu.yield
      }) : () -> ()
      %add3A_108 = arith.constant 2 : i32
      %add3A_109 = arith.addi %mul3A_101, %add3A_108 : i32
      %dma_start3A_110 = arith.constant 0 : i32
      %dma_start3A_111 = tpu.memref_slice %arg7[%add3A_109, %dma_start3A_110] : memref<40x128xi32, #tpu.memory_space<vmem>> -> memref<1x128xi32, #tpu.memory_space<vmem>>
      %dma_start3A_112 = tpu.memref_squeeze %dma_start3A_111 : memref<1x128xi32, #tpu.memory_space<vmem>> -> memref<128xi32, #tpu.memory_space<vmem>>
      %dma_start3A_113 = arith.constant 0 : i32
      %dma_start3A_114 = arith.constant 0 : i32
      %dma_start3A_115 = tpu.memref_slice %arg2[%dma_start3A_113, %dma_start3A_114] : memref<10240x128xf32, #tpu.memory_space<hbm>> -> memref<10240x128xf32, #tpu.memory_space<hbm>>
      tpu.enqueue_indirect_dma source(%dma_start3A_115 : memref<10240x128xf32, #tpu.memory_space<hbm>>) target(%arg9 : memref<128x128xf32, #tpu.memory_space<vmem>>) offsets(%dma_start3A_112 : memref<128xi32, #tpu.memory_space<vmem>>) semaphore(%arg12 : memref<!tpu.dma_semaphore, #tpu.memory_space<semaphore_mem>>)
      %add3A_116 = arith.constant 1 : i32
      %add3A_117 = arith.addi %mul3A_101, %add3A_116 : i32
      %dma_wait3A_118 = arith.constant 0 : i32
      %dma_wait3A_119 = tpu.memref_slice %arg7[%add3A_117, %dma_wait3A_118] : memref<40x128xi32, #tpu.memory_space<vmem>> -> memref<1x128xi32, #tpu.memory_space<vmem>>
      %dma_wait3A_120 = tpu.memref_squeeze %dma_wait3A_119 : memref<1x128xi32, #tpu.memory_space<vmem>> -> memref<128xi32, #tpu.memory_space<vmem>>
      %dma_wait3A_121 = arith.constant 0 : i32
      %dma_wait3A_122 = arith.constant 0 : i32
      %dma_wait3A_123 = tpu.memref_slice %arg2[%dma_wait3A_121, %dma_wait3A_122] : memref<10240x128xf32, #tpu.memory_space<hbm>> -> memref<10240x128xf32, #tpu.memory_space<hbm>>
      tpu.wait_indirect_dma semaphore(%arg13 : memref<!tpu.dma_semaphore, #tpu.memory_space<semaphore_mem>>) src(%dma_wait3A_123 : memref<10240x128xf32, #tpu.memory_space<hbm>>) dst(%arg10 : memref<128x128xf32, #tpu.memory_space<vmem>>)
      %add3A_124 = arith.constant 1 : i32
      %add3A_125 = arith.addi %mul3A_101, %add3A_124 : i32
      "tpu.region"() ({
        %run_scoped3A_134 = tpu.sem_alloc : memref<!tpu.dma_semaphore, #tpu.memory_space<semaphore_mem>>
        %dma_start3A_135 = arith.constant 0 : i32
        %dma_start3A_136 = tpu.memref_slice %arg8[%add3A_125, %dma_start3A_135] : memref<40x128xi32, #tpu.memory_space<vmem>> -> memref<1x128xi32, #tpu.memory_space<vmem>>
        %dma_start3A_137 = tpu.memref_squeeze %dma_start3A_136 : memref<1x128xi32, #tpu.memory_space<vmem>> -> memref<128xi32, #tpu.memory_space<vmem>>
        %dma_start3A_138 = arith.constant 0 : i32
        %dma_start3A_139 = arith.constant 0 : i32
        %dma_start3A_140 = tpu.memref_slice %arg11[%dma_start3A_138, %dma_start3A_139] : memref<10240x128xf32, #tpu.memory_space<vmem_shared>> -> memref<10240x128xf32, #tpu.memory_space<vmem_shared>>
        tpu.enqueue_indirect_dma source(%arg10 : memref<128x128xf32, #tpu.memory_space<vmem>>) target(%dma_start3A_140 : memref<10240x128xf32, #tpu.memory_space<vmem_shared>>) offsets(%dma_start3A_137 : memref<128xi32, #tpu.memory_space<vmem>>) semaphore(%run_scoped3A_134 : memref<!tpu.dma_semaphore, #tpu.memory_space<semaphore_mem>>) {add = true}
        %dma_wait3A_141 = arith.constant 0 : i32
        %dma_wait3A_142 = tpu.memref_slice %arg8[%add3A_125, %dma_wait3A_141] : memref<40x128xi32, #tpu.memory_space<vmem>> -> memref<1x128xi32, #tpu.memory_space<vmem>>
        %dma_wait3A_143 = tpu.memref_squeeze %dma_wait3A_142 : memref<1x128xi32, #tpu.memory_space<vmem>> -> memref<128xi32, #tpu.memory_space<vmem>>
        %dma_wait3A_144 = arith.constant 0 : i32
        %dma_wait3A_145 = arith.constant 0 : i32
        %dma_wait3A_146 = tpu.memref_slice %arg11[%dma_wait3A_144, %dma_wait3A_145] : memref<10240x128xf32, #tpu.memory_space<vmem_shared>> -> memref<10240x128xf32, #tpu.memory_space<vmem_shared>>
        tpu.wait_indirect_dma semaphore(%run_scoped3A_134 : memref<!tpu.dma_semaphore, #tpu.memory_space<semaphore_mem>>) src(%arg10 : memref<128x128xf32, #tpu.memory_space<vmem>>) dst(%dma_wait3A_146 : memref<10240x128xf32, #tpu.memory_space<vmem_shared>>)
        tpu.yield
      }) : () -> ()
      %add3A_126 = arith.constant 3 : i32
      %add3A_127 = arith.addi %mul3A_101, %add3A_126 : i32
      %dma_start3A_128 = arith.constant 0 : i32
      %dma_start3A_129 = tpu.memref_slice %arg7[%add3A_127, %dma_start3A_128] : memref<40x128xi32, #tpu.memory_space<vmem>> -> memref<1x128xi32, #tpu.memory_space<vmem>>
      %dma_start3A_130 = tpu.memref_squeeze %dma_start3A_129 : memref<1x128xi32, #tpu.memory_space<vmem>> -> memref<128xi32, #tpu.memory_space<vmem>>
      %dma_start3A_131 = arith.constant 0 : i32
      %dma_start3A_132 = arith.constant 0 : i32
      %dma_start3A_133 = tpu.memref_slice %arg2[%dma_start3A_131, %dma_start3A_132] : memref<10240x128xf32, #tpu.memory_space<hbm>> -> memref<10240x128xf32, #tpu.memory_space<hbm>>
      tpu.enqueue_indirect_dma source(%dma_start3A_133 : memref<10240x128xf32, #tpu.memory_space<hbm>>) target(%arg10 : memref<128x128xf32, #tpu.memory_space<vmem>>) offsets(%dma_start3A_130 : memref<128xi32, #tpu.memory_space<vmem>>) semaphore(%arg13 : memref<!tpu.dma_semaphore, #tpu.memory_space<semaphore_mem>>)
    }
    %scan3A_27 = arith.constant 19 : i32
    %dma_wait3A = arith.constant 38 : i32
    %dma_wait3A_28 = arith.constant 0 : i32
    %dma_wait3A_29 = tpu.memref_slice %arg7[%dma_wait3A, %dma_wait3A_28] : memref<40x128xi32, #tpu.memory_space<vmem>> -> memref<1x128xi32, #tpu.memory_space<vmem>>
    %dma_wait3A_30 = tpu.memref_squeeze %dma_wait3A_29 : memref<1x128xi32, #tpu.memory_space<vmem>> -> memref<128xi32, #tpu.memory_space<vmem>>
    %dma_wait3A_31 = arith.constant 0 : i32
    %dma_wait3A_32 = arith.constant 0 : i32
    %dma_wait3A_33 = tpu.memref_slice %arg2[%dma_wait3A_31, %dma_wait3A_32] : memref<10240x128xf32, #tpu.memory_space<hbm>> -> memref<10240x128xf32, #tpu.memory_space<hbm>>
    tpu.wait_indirect_dma semaphore(%arg12 : memref<!tpu.dma_semaphore, #tpu.memory_space<semaphore_mem>>) src(%dma_wait3A_33 : memref<10240x128xf32, #tpu.memory_space<hbm>>) dst(%arg9 : memref<128x128xf32, #tpu.memory_space<vmem>>)
    %run_scoped3A = arith.constant 38 : i32
    "tpu.region"() ({
      %run_scoped3A_99 = tpu.sem_alloc : memref<!tpu.dma_semaphore, #tpu.memory_space<semaphore_mem>>
      %dma_start3A_100 = arith.constant 0 : i32
      %dma_start3A_101 = tpu.memref_slice %arg8[%run_scoped3A, %dma_start3A_100] : memref<40x128xi32, #tpu.memory_space<vmem>> -> memref<1x128xi32, #tpu.memory_space<vmem>>
      %dma_start3A_102 = tpu.memref_squeeze %dma_start3A_101 : memref<1x128xi32, #tpu.memory_space<vmem>> -> memref<128xi32, #tpu.memory_space<vmem>>
      %dma_start3A_103 = arith.constant 0 : i32
      %dma_start3A_104 = arith.constant 0 : i32
      %dma_start3A_105 = tpu.memref_slice %arg11[%dma_start3A_103, %dma_start3A_104] : memref<10240x128xf32, #tpu.memory_space<vmem_shared>> -> memref<10240x128xf32, #tpu.memory_space<vmem_shared>>
      tpu.enqueue_indirect_dma source(%arg9 : memref<128x128xf32, #tpu.memory_space<vmem>>) target(%dma_start3A_105 : memref<10240x128xf32, #tpu.memory_space<vmem_shared>>) offsets(%dma_start3A_102 : memref<128xi32, #tpu.memory_space<vmem>>) semaphore(%run_scoped3A_99 : memref<!tpu.dma_semaphore, #tpu.memory_space<semaphore_mem>>) {add = true}
      %dma_wait3A_106 = arith.constant 0 : i32
      %dma_wait3A_107 = tpu.memref_slice %arg8[%run_scoped3A, %dma_wait3A_106] : memref<40x128xi32, #tpu.memory_space<vmem>> -> memref<1x128xi32, #tpu.memory_space<vmem>>
      %dma_wait3A_108 = tpu.memref_squeeze %dma_wait3A_107 : memref<1x128xi32, #tpu.memory_space<vmem>> -> memref<128xi32, #tpu.memory_space<vmem>>
      %dma_wait3A_109 = arith.constant 0 : i32
      %dma_wait3A_110 = arith.constant 0 : i32
      %dma_wait3A_111 = tpu.memref_slice %arg11[%dma_wait3A_109, %dma_wait3A_110] : memref<10240x128xf32, #tpu.memory_space<vmem_shared>> -> memref<10240x128xf32, #tpu.memory_space<vmem_shared>>
      tpu.wait_indirect_dma semaphore(%run_scoped3A_99 : memref<!tpu.dma_semaphore, #tpu.memory_space<semaphore_mem>>) src(%arg9 : memref<128x128xf32, #tpu.memory_space<vmem>>) dst(%dma_wait3A_111 : memref<10240x128xf32, #tpu.memory_space<vmem_shared>>)
      tpu.yield
    }) : () -> ()
    %dma_wait3A_34 = arith.constant 39 : i32
    %dma_wait3A_35 = arith.constant 0 : i32
    %dma_wait3A_36 = tpu.memref_slice %arg7[%dma_wait3A_34, %dma_wait3A_35] : memref<40x128xi32, #tpu.memory_space<vmem>> -> memref<1x128xi32, #tpu.memory_space<vmem>>
    %dma_wait3A_37 = tpu.memref_squeeze %dma_wait3A_36 : memref<1x128xi32, #tpu.memory_space<vmem>> -> memref<128xi32, #tpu.memory_space<vmem>>
    %dma_wait3A_38 = arith.constant 0 : i32
    %dma_wait3A_39 = arith.constant 0 : i32
    %dma_wait3A_40 = tpu.memref_slice %arg2[%dma_wait3A_38, %dma_wait3A_39] : memref<10240x128xf32, #tpu.memory_space<hbm>> -> memref<10240x128xf32, #tpu.memory_space<hbm>>
    tpu.wait_indirect_dma semaphore(%arg13 : memref<!tpu.dma_semaphore, #tpu.memory_space<semaphore_mem>>) src(%dma_wait3A_40 : memref<10240x128xf32, #tpu.memory_space<hbm>>) dst(%arg10 : memref<128x128xf32, #tpu.memory_space<vmem>>)
    %run_scoped3A_41 = arith.constant 39 : i32
    "tpu.region"() ({
      %run_scoped3A_99 = tpu.sem_alloc : memref<!tpu.dma_semaphore, #tpu.memory_space<semaphore_mem>>
      %dma_start3A_100 = arith.constant 0 : i32
      %dma_start3A_101 = tpu.memref_slice %arg8[%run_scoped3A_41, %dma_start3A_100] : memref<40x128xi32, #tpu.memory_space<vmem>> -> memref<1x128xi32, #tpu.memory_space<vmem>>
      %dma_start3A_102 = tpu.memref_squeeze %dma_start3A_101 : memref<1x128xi32, #tpu.memory_space<vmem>> -> memref<128xi32, #tpu.memory_space<vmem>>
      %dma_start3A_103 = arith.constant 0 : i32
      %dma_start3A_104 = arith.constant 0 : i32
      %dma_start3A_105 = tpu.memref_slice %arg11[%dma_start3A_103, %dma_start3A_104] : memref<10240x128xf32, #tpu.memory_space<vmem_shared>> -> memref<10240x128xf32, #tpu.memory_space<vmem_shared>>
      tpu.enqueue_indirect_dma source(%arg10 : memref<128x128xf32, #tpu.memory_space<vmem>>) target(%dma_start3A_105 : memref<10240x128xf32, #tpu.memory_space<vmem_shared>>) offsets(%dma_start3A_102 : memref<128xi32, #tpu.memory_space<vmem>>) semaphore(%run_scoped3A_99 : memref<!tpu.dma_semaphore, #tpu.memory_space<semaphore_mem>>) {add = true}
      %dma_wait3A_106 = arith.constant 0 : i32
      %dma_wait3A_107 = tpu.memref_slice %arg8[%run_scoped3A_41, %dma_wait3A_106] : memref<40x128xi32, #tpu.memory_space<vmem>> -> memref<1x128xi32, #tpu.memory_space<vmem>>
      %dma_wait3A_108 = tpu.memref_squeeze %dma_wait3A_107 : memref<1x128xi32, #tpu.memory_space<vmem>> -> memref<128xi32, #tpu.memory_space<vmem>>
      %dma_wait3A_109 = arith.constant 0 : i32
      %dma_wait3A_110 = arith.constant 0 : i32
      %dma_wait3A_111 = tpu.memref_slice %arg11[%dma_wait3A_109, %dma_wait3A_110] : memref<10240x128xf32, #tpu.memory_space<vmem_shared>> -> memref<10240x128xf32, #tpu.memory_space<vmem_shared>>
      tpu.wait_indirect_dma semaphore(%run_scoped3A_99 : memref<!tpu.dma_semaphore, #tpu.memory_space<semaphore_mem>>) src(%arg10 : memref<128x128xf32, #tpu.memory_space<vmem>>) dst(%dma_wait3A_111 : memref<10240x128xf32, #tpu.memory_space<vmem_shared>>)
      tpu.yield
    }) : () -> ()
    "tpu.region"() ({
      %run_scoped3A_99 = tpu.sem_alloc : memref<!tpu.dma_semaphore, #tpu.memory_space<semaphore_mem>>
      %dma_start3A_100 = arith.constant 40 : i32
      %dma_start3A_101 = arith.constant 0 : i32
      %dma_start3A_102 = tpu.memref_slice %arg3[%arg0, %arg1, %dma_start3A_100, %dma_start3A_101] : memref<2x16x80x128xi32, #tpu.memory_space<hbm>> -> memref<1x1x40x128xi32, #tpu.memory_space<hbm>>
      %dma_start3A_103 = tpu.memref_squeeze %dma_start3A_102 : memref<1x1x40x128xi32, #tpu.memory_space<hbm>> -> memref<40x128xi32, #tpu.memory_space<hbm>>
      %dma_start3A_104 = arith.constant 40 : i32
      %dma_start3A_105 = arith.constant 0 : i32
      %dma_start3A_106 = tpu.memref_slice %arg3[%arg0, %arg1, %dma_start3A_104, %dma_start3A_105] : memref<2x16x80x128xi32, #tpu.memory_space<hbm>> -> memref<1x1x40x128xi32, #tpu.memory_space<hbm>>
      %dma_start3A_107 = tpu.memref_squeeze %dma_start3A_106 : memref<1x1x40x128xi32, #tpu.memory_space<hbm>> -> memref<40x128xi32, #tpu.memory_space<hbm>>
      tpu.enqueue_dma source(%dma_start3A_107 : memref<40x128xi32, #tpu.memory_space<hbm>>) target(%arg7 : memref<40x128xi32, #tpu.memory_space<vmem>>) target_semaphore(%run_scoped3A_99 : memref<!tpu.dma_semaphore, #tpu.memory_space<semaphore_mem>>)
      %dma_wait3A_108 = arith.constant 40 : i32
      %dma_wait3A_109 = arith.constant 0 : i32
      %dma_wait3A_110 = tpu.memref_slice %arg3[%arg0, %arg1, %dma_wait3A_108, %dma_wait3A_109] : memref<2x16x80x128xi32, #tpu.memory_space<hbm>> -> memref<1x1x40x128xi32, #tpu.memory_space<hbm>>
      %dma_wait3A_111 = tpu.memref_squeeze %dma_wait3A_110 : memref<1x1x40x128xi32, #tpu.memory_space<hbm>> -> memref<40x128xi32, #tpu.memory_space<hbm>>
      %dma_wait3A_112 = arith.constant 40 : i32
      %dma_wait3A_113 = arith.constant 0 : i32
      %dma_wait3A_114 = tpu.memref_slice %arg3[%arg0, %arg1, %dma_wait3A_112, %dma_wait3A_113] : memref<2x16x80x128xi32, #tpu.memory_space<hbm>> -> memref<1x1x40x128xi32, #tpu.memory_space<hbm>>
      %dma_wait3A_115 = tpu.memref_squeeze %dma_wait3A_114 : memref<1x1x40x128xi32, #tpu.memory_space<hbm>> -> memref<40x128xi32, #tpu.memory_space<hbm>>
      tpu.wait_dma2 semaphore(%run_scoped3A_99 : memref<!tpu.dma_semaphore, #tpu.memory_space<semaphore_mem>>) src(%dma_wait3A_115 : memref<40x128xi32, #tpu.memory_space<hbm>>) dst(%arg7 : memref<40x128xi32, #tpu.memory_space<vmem>>)
      tpu.yield
    }) : () -> ()
    "tpu.region"() ({
      %run_scoped3A_99 = tpu.sem_alloc : memref<!tpu.dma_semaphore, #tpu.memory_space<semaphore_mem>>
      %dma_start3A_100 = arith.constant 40 : i32
      %dma_start3A_101 = arith.constant 0 : i32
      %dma_start3A_102 = tpu.memref_slice %arg4[%arg0, %arg1, %dma_start3A_100, %dma_start3A_101] : memref<2x16x80x128xi32, #tpu.memory_space<hbm>> -> memref<1x1x40x128xi32, #tpu.memory_space<hbm>>
      %dma_start3A_103 = tpu.memref_squeeze %dma_start3A_102 : memref<1x1x40x128xi32, #tpu.memory_space<hbm>> -> memref<40x128xi32, #tpu.memory_space<hbm>>
      %dma_start3A_104 = arith.constant 40 : i32
      %dma_start3A_105 = arith.constant 0 : i32
      %dma_start3A_106 = tpu.memref_slice %arg4[%arg0, %arg1, %dma_start3A_104, %dma_start3A_105] : memref<2x16x80x128xi32, #tpu.memory_space<hbm>> -> memref<1x1x40x128xi32, #tpu.memory_space<hbm>>
      %dma_start3A_107 = tpu.memref_squeeze %dma_start3A_106 : memref<1x1x40x128xi32, #tpu.memory_space<hbm>> -> memref<40x128xi32, #tpu.memory_space<hbm>>
      tpu.enqueue_dma source(%dma_start3A_107 : memref<40x128xi32, #tpu.memory_space<hbm>>) target(%arg8 : memref<40x128xi32, #tpu.memory_space<vmem>>) target_semaphore(%run_scoped3A_99 : memref<!tpu.dma_semaphore, #tpu.memory_space<semaphore_mem>>)
      %dma_wait3A_108 = arith.constant 40 : i32
      %dma_wait3A_109 = arith.constant 0 : i32
      %dma_wait3A_110 = tpu.memref_slice %arg4[%arg0, %arg1, %dma_wait3A_108, %dma_wait3A_109] : memref<2x16x80x128xi32, #tpu.memory_space<hbm>> -> memref<1x1x40x128xi32, #tpu.memory_space<hbm>>
      %dma_wait3A_111 = tpu.memref_squeeze %dma_wait3A_110 : memref<1x1x40x128xi32, #tpu.memory_space<hbm>> -> memref<40x128xi32, #tpu.memory_space<hbm>>
      %dma_wait3A_112 = arith.constant 40 : i32
      %dma_wait3A_113 = arith.constant 0 : i32
      %dma_wait3A_114 = tpu.memref_slice %arg4[%arg0, %arg1, %dma_wait3A_112, %dma_wait3A_113] : memref<2x16x80x128xi32, #tpu.memory_space<hbm>> -> memref<1x1x40x128xi32, #tpu.memory_space<hbm>>
      %dma_wait3A_115 = tpu.memref_squeeze %dma_wait3A_114 : memref<1x1x40x128xi32, #tpu.memory_space<hbm>> -> memref<40x128xi32, #tpu.memory_space<hbm>>
      tpu.wait_dma2 semaphore(%run_scoped3A_99 : memref<!tpu.dma_semaphore, #tpu.memory_space<semaphore_mem>>) src(%dma_wait3A_115 : memref<40x128xi32, #tpu.memory_space<hbm>>) dst(%arg8 : memref<40x128xi32, #tpu.memory_space<vmem>>)
      tpu.yield
    }) : () -> ()
    %dma_start3A_42 = arith.constant 0 : i32
    %dma_start3A_43 = arith.constant 0 : i32
    %dma_start3A_44 = tpu.memref_slice %arg7[%dma_start3A_42, %dma_start3A_43] : memref<40x128xi32, #tpu.memory_space<vmem>> -> memref<1x128xi32, #tpu.memory_space<vmem>>
    %dma_start3A_45 = tpu.memref_squeeze %dma_start3A_44 : memref<1x128xi32, #tpu.memory_space<vmem>> -> memref<128xi32, #tpu.memory_space<vmem>>
    %dma_start3A_46 = arith.constant 0 : i32
    %dma_start3A_47 = arith.constant 0 : i32
    %dma_start3A_48 = tpu.memref_slice %arg2[%dma_start3A_46, %dma_start3A_47] : memref<10240x128xf32, #tpu.memory_space<hbm>> -> memref<10240x128xf32, #tpu.memory_space<hbm>>
    tpu.enqueue_indirect_dma source(%dma_start3A_48 : memref<10240x128xf32, #tpu.memory_space<hbm>>) target(%arg9 : memref<128x128xf32, #tpu.memory_space<vmem>>) offsets(%dma_start3A_45 : memref<128xi32, #tpu.memory_space<vmem>>) semaphore(%arg12 : memref<!tpu.dma_semaphore, #tpu.memory_space<semaphore_mem>>)
    %dma_start3A_49 = arith.constant 1 : i32
    %dma_start3A_50 = arith.constant 0 : i32
    %dma_start3A_51 = tpu.memref_slice %arg7[%dma_start3A_49, %dma_start3A_50] : memref<40x128xi32, #tpu.memory_space<vmem>> -> memref<1x128xi32, #tpu.memory_space<vmem>>
    %dma_start3A_52 = tpu.memref_squeeze %dma_start3A_51 : memref<1x128xi32, #tpu.memory_space<vmem>> -> memref<128xi32, #tpu.memory_space<vmem>>
    %dma_start3A_53 = arith.constant 0 : i32
    %dma_start3A_54 = arith.constant 0 : i32
    %dma_start3A_55 = tpu.memref_slice %arg2[%dma_start3A_53, %dma_start3A_54] : memref<10240x128xf32, #tpu.memory_space<hbm>> -> memref<10240x128xf32, #tpu.memory_space<hbm>>
    tpu.enqueue_indirect_dma source(%dma_start3A_55 : memref<10240x128xf32, #tpu.memory_space<hbm>>) target(%arg10 : memref<128x128xf32, #tpu.memory_space<vmem>>) offsets(%dma_start3A_52 : memref<128xi32, #tpu.memory_space<vmem>>) semaphore(%arg13 : memref<!tpu.dma_semaphore, #tpu.memory_space<semaphore_mem>>)
    %scan3A_56 = arith.constant 0 : i32
    %scan3A_57 = arith.constant 0 : i32
    %scan3A_58 = arith.constant 19 : i32
    %scan3A_59 = arith.addi %scan3A_57, %scan3A_58 : i32
    %scan3A_60 = arith.constant 1 : i32
    scf.for %scan3A_99 = %scan3A_57 to %scan3A_59 step %scan3A_60  : i32 {
      %mul3A_100 = arith.constant 2 : i32
      %mul3A_101 = arith.muli %mul3A_100, %scan3A_99 : i32
      %dma_wait3A_102 = arith.constant 0 : i32
      %dma_wait3A_103 = tpu.memref_slice %arg7[%mul3A_101, %dma_wait3A_102] : memref<40x128xi32, #tpu.memory_space<vmem>> -> memref<1x128xi32, #tpu.memory_space<vmem>>
      %dma_wait3A_104 = tpu.memref_squeeze %dma_wait3A_103 : memref<1x128xi32, #tpu.memory_space<vmem>> -> memref<128xi32, #tpu.memory_space<vmem>>
      %dma_wait3A_105 = arith.constant 0 : i32
      %dma_wait3A_106 = arith.constant 0 : i32
      %dma_wait3A_107 = tpu.memref_slice %arg2[%dma_wait3A_105, %dma_wait3A_106] : memref<10240x128xf32, #tpu.memory_space<hbm>> -> memref<10240x128xf32, #tpu.memory_space<hbm>>
      tpu.wait_indirect_dma semaphore(%arg12 : memref<!tpu.dma_semaphore, #tpu.memory_space<semaphore_mem>>) src(%dma_wait3A_107 : memref<10240x128xf32, #tpu.memory_space<hbm>>) dst(%arg9 : memref<128x128xf32, #tpu.memory_space<vmem>>)
      "tpu.region"() ({
        %run_scoped3A_134 = tpu.sem_alloc : memref<!tpu.dma_semaphore, #tpu.memory_space<semaphore_mem>>
        %dma_start3A_135 = arith.constant 0 : i32
        %dma_start3A_136 = tpu.memref_slice %arg8[%mul3A_101, %dma_start3A_135] : memref<40x128xi32, #tpu.memory_space<vmem>> -> memref<1x128xi32, #tpu.memory_space<vmem>>
        %dma_start3A_137 = tpu.memref_squeeze %dma_start3A_136 : memref<1x128xi32, #tpu.memory_space<vmem>> -> memref<128xi32, #tpu.memory_space<vmem>>
        %dma_start3A_138 = arith.constant 0 : i32
        %dma_start3A_139 = arith.constant 0 : i32
        %dma_start3A_140 = tpu.memref_slice %arg11[%dma_start3A_138, %dma_start3A_139] : memref<10240x128xf32, #tpu.memory_space<vmem_shared>> -> memref<10240x128xf32, #tpu.memory_space<vmem_shared>>
        tpu.enqueue_indirect_dma source(%arg9 : memref<128x128xf32, #tpu.memory_space<vmem>>) target(%dma_start3A_140 : memref<10240x128xf32, #tpu.memory_space<vmem_shared>>) offsets(%dma_start3A_137 : memref<128xi32, #tpu.memory_space<vmem>>) semaphore(%run_scoped3A_134 : memref<!tpu.dma_semaphore, #tpu.memory_space<semaphore_mem>>) {add = true}
        %dma_wait3A_141 = arith.constant 0 : i32
        %dma_wait3A_142 = tpu.memref_slice %arg8[%mul3A_101, %dma_wait3A_141] : memref<40x128xi32, #tpu.memory_space<vmem>> -> memref<1x128xi32, #tpu.memory_space<vmem>>
        %dma_wait3A_143 = tpu.memref_squeeze %dma_wait3A_142 : memref<1x128xi32, #tpu.memory_space<vmem>> -> memref<128xi32, #tpu.memory_space<vmem>>
        %dma_wait3A_144 = arith.constant 0 : i32
        %dma_wait3A_145 = arith.constant 0 : i32
        %dma_wait3A_146 = tpu.memref_slice %arg11[%dma_wait3A_144, %dma_wait3A_145] : memref<10240x128xf32, #tpu.memory_space<vmem_shared>> -> memref<10240x128xf32, #tpu.memory_space<vmem_shared>>
        tpu.wait_indirect_dma semaphore(%run_scoped3A_134 : memref<!tpu.dma_semaphore, #tpu.memory_space<semaphore_mem>>) src(%arg9 : memref<128x128xf32, #tpu.memory_space<vmem>>) dst(%dma_wait3A_146 : memref<10240x128xf32, #tpu.memory_space<vmem_shared>>)
        tpu.yield
      }) : () -> ()
      %add3A_108 = arith.constant 2 : i32
      %add3A_109 = arith.addi %mul3A_101, %add3A_108 : i32
      %dma_start3A_110 = arith.constant 0 : i32
      %dma_start3A_111 = tpu.memref_slice %arg7[%add3A_109, %dma_start3A_110] : memref<40x128xi32, #tpu.memory_space<vmem>> -> memref<1x128xi32, #tpu.memory_space<vmem>>
      %dma_start3A_112 = tpu.memref_squeeze %dma_start3A_111 : memref<1x128xi32, #tpu.memory_space<vmem>> -> memref<128xi32, #tpu.memory_space<vmem>>
      %dma_start3A_113 = arith.constant 0 : i32
      %dma_start3A_114 = arith.constant 0 : i32
      %dma_start3A_115 = tpu.memref_slice %arg2[%dma_start3A_113, %dma_start3A_114] : memref<10240x128xf32, #tpu.memory_space<hbm>> -> memref<10240x128xf32, #tpu.memory_space<hbm>>
      tpu.enqueue_indirect_dma source(%dma_start3A_115 : memref<10240x128xf32, #tpu.memory_space<hbm>>) target(%arg9 : memref<128x128xf32, #tpu.memory_space<vmem>>) offsets(%dma_start3A_112 : memref<128xi32, #tpu.memory_space<vmem>>) semaphore(%arg12 : memref<!tpu.dma_semaphore, #tpu.memory_space<semaphore_mem>>)
      %add3A_116 = arith.constant 1 : i32
      %add3A_117 = arith.addi %mul3A_101, %add3A_116 : i32
      %dma_wait3A_118 = arith.constant 0 : i32
      %dma_wait3A_119 = tpu.memref_slice %arg7[%add3A_117, %dma_wait3A_118] : memref<40x128xi32, #tpu.memory_space<vmem>> -> memref<1x128xi32, #tpu.memory_space<vmem>>
      %dma_wait3A_120 = tpu.memref_squeeze %dma_wait3A_119 : memref<1x128xi32, #tpu.memory_space<vmem>> -> memref<128xi32, #tpu.memory_space<vmem>>
      %dma_wait3A_121 = arith.constant 0 : i32
      %dma_wait3A_122 = arith.constant 0 : i32
      %dma_wait3A_123 = tpu.memref_slice %arg2[%dma_wait3A_121, %dma_wait3A_122] : memref<10240x128xf32, #tpu.memory_space<hbm>> -> memref<10240x128xf32, #tpu.memory_space<hbm>>
      tpu.wait_indirect_dma semaphore(%arg13 : memref<!tpu.dma_semaphore, #tpu.memory_space<semaphore_mem>>) src(%dma_wait3A_123 : memref<10240x128xf32, #tpu.memory_space<hbm>>) dst(%arg10 : memref<128x128xf32, #tpu.memory_space<vmem>>)
      %add3A_124 = arith.constant 1 : i32
      %add3A_125 = arith.addi %mul3A_101, %add3A_124 : i32
      "tpu.region"() ({
        %run_scoped3A_134 = tpu.sem_alloc : memref<!tpu.dma_semaphore, #tpu.memory_space<semaphore_mem>>
        %dma_start3A_135 = arith.constant 0 : i32
        %dma_start3A_136 = tpu.memref_slice %arg8[%add3A_125, %dma_start3A_135] : memref<40x128xi32, #tpu.memory_space<vmem>> -> memref<1x128xi32, #tpu.memory_space<vmem>>
        %dma_start3A_137 = tpu.memref_squeeze %dma_start3A_136 : memref<1x128xi32, #tpu.memory_space<vmem>> -> memref<128xi32, #tpu.memory_space<vmem>>
        %dma_start3A_138 = arith.constant 0 : i32
        %dma_start3A_139 = arith.constant 0 : i32
        %dma_start3A_140 = tpu.memref_slice %arg11[%dma_start3A_138, %dma_start3A_139] : memref<10240x128xf32, #tpu.memory_space<vmem_shared>> -> memref<10240x128xf32, #tpu.memory_space<vmem_shared>>
        tpu.enqueue_indirect_dma source(%arg10 : memref<128x128xf32, #tpu.memory_space<vmem>>) target(%dma_start3A_140 : memref<10240x128xf32, #tpu.memory_space<vmem_shared>>) offsets(%dma_start3A_137 : memref<128xi32, #tpu.memory_space<vmem>>) semaphore(%run_scoped3A_134 : memref<!tpu.dma_semaphore, #tpu.memory_space<semaphore_mem>>) {add = true}
        %dma_wait3A_141 = arith.constant 0 : i32
        %dma_wait3A_142 = tpu.memref_slice %arg8[%add3A_125, %dma_wait3A_141] : memref<40x128xi32, #tpu.memory_space<vmem>> -> memref<1x128xi32, #tpu.memory_space<vmem>>
        %dma_wait3A_143 = tpu.memref_squeeze %dma_wait3A_142 : memref<1x128xi32, #tpu.memory_space<vmem>> -> memref<128xi32, #tpu.memory_space<vmem>>
        %dma_wait3A_144 = arith.constant 0 : i32
        %dma_wait3A_145 = arith.constant 0 : i32
        %dma_wait3A_146 = tpu.memref_slice %arg11[%dma_wait3A_144, %dma_wait3A_145] : memref<10240x128xf32, #tpu.memory_space<vmem_shared>> -> memref<10240x128xf32, #tpu.memory_space<vmem_shared>>
        tpu.wait_indirect_dma semaphore(%run_scoped3A_134 : memref<!tpu.dma_semaphore, #tpu.memory_space<semaphore_mem>>) src(%arg10 : memref<128x128xf32, #tpu.memory_space<vmem>>) dst(%dma_wait3A_146 : memref<10240x128xf32, #tpu.memory_space<vmem_shared>>)
        tpu.yield
      }) : () -> ()
      %add3A_126 = arith.constant 3 : i32
      %add3A_127 = arith.addi %mul3A_101, %add3A_126 : i32
      %dma_start3A_128 = arith.constant 0 : i32
      %dma_start3A_129 = tpu.memref_slice %arg7[%add3A_127, %dma_start3A_128] : memref<40x128xi32, #tpu.memory_space<vmem>> -> memref<1x128xi32, #tpu.memory_space<vmem>>
      %dma_start3A_130 = tpu.memref_squeeze %dma_start3A_129 : memref<1x128xi32, #tpu.memory_space<vmem>> -> memref<128xi32, #tpu.memory_space<vmem>>
      %dma_start3A_131 = arith.constant 0 : i32
      %dma_start3A_132 = arith.constant 0 : i32
      %dma_start3A_133 = tpu.memref_slice %arg2[%dma_start3A_131, %dma_start3A_132] : memref<10240x128xf32, #tpu.memory_space<hbm>> -> memref<10240x128xf32, #tpu.memory_space<hbm>>
      tpu.enqueue_indirect_dma source(%dma_start3A_133 : memref<10240x128xf32, #tpu.memory_space<hbm>>) target(%arg10 : memref<128x128xf32, #tpu.memory_space<vmem>>) offsets(%dma_start3A_130 : memref<128xi32, #tpu.memory_space<vmem>>) semaphore(%arg13 : memref<!tpu.dma_semaphore, #tpu.memory_space<semaphore_mem>>)
    }
    %scan3A_61 = arith.constant 19 : i32
    %dma_wait3A_62 = arith.constant 38 : i32
    %dma_wait3A_63 = arith.constant 0 : i32
    %dma_wait3A_64 = tpu.memref_slice %arg7[%dma_wait3A_62, %dma_wait3A_63] : memref<40x128xi32, #tpu.memory_space<vmem>> -> memref<1x128xi32, #tpu.memory_space<vmem>>
    %dma_wait3A_65 = tpu.memref_squeeze %dma_wait3A_64 : memref<1x128xi32, #tpu.memory_space<vmem>> -> memref<128xi32, #tpu.memory_space<vmem>>
    %dma_wait3A_66 = arith.constant 0 : i32
    %dma_wait3A_67 = arith.constant 0 : i32
    %dma_wait3A_68 = tpu.memref_slice %arg2[%dma_wait3A_66, %dma_wait3A_67] : memref<10240x128xf32, #tpu.memory_space<hbm>> -> memref<10240x128xf32, #tpu.memory_space<hbm>>
    tpu.wait_indirect_dma semaphore(%arg12 : memref<!tpu.dma_semaphore, #tpu.memory_space<semaphore_mem>>) src(%dma_wait3A_68 : memref<10240x128xf32, #tpu.memory_space<hbm>>) dst(%arg9 : memref<128x128xf32, #tpu.memory_space<vmem>>)
    %run_scoped3A_69 = arith.constant 38 : i32
    "tpu.region"() ({
      %run_scoped3A_99 = tpu.sem_alloc : memref<!tpu.dma_semaphore, #tpu.memory_space<semaphore_mem>>
      %dma_start3A_100 = arith.constant 0 : i32
      %dma_start3A_101 = tpu.memref_slice %arg8[%run_scoped3A_69, %dma_start3A_100] : memref<40x128xi32, #tpu.memory_space<vmem>> -> memref<1x128xi32, #tpu.memory_space<vmem>>
      %dma_start3A_102 = tpu.memref_squeeze %dma_start3A_101 : memref<1x128xi32, #tpu.memory_space<vmem>> -> memref<128xi32, #tpu.memory_space<vmem>>
      %dma_start3A_103 = arith.constant 0 : i32
      %dma_start3A_104 = arith.constant 0 : i32
      %dma_start3A_105 = tpu.memref_slice %arg11[%dma_start3A_103, %dma_start3A_104] : memref<10240x128xf32, #tpu.memory_space<vmem_shared>> -> memref<10240x128xf32, #tpu.memory_space<vmem_shared>>
      tpu.enqueue_indirect_dma source(%arg9 : memref<128x128xf32, #tpu.memory_space<vmem>>) target(%dma_start3A_105 : memref<10240x128xf32, #tpu.memory_space<vmem_shared>>) offsets(%dma_start3A_102 : memref<128xi32, #tpu.memory_space<vmem>>) semaphore(%run_scoped3A_99 : memref<!tpu.dma_semaphore, #tpu.memory_space<semaphore_mem>>) {add = true}
      %dma_wait3A_106 = arith.constant 0 : i32
      %dma_wait3A_107 = tpu.memref_slice %arg8[%run_scoped3A_69, %dma_wait3A_106] : memref<40x128xi32, #tpu.memory_space<vmem>> -> memref<1x128xi32, #tpu.memory_space<vmem>>
      %dma_wait3A_108 = tpu.memref_squeeze %dma_wait3A_107 : memref<1x128xi32, #tpu.memory_space<vmem>> -> memref<128xi32, #tpu.memory_space<vmem>>
      %dma_wait3A_109 = arith.constant 0 : i32
      %dma_wait3A_110 = arith.constant 0 : i32
      %dma_wait3A_111 = tpu.memref_slice %arg11[%dma_wait3A_109, %dma_wait3A_110] : memref<10240x128xf32, #tpu.memory_space<vmem_shared>> -> memref<10240x128xf32, #tpu.memory_space<vmem_shared>>
      tpu.wait_indirect_dma semaphore(%run_scoped3A_99 : memref<!tpu.dma_semaphore, #tpu.memory_space<semaphore_mem>>) src(%arg9 : memref<128x128xf32, #tpu.memory_space<vmem>>) dst(%dma_wait3A_111 : memref<10240x128xf32, #tpu.memory_space<vmem_shared>>)
      tpu.yield
    }) : () -> ()
    %dma_wait3A_70 = arith.constant 39 : i32
    %dma_wait3A_71 = arith.constant 0 : i32
    %dma_wait3A_72 = tpu.memref_slice %arg7[%dma_wait3A_70, %dma_wait3A_71] : memref<40x128xi32, #tpu.memory_space<vmem>> -> memref<1x128xi32, #tpu.memory_space<vmem>>
    %dma_wait3A_73 = tpu.memref_squeeze %dma_wait3A_72 : memref<1x128xi32, #tpu.memory_space<vmem>> -> memref<128xi32, #tpu.memory_space<vmem>>
    %dma_wait3A_74 = arith.constant 0 : i32
    %dma_wait3A_75 = arith.constant 0 : i32
    %dma_wait3A_76 = tpu.memref_slice %arg2[%dma_wait3A_74, %dma_wait3A_75] : memref<10240x128xf32, #tpu.memory_space<hbm>> -> memref<10240x128xf32, #tpu.memory_space<hbm>>
    tpu.wait_indirect_dma semaphore(%arg13 : memref<!tpu.dma_semaphore, #tpu.memory_space<semaphore_mem>>) src(%dma_wait3A_76 : memref<10240x128xf32, #tpu.memory_space<hbm>>) dst(%arg10 : memref<128x128xf32, #tpu.memory_space<vmem>>)
    %run_scoped3A_77 = arith.constant 39 : i32
    "tpu.region"() ({
      %run_scoped3A_99 = tpu.sem_alloc : memref<!tpu.dma_semaphore, #tpu.memory_space<semaphore_mem>>
      %dma_start3A_100 = arith.constant 0 : i32
      %dma_start3A_101 = tpu.memref_slice %arg8[%run_scoped3A_77, %dma_start3A_100] : memref<40x128xi32, #tpu.memory_space<vmem>> -> memref<1x128xi32, #tpu.memory_space<vmem>>
      %dma_start3A_102 = tpu.memref_squeeze %dma_start3A_101 : memref<1x128xi32, #tpu.memory_space<vmem>> -> memref<128xi32, #tpu.memory_space<vmem>>
      %dma_start3A_103 = arith.constant 0 : i32
      %dma_start3A_104 = arith.constant 0 : i32
      %dma_start3A_105 = tpu.memref_slice %arg11[%dma_start3A_103, %dma_start3A_104] : memref<10240x128xf32, #tpu.memory_space<vmem_shared>> -> memref<10240x128xf32, #tpu.memory_space<vmem_shared>>
      tpu.enqueue_indirect_dma source(%arg10 : memref<128x128xf32, #tpu.memory_space<vmem>>) target(%dma_start3A_105 : memref<10240x128xf32, #tpu.memory_space<vmem_shared>>) offsets(%dma_start3A_102 : memref<128xi32, #tpu.memory_space<vmem>>) semaphore(%run_scoped3A_99 : memref<!tpu.dma_semaphore, #tpu.memory_space<semaphore_mem>>) {add = true}
      %dma_wait3A_106 = arith.constant 0 : i32
      %dma_wait3A_107 = tpu.memref_slice %arg8[%run_scoped3A_77, %dma_wait3A_106] : memref<40x128xi32, #tpu.memory_space<vmem>> -> memref<1x128xi32, #tpu.memory_space<vmem>>
      %dma_wait3A_108 = tpu.memref_squeeze %dma_wait3A_107 : memref<1x128xi32, #tpu.memory_space<vmem>> -> memref<128xi32, #tpu.memory_space<vmem>>
      %dma_wait3A_109 = arith.constant 0 : i32
      %dma_wait3A_110 = arith.constant 0 : i32
      %dma_wait3A_111 = tpu.memref_slice %arg11[%dma_wait3A_109, %dma_wait3A_110] : memref<10240x128xf32, #tpu.memory_space<vmem_shared>> -> memref<10240x128xf32, #tpu.memory_space<vmem_shared>>
      tpu.wait_indirect_dma semaphore(%run_scoped3A_99 : memref<!tpu.dma_semaphore, #tpu.memory_space<semaphore_mem>>) src(%arg10 : memref<128x128xf32, #tpu.memory_space<vmem>>) dst(%dma_wait3A_111 : memref<10240x128xf32, #tpu.memory_space<vmem_shared>>)
      tpu.yield
    }) : () -> ()
    %barrier3A_78 = arith.constant 0 : index
    tpu.barrier barrier_id(%barrier3A_78)
    %add3A_79 = arith.constant 0 : i32
    %add3A_80 = arith.addi %mul3A_0, %add3A_79 : i32
    %add3A_81 = arith.constant 0 : i32
    %add3A_82 = arith.addi %mul3A_0, %add3A_81 : i32
    "tpu.region"() ({
      %run_scoped3A_99 = tpu.sem_alloc : memref<!tpu.dma_semaphore, #tpu.memory_space<semaphore_mem>>
      %dma_start3A_100 = arith.constant 0 : i32
      %dma_start3A_101 = tpu.memref_slice %arg6[%arg0, %add3A_82, %dma_start3A_100] : memref<2x10240x128xf32, #tpu.memory_space<hbm>> -> memref<1x128x128xf32, #tpu.memory_space<hbm>>
      %dma_start3A_102 = tpu.memref_squeeze %dma_start3A_101 : memref<1x128x128xf32, #tpu.memory_space<hbm>> -> memref<128x128xf32, #tpu.memory_space<hbm>>
      %dma_start3A_103 = arith.constant 0 : i32
      %dma_start3A_104 = tpu.memref_slice %arg11[%add3A_80, %dma_start3A_103] : memref<10240x128xf32, #tpu.memory_space<vmem_shared>> -> memref<128x128xf32, #tpu.memory_space<vmem_shared>>
      tpu.enqueue_dma source(%dma_start3A_104 : memref<128x128xf32, #tpu.memory_space<vmem_shared>>) target(%dma_start3A_102 : memref<128x128xf32, #tpu.memory_space<hbm>>) target_semaphore(%run_scoped3A_99 : memref<!tpu.dma_semaphore, #tpu.memory_space<semaphore_mem>>)
      %dma_wait3A_105 = arith.constant 0 : i32
      %dma_wait3A_106 = tpu.memref_slice %arg6[%arg0, %add3A_82, %dma_wait3A_105] : memref<2x10240x128xf32, #tpu.memory_space<hbm>> -> memref<1x128x128xf32, #tpu.memory_space<hbm>>
      %dma_wait3A_107 = tpu.memref_squeeze %dma_wait3A_106 : memref<1x128x128xf32, #tpu.memory_space<hbm>> -> memref<128x128xf32, #tpu.memory_space<hbm>>
      %dma_wait3A_108 = arith.constant 0 : i32
      %dma_wait3A_109 = tpu.memref_slice %arg11[%add3A_80, %dma_wait3A_108] : memref<10240x128xf32, #tpu.memory_space<vmem_shared>> -> memref<128x128xf32, #tpu.memory_space<vmem_shared>>
      tpu.wait_dma2 semaphore(%run_scoped3A_99 : memref<!tpu.dma_semaphore, #tpu.memory_space<semaphore_mem>>) src(%dma_wait3A_109 : memref<128x128xf32, #tpu.memory_space<vmem_shared>>) dst(%dma_wait3A_107 : memref<128x128xf32, #tpu.memory_space<hbm>>)
      tpu.yield
    }) : () -> ()
    %add3A_83 = arith.constant 128 : i32
    %add3A_84 = arith.addi %mul3A_0, %add3A_83 : i32
    %add3A_85 = arith.constant 128 : i32
    %add3A_86 = arith.addi %mul3A_0, %add3A_85 : i32
    "tpu.region"() ({
      %run_scoped3A_99 = tpu.sem_alloc : memref<!tpu.dma_semaphore, #tpu.memory_space<semaphore_mem>>
      %dma_start3A_100 = arith.constant 0 : i32
      %dma_start3A_101 = tpu.memref_slice %arg6[%arg0, %add3A_86, %dma_start3A_100] : memref<2x10240x128xf32, #tpu.memory_space<hbm>> -> memref<1x128x128xf32, #tpu.memory_space<hbm>>
      %dma_start3A_102 = tpu.memref_squeeze %dma_start3A_101 : memref<1x128x128xf32, #tpu.memory_space<hbm>> -> memref<128x128xf32, #tpu.memory_space<hbm>>
      %dma_start3A_103 = arith.constant 0 : i32
      %dma_start3A_104 = tpu.memref_slice %arg11[%add3A_84, %dma_start3A_103] : memref<10240x128xf32, #tpu.memory_space<vmem_shared>> -> memref<128x128xf32, #tpu.memory_space<vmem_shared>>
      tpu.enqueue_dma source(%dma_start3A_104 : memref<128x128xf32, #tpu.memory_space<vmem_shared>>) target(%dma_start3A_102 : memref<128x128xf32, #tpu.memory_space<hbm>>) target_semaphore(%run_scoped3A_99 : memref<!tpu.dma_semaphore, #tpu.memory_space<semaphore_mem>>)
      %dma_wait3A_105 = arith.constant 0 : i32
      %dma_wait3A_106 = tpu.memref_slice %arg6[%arg0, %add3A_86, %dma_wait3A_105] : memref<2x10240x128xf32, #tpu.memory_space<hbm>> -> memref<1x128x128xf32, #tpu.memory_space<hbm>>
      %dma_wait3A_107 = tpu.memref_squeeze %dma_wait3A_106 : memref<1x128x128xf32, #tpu.memory_space<hbm>> -> memref<128x128xf32, #tpu.memory_space<hbm>>
      %dma_wait3A_108 = arith.constant 0 : i32
      %dma_wait3A_109 = tpu.memref_slice %arg11[%add3A_84, %dma_wait3A_108] : memref<10240x128xf32, #tpu.memory_space<vmem_shared>> -> memref<128x128xf32, #tpu.memory_space<vmem_shared>>
      tpu.wait_dma2 semaphore(%run_scoped3A_99 : memref<!tpu.dma_semaphore, #tpu.memory_space<semaphore_mem>>) src(%dma_wait3A_109 : memref<128x128xf32, #tpu.memory_space<vmem_shared>>) dst(%dma_wait3A_107 : memref<128x128xf32, #tpu.memory_space<hbm>>)
      tpu.yield
    }) : () -> ()
    %add3A_87 = arith.constant 256 : i32
    %add3A_88 = arith.addi %mul3A_0, %add3A_87 : i32
    %add3A_89 = arith.constant 256 : i32
    %add3A_90 = arith.addi %mul3A_0, %add3A_89 : i32
    "tpu.region"() ({
      %run_scoped3A_99 = tpu.sem_alloc : memref<!tpu.dma_semaphore, #tpu.memory_space<semaphore_mem>>
      %dma_start3A_100 = arith.constant 0 : i32
      %dma_start3A_101 = tpu.memref_slice %arg6[%arg0, %add3A_90, %dma_start3A_100] : memref<2x10240x128xf32, #tpu.memory_space<hbm>> -> memref<1x128x128xf32, #tpu.memory_space<hbm>>
      %dma_start3A_102 = tpu.memref_squeeze %dma_start3A_101 : memref<1x128x128xf32, #tpu.memory_space<hbm>> -> memref<128x128xf32, #tpu.memory_space<hbm>>
      %dma_start3A_103 = arith.constant 0 : i32
      %dma_start3A_104 = tpu.memref_slice %arg11[%add3A_88, %dma_start3A_103] : memref<10240x128xf32, #tpu.memory_space<vmem_shared>> -> memref<128x128xf32, #tpu.memory_space<vmem_shared>>
      tpu.enqueue_dma source(%dma_start3A_104 : memref<128x128xf32, #tpu.memory_space<vmem_shared>>) target(%dma_start3A_102 : memref<128x128xf32, #tpu.memory_space<hbm>>) target_semaphore(%run_scoped3A_99 : memref<!tpu.dma_semaphore, #tpu.memory_space<semaphore_mem>>)
      %dma_wait3A_105 = arith.constant 0 : i32
      %dma_wait3A_106 = tpu.memref_slice %arg6[%arg0, %add3A_90, %dma_wait3A_105] : memref<2x10240x128xf32, #tpu.memory_space<hbm>> -> memref<1x128x128xf32, #tpu.memory_space<hbm>>
      %dma_wait3A_107 = tpu.memref_squeeze %dma_wait3A_106 : memref<1x128x128xf32, #tpu.memory_space<hbm>> -> memref<128x128xf32, #tpu.memory_space<hbm>>
      %dma_wait3A_108 = arith.constant 0 : i32
      %dma_wait3A_109 = tpu.memref_slice %arg11[%add3A_88, %dma_wait3A_108] : memref<10240x128xf32, #tpu.memory_space<vmem_shared>> -> memref<128x128xf32, #tpu.memory_space<vmem_shared>>
      tpu.wait_dma2 semaphore(%run_scoped3A_99 : memref<!tpu.dma_semaphore, #tpu.memory_space<semaphore_mem>>) src(%dma_wait3A_109 : memref<128x128xf32, #tpu.memory_space<vmem_shared>>) dst(%dma_wait3A_107 : memref<128x128xf32, #tpu.memory_space<hbm>>)
      tpu.yield
    }) : () -> ()
    %add3A_91 = arith.constant 384 : i32
    %add3A_92 = arith.addi %mul3A_0, %add3A_91 : i32
    %add3A_93 = arith.constant 384 : i32
    %add3A_94 = arith.addi %mul3A_0, %add3A_93 : i32
    "tpu.region"() ({
      %run_scoped3A_99 = tpu.sem_alloc : memref<!tpu.dma_semaphore, #tpu.memory_space<semaphore_mem>>
      %dma_start3A_100 = arith.constant 0 : i32
      %dma_start3A_101 = tpu.memref_slice %arg6[%arg0, %add3A_94, %dma_start3A_100] : memref<2x10240x128xf32, #tpu.memory_space<hbm>> -> memref<1x128x128xf32, #tpu.memory_space<hbm>>
      %dma_start3A_102 = tpu.memref_squeeze %dma_start3A_101 : memref<1x128x128xf32, #tpu.memory_space<hbm>> -> memref<128x128xf32, #tpu.memory_space<hbm>>
      %dma_start3A_103 = arith.constant 0 : i32
      %dma_start3A_104 = tpu.memref_slice %arg11[%add3A_92, %dma_start3A_103] : memref<10240x128xf32, #tpu.memory_space<vmem_shared>> -> memref<128x128xf32, #tpu.memory_space<vmem_shared>>
      tpu.enqueue_dma source(%dma_start3A_104 : memref<128x128xf32, #tpu.memory_space<vmem_shared>>) target(%dma_start3A_102 : memref<128x128xf32, #tpu.memory_space<hbm>>) target_semaphore(%run_scoped3A_99 : memref<!tpu.dma_semaphore, #tpu.memory_space<semaphore_mem>>)
      %dma_wait3A_105 = arith.constant 0 : i32
      %dma_wait3A_106 = tpu.memref_slice %arg6[%arg0, %add3A_94, %dma_wait3A_105] : memref<2x10240x128xf32, #tpu.memory_space<hbm>> -> memref<1x128x128xf32, #tpu.memory_space<hbm>>
      %dma_wait3A_107 = tpu.memref_squeeze %dma_wait3A_106 : memref<1x128x128xf32, #tpu.memory_space<hbm>> -> memref<128x128xf32, #tpu.memory_space<hbm>>
      %dma_wait3A_108 = arith.constant 0 : i32
      %dma_wait3A_109 = tpu.memref_slice %arg11[%add3A_92, %dma_wait3A_108] : memref<10240x128xf32, #tpu.memory_space<vmem_shared>> -> memref<128x128xf32, #tpu.memory_space<vmem_shared>>
      tpu.wait_dma2 semaphore(%run_scoped3A_99 : memref<!tpu.dma_semaphore, #tpu.memory_space<semaphore_mem>>) src(%dma_wait3A_109 : memref<128x128xf32, #tpu.memory_space<vmem_shared>>) dst(%dma_wait3A_107 : memref<128x128xf32, #tpu.memory_space<hbm>>)
      tpu.yield
    }) : () -> ()
    %add3A_95 = arith.constant 512 : i32
    %add3A_96 = arith.addi %mul3A_0, %add3A_95 : i32
    %add3A_97 = arith.constant 512 : i32
    %add3A_98 = arith.addi %mul3A_0, %add3A_97 : i32
    "tpu.region"() ({
      %run_scoped3A_99 = tpu.sem_alloc : memref<!tpu.dma_semaphore, #tpu.memory_space<semaphore_mem>>
      %dma_start3A_100 = arith.constant 0 : i32
      %dma_start3A_101 = tpu.memref_slice %arg6[%arg0, %add3A_98, %dma_start3A_100] : memref<2x10240x128xf32, #tpu.memory_space<hbm>> -> memref<1x128x128xf32, #tpu.memory_space<hbm>>
      %dma_start3A_102 = tpu.memref_squeeze %dma_start3A_101 : memref<1x128x128xf32, #tpu.memory_space<hbm>> -> memref<128x128xf32, #tpu.memory_space<hbm>>
      %dma_start3A_103 = arith.constant 0 : i32
      %dma_start3A_104 = tpu.memref_slice %arg11[%add3A_96, %dma_start3A_103] : memref<10240x128xf32, #tpu.memory_space<vmem_shared>> -> memref<128x128xf32, #tpu.memory_space<vmem_shared>>
      tpu.enqueue_dma source(%dma_start3A_104 : memref<128x128xf32, #tpu.memory_space<vmem_shared>>) target(%dma_start3A_102 : memref<128x128xf32, #tpu.memory_space<hbm>>) target_semaphore(%run_scoped3A_99 : memref<!tpu.dma_semaphore, #tpu.memory_space<semaphore_mem>>)
      %dma_wait3A_105 = arith.constant 0 : i32
      %dma_wait3A_106 = tpu.memref_slice %arg6[%arg0, %add3A_98, %dma_wait3A_105] : memref<2x10240x128xf32, #tpu.memory_space<hbm>> -> memref<1x128x128xf32, #tpu.memory_space<hbm>>
      %dma_wait3A_107 = tpu.memref_squeeze %dma_wait3A_106 : memref<1x128x128xf32, #tpu.memory_space<hbm>> -> memref<128x128xf32, #tpu.memory_space<hbm>>
      %dma_wait3A_108 = arith.constant 0 : i32
      %dma_wait3A_109 = tpu.memref_slice %arg11[%add3A_96, %dma_wait3A_108] : memref<10240x128xf32, #tpu.memory_space<vmem_shared>> -> memref<128x128xf32, #tpu.memory_space<vmem_shared>>
      tpu.wait_dma2 semaphore(%run_scoped3A_99 : memref<!tpu.dma_semaphore, #tpu.memory_space<semaphore_mem>>) src(%dma_wait3A_109 : memref<128x128xf32, #tpu.memory_space<vmem_shared>>) dst(%dma_wait3A_107 : memref<128x128xf32, #tpu.memory_space<hbm>>)
      tpu.yield
    }) : () -> ()
    return
  }
}

#map = affine_map<(d0, d1) -> (0, 0)>
#map1 = affine_map<(d0, d1) -> (0, 0, 0, 0)>
#map2 = affine_map<(d0, d1) -> (0, 0, 0)>
module attributes {stable_mosaic.version = 14 : i64} {
  func.func @agg(%arg0: i32, %arg1: i32, %arg2: memref<10240x128xf32, #tpu.memory_space<hbm>>, %arg3: memref<2x16x80x128xi32, #tpu.memory_space<hbm>>, %arg4: memref<2x16x80x128xi32, #tpu.memory_space<hbm>>, %arg5: memref<128x128xf32, #tpu.memory_space<hbm>>, %arg6: memref<2x10240x128xf32, #tpu.memory_space<hbm>>, %arg7: memref<40x128xi32, #tpu.memory_space<vmem>>, %arg8: memref<40x128xi32, #tpu.memory_space<vmem>>, %arg9: memref<128x128xf32, #tpu.memory_space<vmem>>, %arg10: memref<128x128xf32, #tpu.memory_space<vmem>>, %arg11: memref<10240x128xf32, #tpu.memory_space<vmem_shared>>, %arg12: memref<!tpu.dma_semaphore, #tpu.memory_space<semaphore_mem>>, %arg13: memref<!tpu.dma_semaphore, #tpu.memory_space<semaphore_mem>>) attributes {dimension_semantics = [#tpu.dimension_semantics<core_parallel>, #tpu.dimension_semantics<subcore_parallel>], iteration_bounds = array<i64: 2, 16>, scalar_prefetch = 0 : i64, scratch_operands = 7 : i64, tpu.core_type = #tpu.core_type<sc_vector_subcore>, window_params = [{transform_indices = #map}, {transform_indices = #map1}, {transform_indices = #map1}, {transform_indices = #map}, {transform_indices = #map2}]} {
    %mul3A = arith.constant 640 : i32
    %mul3A_0 = arith.muli %arg1, %mul3A : i32
    %add3A = arith.constant 0 : i32
    %add3A_1 = arith.addi %mul3A_0, %add3A : i32
    "tpu.region"() ({
      %run_scoped3A_99 = tpu.sem_alloc : memref<!tpu.dma_semaphore, #tpu.memory_space<semaphore_mem>>
      %dma_start3A_100 = arith.constant 0 : i32
      %dma_start3A_101 = tpu.memref_slice %arg11[%add3A_1, %dma_start3A_100] : memref<10240x128xf32, #tpu.memory_space<vmem_shared>> -> memref<128x128xf32, #tpu.memory_space<vmem_shared>>
      tpu.enqueue_dma source(%arg5 : memref<128x128xf32, #tpu.memory_space<hbm>>) target(%dma_start3A_101 : memref<128x128xf32, #tpu.memory_space<vmem_shared>>) target_semaphore(%run_scoped3A_99 : memref<!tpu.dma_semaphore, #tpu.memory_space<semaphore_mem>>)
      %dma_wait3A_102 = arith.constant 0 : i32
      %dma_wait3A_103 = tpu.memref_slice %arg11[%add3A_1, %dma_wait3A_102] : memref<10240x128xf32, #tpu.memory_space<vmem_shared>> -> memref<128x128xf32, #tpu.memory_space<vmem_shared>>
      tpu.wait_dma2 semaphore(%run_scoped3A_99 : memref<!tpu.dma_semaphore, #tpu.memory_space<semaphore_mem>>) src(%arg5 : memref<128x128xf32, #tpu.memory_space<hbm>>) dst(%dma_wait3A_103 : memref<128x128xf32, #tpu.memory_space<vmem_shared>>)
      tpu.yield
    }) : () -> ()
    %add3A_2 = arith.constant 128 : i32
    %add3A_3 = arith.addi %mul3A_0, %add3A_2 : i32
    "tpu.region"() ({
      %run_scoped3A_99 = tpu.sem_alloc : memref<!tpu.dma_semaphore, #tpu.memory_space<semaphore_mem>>
      %dma_start3A_100 = arith.constant 0 : i32
      %dma_start3A_101 = tpu.memref_slice %arg11[%add3A_3, %dma_start3A_100] : memref<10240x128xf32, #tpu.memory_space<vmem_shared>> -> memref<128x128xf32, #tpu.memory_space<vmem_shared>>
      tpu.enqueue_dma source(%arg5 : memref<128x128xf32, #tpu.memory_space<hbm>>) target(%dma_start3A_101 : memref<128x128xf32, #tpu.memory_space<vmem_shared>>) target_semaphore(%run_scoped3A_99 : memref<!tpu.dma_semaphore, #tpu.memory_space<semaphore_mem>>)
      %dma_wait3A_102 = arith.constant 0 : i32
      %dma_wait3A_103 = tpu.memref_slice %arg11[%add3A_3, %dma_wait3A_102] : memref<10240x128xf32, #tpu.memory_space<vmem_shared>> -> memref<128x128xf32, #tpu.memory_space<vmem_shared>>
      tpu.wait_dma2 semaphore(%run_scoped3A_99 : memref<!tpu.dma_semaphore, #tpu.memory_space<semaphore_mem>>) src(%arg5 : memref<128x128xf32, #tpu.memory_space<hbm>>) dst(%dma_wait3A_103 : memref<128x128xf32, #tpu.memory_space<vmem_shared>>)
      tpu.yield
    }) : () -> ()
    %add3A_4 = arith.constant 256 : i32
    %add3A_5 = arith.addi %mul3A_0, %add3A_4 : i32
    "tpu.region"() ({
      %run_scoped3A_99 = tpu.sem_alloc : memref<!tpu.dma_semaphore, #tpu.memory_space<semaphore_mem>>
      %dma_start3A_100 = arith.constant 0 : i32
      %dma_start3A_101 = tpu.memref_slice %arg11[%add3A_5, %dma_start3A_100] : memref<10240x128xf32, #tpu.memory_space<vmem_shared>> -> memref<128x128xf32, #tpu.memory_space<vmem_shared>>
      tpu.enqueue_dma source(%arg5 : memref<128x128xf32, #tpu.memory_space<hbm>>) target(%dma_start3A_101 : memref<128x128xf32, #tpu.memory_space<vmem_shared>>) target_semaphore(%run_scoped3A_99 : memref<!tpu.dma_semaphore, #tpu.memory_space<semaphore_mem>>)
      %dma_wait3A_102 = arith.constant 0 : i32
      %dma_wait3A_103 = tpu.memref_slice %arg11[%add3A_5, %dma_wait3A_102] : memref<10240x128xf32, #tpu.memory_space<vmem_shared>> -> memref<128x128xf32, #tpu.memory_space<vmem_shared>>
      tpu.wait_dma2 semaphore(%run_scoped3A_99 : memref<!tpu.dma_semaphore, #tpu.memory_space<semaphore_mem>>) src(%arg5 : memref<128x128xf32, #tpu.memory_space<hbm>>) dst(%dma_wait3A_103 : memref<128x128xf32, #tpu.memory_space<vmem_shared>>)
      tpu.yield
    }) : () -> ()
    %add3A_6 = arith.constant 384 : i32
    %add3A_7 = arith.addi %mul3A_0, %add3A_6 : i32
    "tpu.region"() ({
      %run_scoped3A_99 = tpu.sem_alloc : memref<!tpu.dma_semaphore, #tpu.memory_space<semaphore_mem>>
      %dma_start3A_100 = arith.constant 0 : i32
      %dma_start3A_101 = tpu.memref_slice %arg11[%add3A_7, %dma_start3A_100] : memref<10240x128xf32, #tpu.memory_space<vmem_shared>> -> memref<128x128xf32, #tpu.memory_space<vmem_shared>>
      tpu.enqueue_dma source(%arg5 : memref<128x128xf32, #tpu.memory_space<hbm>>) target(%dma_start3A_101 : memref<128x128xf32, #tpu.memory_space<vmem_shared>>) target_semaphore(%run_scoped3A_99 : memref<!tpu.dma_semaphore, #tpu.memory_space<semaphore_mem>>)
      %dma_wait3A_102 = arith.constant 0 : i32
      %dma_wait3A_103 = tpu.memref_slice %arg11[%add3A_7, %dma_wait3A_102] : memref<10240x128xf32, #tpu.memory_space<vmem_shared>> -> memref<128x128xf32, #tpu.memory_space<vmem_shared>>
      tpu.wait_dma2 semaphore(%run_scoped3A_99 : memref<!tpu.dma_semaphore, #tpu.memory_space<semaphore_mem>>) src(%arg5 : memref<128x128xf32, #tpu.memory_space<hbm>>) dst(%dma_wait3A_103 : memref<128x128xf32, #tpu.memory_space<vmem_shared>>)
      tpu.yield
    }) : () -> ()
    %add3A_8 = arith.constant 512 : i32
    %add3A_9 = arith.addi %mul3A_0, %add3A_8 : i32
    "tpu.region"() ({
      %run_scoped3A_99 = tpu.sem_alloc : memref<!tpu.dma_semaphore, #tpu.memory_space<semaphore_mem>>
      %dma_start3A_100 = arith.constant 0 : i32
      %dma_start3A_101 = tpu.memref_slice %arg11[%add3A_9, %dma_start3A_100] : memref<10240x128xf32, #tpu.memory_space<vmem_shared>> -> memref<128x128xf32, #tpu.memory_space<vmem_shared>>
      tpu.enqueue_dma source(%arg5 : memref<128x128xf32, #tpu.memory_space<hbm>>) target(%dma_start3A_101 : memref<128x128xf32, #tpu.memory_space<vmem_shared>>) target_semaphore(%run_scoped3A_99 : memref<!tpu.dma_semaphore, #tpu.memory_space<semaphore_mem>>)
      %dma_wait3A_102 = arith.constant 0 : i32
      %dma_wait3A_103 = tpu.memref_slice %arg11[%add3A_9, %dma_wait3A_102] : memref<10240x128xf32, #tpu.memory_space<vmem_shared>> -> memref<128x128xf32, #tpu.memory_space<vmem_shared>>
      tpu.wait_dma2 semaphore(%run_scoped3A_99 : memref<!tpu.dma_semaphore, #tpu.memory_space<semaphore_mem>>) src(%arg5 : memref<128x128xf32, #tpu.memory_space<hbm>>) dst(%dma_wait3A_103 : memref<128x128xf32, #tpu.memory_space<vmem_shared>>)
      tpu.yield
    }) : () -> ()
    %barrier3A = arith.constant 0 : index
    tpu.barrier barrier_id(%barrier3A)
    "tpu.region"() ({
      %run_scoped3A_99 = tpu.sem_alloc : memref<!tpu.dma_semaphore, #tpu.memory_space<semaphore_mem>>
      %dma_start3A_100 = arith.constant 0 : i32
      %dma_start3A_101 = arith.constant 0 : i32
      %dma_start3A_102 = tpu.memref_slice %arg3[%arg0, %arg1, %dma_start3A_100, %dma_start3A_101] : memref<2x16x80x128xi32, #tpu.memory_space<hbm>> -> memref<1x1x40x128xi32, #tpu.memory_space<hbm>>
      %dma_start3A_103 = tpu.memref_squeeze %dma_start3A_102 : memref<1x1x40x128xi32, #tpu.memory_space<hbm>> -> memref<40x128xi32, #tpu.memory_space<hbm>>
      %dma_start3A_104 = arith.constant 0 : i32
      %dma_start3A_105 = arith.constant 0 : i32
      %dma_start3A_106 = tpu.memref_slice %arg3[%arg0, %arg1, %dma_start3A_104, %dma_start3A_105] : memref<2x16x80x128xi32, #tpu.memory_space<hbm>> -> memref<1x1x40x128xi32, #tpu.memory_space<hbm>>
      %dma_start3A_107 = tpu.memref_squeeze %dma_start3A_106 : memref<1x1x40x128xi32, #tpu.memory_space<hbm>> -> memref<40x128xi32, #tpu.memory_space<hbm>>
      tpu.enqueue_dma source(%dma_start3A_107 : memref<40x128xi32, #tpu.memory_space<hbm>>) target(%arg7 : memref<40x128xi32, #tpu.memory_space<vmem>>) target_semaphore(%run_scoped3A_99 : memref<!tpu.dma_semaphore, #tpu.memory_space<semaphore_mem>>)
      %dma_wait3A_108 = arith.constant 0 : i32
      %dma_wait3A_109 = arith.constant 0 : i32
      %dma_wait3A_110 = tpu.memref_slice %arg3[%arg0, %arg1, %dma_wait3A_108, %dma_wait3A_109] : memref<2x16x80x128xi32, #tpu.memory_space<hbm>> -> memref<1x1x40x128xi32, #tpu.memory_space<hbm>>
      %dma_wait3A_111 = tpu.memref_squeeze %dma_wait3A_110 : memref<1x1x40x128xi32, #tpu.memory_space<hbm>> -> memref<40x128xi32, #tpu.memory_space<hbm>>
      %dma_wait3A_112 = arith.constant 0 : i32
      %dma_wait3A_113 = arith.constant 0 : i32
      %dma_wait3A_114 = tpu.memref_slice %arg3[%arg0, %arg1, %dma_wait3A_112, %dma_wait3A_113] : memref<2x16x80x128xi32, #tpu.memory_space<hbm>> -> memref<1x1x40x128xi32, #tpu.memory_space<hbm>>
      %dma_wait3A_115 = tpu.memref_squeeze %dma_wait3A_114 : memref<1x1x40x128xi32, #tpu.memory_space<hbm>> -> memref<40x128xi32, #tpu.memory_space<hbm>>
      tpu.wait_dma2 semaphore(%run_scoped3A_99 : memref<!tpu.dma_semaphore, #tpu.memory_space<semaphore_mem>>) src(%dma_wait3A_115 : memref<40x128xi32, #tpu.memory_space<hbm>>) dst(%arg7 : memref<40x128xi32, #tpu.memory_space<vmem>>)
      tpu.yield
    }) : () -> ()
    "tpu.region"() ({
      %run_scoped3A_99 = tpu.sem_alloc : memref<!tpu.dma_semaphore, #tpu.memory_space<semaphore_mem>>
      %dma_start3A_100 = arith.constant 0 : i32
      %dma_start3A_101 = arith.constant 0 : i32
      %dma_start3A_102 = tpu.memref_slice %arg4[%arg0, %arg1, %dma_start3A_100, %dma_start3A_101] : memref<2x16x80x128xi32, #tpu.memory_space<hbm>> -> memref<1x1x40x128xi32, #tpu.memory_space<hbm>>
      %dma_start3A_103 = tpu.memref_squeeze %dma_start3A_102 : memref<1x1x40x128xi32, #tpu.memory_space<hbm>> -> memref<40x128xi32, #tpu.memory_space<hbm>>
      %dma_start3A_104 = arith.constant 0 : i32
      %dma_start3A_105 = arith.constant 0 : i32
      %dma_start3A_106 = tpu.memref_slice %arg4[%arg0, %arg1, %dma_start3A_104, %dma_start3A_105] : memref<2x16x80x128xi32, #tpu.memory_space<hbm>> -> memref<1x1x40x128xi32, #tpu.memory_space<hbm>>
      %dma_start3A_107 = tpu.memref_squeeze %dma_start3A_106 : memref<1x1x40x128xi32, #tpu.memory_space<hbm>> -> memref<40x128xi32, #tpu.memory_space<hbm>>
      tpu.enqueue_dma source(%dma_start3A_107 : memref<40x128xi32, #tpu.memory_space<hbm>>) target(%arg8 : memref<40x128xi32, #tpu.memory_space<vmem>>) target_semaphore(%run_scoped3A_99 : memref<!tpu.dma_semaphore, #tpu.memory_space<semaphore_mem>>)
      %dma_wait3A_108 = arith.constant 0 : i32
      %dma_wait3A_109 = arith.constant 0 : i32
      %dma_wait3A_110 = tpu.memref_slice %arg4[%arg0, %arg1, %dma_wait3A_108, %dma_wait3A_109] : memref<2x16x80x128xi32, #tpu.memory_space<hbm>> -> memref<1x1x40x128xi32, #tpu.memory_space<hbm>>
      %dma_wait3A_111 = tpu.memref_squeeze %dma_wait3A_110 : memref<1x1x40x128xi32, #tpu.memory_space<hbm>> -> memref<40x128xi32, #tpu.memory_space<hbm>>
      %dma_wait3A_112 = arith.constant 0 : i32
      %dma_wait3A_113 = arith.constant 0 : i32
      %dma_wait3A_114 = tpu.memref_slice %arg4[%arg0, %arg1, %dma_wait3A_112, %dma_wait3A_113] : memref<2x16x80x128xi32, #tpu.memory_space<hbm>> -> memref<1x1x40x128xi32, #tpu.memory_space<hbm>>
      %dma_wait3A_115 = tpu.memref_squeeze %dma_wait3A_114 : memref<1x1x40x128xi32, #tpu.memory_space<hbm>> -> memref<40x128xi32, #tpu.memory_space<hbm>>
      tpu.wait_dma2 semaphore(%run_scoped3A_99 : memref<!tpu.dma_semaphore, #tpu.memory_space<semaphore_mem>>) src(%dma_wait3A_115 : memref<40x128xi32, #tpu.memory_space<hbm>>) dst(%arg8 : memref<40x128xi32, #tpu.memory_space<vmem>>)
      tpu.yield
    }) : () -> ()
    %dma_start3A = arith.constant 0 : i32
    %dma_start3A_10 = arith.constant 0 : i32
    %dma_start3A_11 = tpu.memref_slice %arg7[%dma_start3A, %dma_start3A_10] : memref<40x128xi32, #tpu.memory_space<vmem>> -> memref<1x128xi32, #tpu.memory_space<vmem>>
    %dma_start3A_12 = tpu.memref_squeeze %dma_start3A_11 : memref<1x128xi32, #tpu.memory_space<vmem>> -> memref<128xi32, #tpu.memory_space<vmem>>
    %dma_start3A_13 = arith.constant 0 : i32
    %dma_start3A_14 = arith.constant 0 : i32
    %dma_start3A_15 = tpu.memref_slice %arg2[%dma_start3A_13, %dma_start3A_14] : memref<10240x128xf32, #tpu.memory_space<hbm>> -> memref<10240x128xf32, #tpu.memory_space<hbm>>
    tpu.enqueue_indirect_dma source(%dma_start3A_15 : memref<10240x128xf32, #tpu.memory_space<hbm>>) target(%arg9 : memref<128x128xf32, #tpu.memory_space<vmem>>) offsets(%dma_start3A_12 : memref<128xi32, #tpu.memory_space<vmem>>) semaphore(%arg12 : memref<!tpu.dma_semaphore, #tpu.memory_space<semaphore_mem>>)
    %dma_start3A_16 = arith.constant 1 : i32
    %dma_start3A_17 = arith.constant 0 : i32
    %dma_start3A_18 = tpu.memref_slice %arg7[%dma_start3A_16, %dma_start3A_17] : memref<40x128xi32, #tpu.memory_space<vmem>> -> memref<1x128xi32, #tpu.memory_space<vmem>>
    %dma_start3A_19 = tpu.memref_squeeze %dma_start3A_18 : memref<1x128xi32, #tpu.memory_space<vmem>> -> memref<128xi32, #tpu.memory_space<vmem>>
    %dma_start3A_20 = arith.constant 0 : i32
    %dma_start3A_21 = arith.constant 0 : i32
    %dma_start3A_22 = tpu.memref_slice %arg2[%dma_start3A_20, %dma_start3A_21] : memref<10240x128xf32, #tpu.memory_space<hbm>> -> memref<10240x128xf32, #tpu.memory_space<hbm>>
    tpu.enqueue_indirect_dma source(%dma_start3A_22 : memref<10240x128xf32, #tpu.memory_space<hbm>>) target(%arg10 : memref<128x128xf32, #tpu.memory_space<vmem>>) offsets(%dma_start3A_19 : memref<128xi32, #tpu.memory_space<vmem>>) semaphore(%arg13 : memref<!tpu.dma_semaphore, #tpu.memory_space<semaphore_mem>>)
    %scan3A = arith.constant 0 : i32
    %scan3A_23 = arith.constant 0 : i32
    %scan3A_24 = arith.constant 19 : i32
    %scan3A_25 = arith.addi %scan3A_23, %scan3A_24 : i32
    %scan3A_26 = arith.constant 1 : i32
    scf.for %scan3A_99 = %scan3A_23 to %scan3A_25 step %scan3A_26  : i32 {
      %mul3A_100 = arith.constant 2 : i32
      %mul3A_101 = arith.muli %mul3A_100, %scan3A_99 : i32
      %dma_wait3A_102 = arith.constant 0 : i32
      %dma_wait3A_103 = tpu.memref_slice %arg7[%mul3A_101, %dma_wait3A_102] : memref<40x128xi32, #tpu.memory_space<vmem>> -> memref<1x128xi32, #tpu.memory_space<vmem>>
      %dma_wait3A_104 = tpu.memref_squeeze %dma_wait3A_103 : memref<1x128xi32, #tpu.memory_space<vmem>> -> memref<128xi32, #tpu.memory_space<vmem>>
      %dma_wait3A_105 = arith.constant 0 : i32
      %dma_wait3A_106 = arith.constant 0 : i32
      %dma_wait3A_107 = tpu.memref_slice %arg2[%dma_wait3A_105, %dma_wait3A_106] : memref<10240x128xf32, #tpu.memory_space<hbm>> -> memref<10240x128xf32, #tpu.memory_space<hbm>>
      tpu.wait_indirect_dma semaphore(%arg12 : memref<!tpu.dma_semaphore, #tpu.memory_space<semaphore_mem>>) src(%dma_wait3A_107 : memref<10240x128xf32, #tpu.memory_space<hbm>>) dst(%arg9 : memref<128x128xf32, #tpu.memory_space<vmem>>)
      "tpu.region"() ({
        %run_scoped3A_134 = tpu.sem_alloc : memref<!tpu.dma_semaphore, #tpu.memory_space<semaphore_mem>>
        %dma_start3A_135 = arith.constant 0 : i32
        %dma_start3A_136 = tpu.memref_slice %arg8[%mul3A_101, %dma_start3A_135] : memref<40x128xi32, #tpu.memory_space<vmem>> -> memref<1x128xi32, #tpu.memory_space<vmem>>
        %dma_start3A_137 = tpu.memref_squeeze %dma_start3A_136 : memref<1x128xi32, #tpu.memory_space<vmem>> -> memref<128xi32, #tpu.memory_space<vmem>>
        %dma_start3A_138 = arith.constant 0 : i32
        %dma_start3A_139 = arith.constant 0 : i32
        %dma_start3A_140 = tpu.memref_slice %arg11[%dma_start3A_138, %dma_start3A_139] : memref<10240x128xf32, #tpu.memory_space<vmem_shared>> -> memref<10240x128xf32, #tpu.memory_space<vmem_shared>>
        tpu.enqueue_indirect_dma source(%arg9 : memref<128x128xf32, #tpu.memory_space<vmem>>) target(%dma_start3A_140 : memref<10240x128xf32, #tpu.memory_space<vmem_shared>>) offsets(%dma_start3A_137 : memref<128xi32, #tpu.memory_space<vmem>>) semaphore(%run_scoped3A_134 : memref<!tpu.dma_semaphore, #tpu.memory_space<semaphore_mem>>) {add = true}
        %dma_wait3A_141 = arith.constant 0 : i32
        %dma_wait3A_142 = tpu.memref_slice %arg8[%mul3A_101, %dma_wait3A_141] : memref<40x128xi32, #tpu.memory_space<vmem>> -> memref<1x128xi32, #tpu.memory_space<vmem>>
        %dma_wait3A_143 = tpu.memref_squeeze %dma_wait3A_142 : memref<1x128xi32, #tpu.memory_space<vmem>> -> memref<128xi32, #tpu.memory_space<vmem>>
        %dma_wait3A_144 = arith.constant 0 : i32
        %dma_wait3A_145 = arith.constant 0 : i32
        %dma_wait3A_146 = tpu.memref_slice %arg11[%dma_wait3A_144, %dma_wait3A_145] : memref<10240x128xf32, #tpu.memory_space<vmem_shared>> -> memref<10240x128xf32, #tpu.memory_space<vmem_shared>>
        tpu.wait_indirect_dma semaphore(%run_scoped3A_134 : memref<!tpu.dma_semaphore, #tpu.memory_space<semaphore_mem>>) src(%arg9 : memref<128x128xf32, #tpu.memory_space<vmem>>) dst(%dma_wait3A_146 : memref<10240x128xf32, #tpu.memory_space<vmem_shared>>)
        tpu.yield
      }) : () -> ()
      %add3A_108 = arith.constant 2 : i32
      %add3A_109 = arith.addi %mul3A_101, %add3A_108 : i32
      %dma_start3A_110 = arith.constant 0 : i32
      %dma_start3A_111 = tpu.memref_slice %arg7[%add3A_109, %dma_start3A_110] : memref<40x128xi32, #tpu.memory_space<vmem>> -> memref<1x128xi32, #tpu.memory_space<vmem>>
      %dma_start3A_112 = tpu.memref_squeeze %dma_start3A_111 : memref<1x128xi32, #tpu.memory_space<vmem>> -> memref<128xi32, #tpu.memory_space<vmem>>
      %dma_start3A_113 = arith.constant 0 : i32
      %dma_start3A_114 = arith.constant 0 : i32
      %dma_start3A_115 = tpu.memref_slice %arg2[%dma_start3A_113, %dma_start3A_114] : memref<10240x128xf32, #tpu.memory_space<hbm>> -> memref<10240x128xf32, #tpu.memory_space<hbm>>
      tpu.enqueue_indirect_dma source(%dma_start3A_115 : memref<10240x128xf32, #tpu.memory_space<hbm>>) target(%arg9 : memref<128x128xf32, #tpu.memory_space<vmem>>) offsets(%dma_start3A_112 : memref<128xi32, #tpu.memory_space<vmem>>) semaphore(%arg12 : memref<!tpu.dma_semaphore, #tpu.memory_space<semaphore_mem>>)
      %add3A_116 = arith.constant 1 : i32
      %add3A_117 = arith.addi %mul3A_101, %add3A_116 : i32
      %dma_wait3A_118 = arith.constant 0 : i32
      %dma_wait3A_119 = tpu.memref_slice %arg7[%add3A_117, %dma_wait3A_118] : memref<40x128xi32, #tpu.memory_space<vmem>> -> memref<1x128xi32, #tpu.memory_space<vmem>>
      %dma_wait3A_120 = tpu.memref_squeeze %dma_wait3A_119 : memref<1x128xi32, #tpu.memory_space<vmem>> -> memref<128xi32, #tpu.memory_space<vmem>>
      %dma_wait3A_121 = arith.constant 0 : i32
      %dma_wait3A_122 = arith.constant 0 : i32
      %dma_wait3A_123 = tpu.memref_slice %arg2[%dma_wait3A_121, %dma_wait3A_122] : memref<10240x128xf32, #tpu.memory_space<hbm>> -> memref<10240x128xf32, #tpu.memory_space<hbm>>
      tpu.wait_indirect_dma semaphore(%arg13 : memref<!tpu.dma_semaphore, #tpu.memory_space<semaphore_mem>>) src(%dma_wait3A_123 : memref<10240x128xf32, #tpu.memory_space<hbm>>) dst(%arg10 : memref<128x128xf32, #tpu.memory_space<vmem>>)
      %add3A_124 = arith.constant 1 : i32
      %add3A_125 = arith.addi %mul3A_101, %add3A_124 : i32
      "tpu.region"() ({
        %run_scoped3A_134 = tpu.sem_alloc : memref<!tpu.dma_semaphore, #tpu.memory_space<semaphore_mem>>
        %dma_start3A_135 = arith.constant 0 : i32
        %dma_start3A_136 = tpu.memref_slice %arg8[%add3A_125, %dma_start3A_135] : memref<40x128xi32, #tpu.memory_space<vmem>> -> memref<1x128xi32, #tpu.memory_space<vmem>>
        %dma_start3A_137 = tpu.memref_squeeze %dma_start3A_136 : memref<1x128xi32, #tpu.memory_space<vmem>> -> memref<128xi32, #tpu.memory_space<vmem>>
        %dma_start3A_138 = arith.constant 0 : i32
        %dma_start3A_139 = arith.constant 0 : i32
        %dma_start3A_140 = tpu.memref_slice %arg11[%dma_start3A_138, %dma_start3A_139] : memref<10240x128xf32, #tpu.memory_space<vmem_shared>> -> memref<10240x128xf32, #tpu.memory_space<vmem_shared>>
        tpu.enqueue_indirect_dma source(%arg10 : memref<128x128xf32, #tpu.memory_space<vmem>>) target(%dma_start3A_140 : memref<10240x128xf32, #tpu.memory_space<vmem_shared>>) offsets(%dma_start3A_137 : memref<128xi32, #tpu.memory_space<vmem>>) semaphore(%run_scoped3A_134 : memref<!tpu.dma_semaphore, #tpu.memory_space<semaphore_mem>>) {add = true}
        %dma_wait3A_141 = arith.constant 0 : i32
        %dma_wait3A_142 = tpu.memref_slice %arg8[%add3A_125, %dma_wait3A_141] : memref<40x128xi32, #tpu.memory_space<vmem>> -> memref<1x128xi32, #tpu.memory_space<vmem>>
        %dma_wait3A_143 = tpu.memref_squeeze %dma_wait3A_142 : memref<1x128xi32, #tpu.memory_space<vmem>> -> memref<128xi32, #tpu.memory_space<vmem>>
        %dma_wait3A_144 = arith.constant 0 : i32
        %dma_wait3A_145 = arith.constant 0 : i32
        %dma_wait3A_146 = tpu.memref_slice %arg11[%dma_wait3A_144, %dma_wait3A_145] : memref<10240x128xf32, #tpu.memory_space<vmem_shared>> -> memref<10240x128xf32, #tpu.memory_space<vmem_shared>>
        tpu.wait_indirect_dma semaphore(%run_scoped3A_134 : memref<!tpu.dma_semaphore, #tpu.memory_space<semaphore_mem>>) src(%arg10 : memref<128x128xf32, #tpu.memory_space<vmem>>) dst(%dma_wait3A_146 : memref<10240x128xf32, #tpu.memory_space<vmem_shared>>)
        tpu.yield
      }) : () -> ()
      %add3A_126 = arith.constant 3 : i32
      %add3A_127 = arith.addi %mul3A_101, %add3A_126 : i32
      %dma_start3A_128 = arith.constant 0 : i32
      %dma_start3A_129 = tpu.memref_slice %arg7[%add3A_127, %dma_start3A_128] : memref<40x128xi32, #tpu.memory_space<vmem>> -> memref<1x128xi32, #tpu.memory_space<vmem>>
      %dma_start3A_130 = tpu.memref_squeeze %dma_start3A_129 : memref<1x128xi32, #tpu.memory_space<vmem>> -> memref<128xi32, #tpu.memory_space<vmem>>
      %dma_start3A_131 = arith.constant 0 : i32
      %dma_start3A_132 = arith.constant 0 : i32
      %dma_start3A_133 = tpu.memref_slice %arg2[%dma_start3A_131, %dma_start3A_132] : memref<10240x128xf32, #tpu.memory_space<hbm>> -> memref<10240x128xf32, #tpu.memory_space<hbm>>
      tpu.enqueue_indirect_dma source(%dma_start3A_133 : memref<10240x128xf32, #tpu.memory_space<hbm>>) target(%arg10 : memref<128x128xf32, #tpu.memory_space<vmem>>) offsets(%dma_start3A_130 : memref<128xi32, #tpu.memory_space<vmem>>) semaphore(%arg13 : memref<!tpu.dma_semaphore, #tpu.memory_space<semaphore_mem>>)
    }
    %scan3A_27 = arith.constant 19 : i32
    %dma_wait3A = arith.constant 38 : i32
    %dma_wait3A_28 = arith.constant 0 : i32
    %dma_wait3A_29 = tpu.memref_slice %arg7[%dma_wait3A, %dma_wait3A_28] : memref<40x128xi32, #tpu.memory_space<vmem>> -> memref<1x128xi32, #tpu.memory_space<vmem>>
    %dma_wait3A_30 = tpu.memref_squeeze %dma_wait3A_29 : memref<1x128xi32, #tpu.memory_space<vmem>> -> memref<128xi32, #tpu.memory_space<vmem>>
    %dma_wait3A_31 = arith.constant 0 : i32
    %dma_wait3A_32 = arith.constant 0 : i32
    %dma_wait3A_33 = tpu.memref_slice %arg2[%dma_wait3A_31, %dma_wait3A_32] : memref<10240x128xf32, #tpu.memory_space<hbm>> -> memref<10240x128xf32, #tpu.memory_space<hbm>>
    tpu.wait_indirect_dma semaphore(%arg12 : memref<!tpu.dma_semaphore, #tpu.memory_space<semaphore_mem>>) src(%dma_wait3A_33 : memref<10240x128xf32, #tpu.memory_space<hbm>>) dst(%arg9 : memref<128x128xf32, #tpu.memory_space<vmem>>)
    %run_scoped3A = arith.constant 38 : i32
    "tpu.region"() ({
      %run_scoped3A_99 = tpu.sem_alloc : memref<!tpu.dma_semaphore, #tpu.memory_space<semaphore_mem>>
      %dma_start3A_100 = arith.constant 0 : i32
      %dma_start3A_101 = tpu.memref_slice %arg8[%run_scoped3A, %dma_start3A_100] : memref<40x128xi32, #tpu.memory_space<vmem>> -> memref<1x128xi32, #tpu.memory_space<vmem>>
      %dma_start3A_102 = tpu.memref_squeeze %dma_start3A_101 : memref<1x128xi32, #tpu.memory_space<vmem>> -> memref<128xi32, #tpu.memory_space<vmem>>
      %dma_start3A_103 = arith.constant 0 : i32
      %dma_start3A_104 = arith.constant 0 : i32
      %dma_start3A_105 = tpu.memref_slice %arg11[%dma_start3A_103, %dma_start3A_104] : memref<10240x128xf32, #tpu.memory_space<vmem_shared>> -> memref<10240x128xf32, #tpu.memory_space<vmem_shared>>
      tpu.enqueue_indirect_dma source(%arg9 : memref<128x128xf32, #tpu.memory_space<vmem>>) target(%dma_start3A_105 : memref<10240x128xf32, #tpu.memory_space<vmem_shared>>) offsets(%dma_start3A_102 : memref<128xi32, #tpu.memory_space<vmem>>) semaphore(%run_scoped3A_99 : memref<!tpu.dma_semaphore, #tpu.memory_space<semaphore_mem>>) {add = true}
      %dma_wait3A_106 = arith.constant 0 : i32
      %dma_wait3A_107 = tpu.memref_slice %arg8[%run_scoped3A, %dma_wait3A_106] : memref<40x128xi32, #tpu.memory_space<vmem>> -> memref<1x128xi32, #tpu.memory_space<vmem>>
      %dma_wait3A_108 = tpu.memref_squeeze %dma_wait3A_107 : memref<1x128xi32, #tpu.memory_space<vmem>> -> memref<128xi32, #tpu.memory_space<vmem>>
      %dma_wait3A_109 = arith.constant 0 : i32
      %dma_wait3A_110 = arith.constant 0 : i32
      %dma_wait3A_111 = tpu.memref_slice %arg11[%dma_wait3A_109, %dma_wait3A_110] : memref<10240x128xf32, #tpu.memory_space<vmem_shared>> -> memref<10240x128xf32, #tpu.memory_space<vmem_shared>>
      tpu.wait_indirect_dma semaphore(%run_scoped3A_99 : memref<!tpu.dma_semaphore, #tpu.memory_space<semaphore_mem>>) src(%arg9 : memref<128x128xf32, #tpu.memory_space<vmem>>) dst(%dma_wait3A_111 : memref<10240x128xf32, #tpu.memory_space<vmem_shared>>)
      tpu.yield
    }) : () -> ()
    %dma_wait3A_34 = arith.constant 39 : i32
    %dma_wait3A_35 = arith.constant 0 : i32
    %dma_wait3A_36 = tpu.memref_slice %arg7[%dma_wait3A_34, %dma_wait3A_35] : memref<40x128xi32, #tpu.memory_space<vmem>> -> memref<1x128xi32, #tpu.memory_space<vmem>>
    %dma_wait3A_37 = tpu.memref_squeeze %dma_wait3A_36 : memref<1x128xi32, #tpu.memory_space<vmem>> -> memref<128xi32, #tpu.memory_space<vmem>>
    %dma_wait3A_38 = arith.constant 0 : i32
    %dma_wait3A_39 = arith.constant 0 : i32
    %dma_wait3A_40 = tpu.memref_slice %arg2[%dma_wait3A_38, %dma_wait3A_39] : memref<10240x128xf32, #tpu.memory_space<hbm>> -> memref<10240x128xf32, #tpu.memory_space<hbm>>
    tpu.wait_indirect_dma semaphore(%arg13 : memref<!tpu.dma_semaphore, #tpu.memory_space<semaphore_mem>>) src(%dma_wait3A_40 : memref<10240x128xf32, #tpu.memory_space<hbm>>) dst(%arg10 : memref<128x128xf32, #tpu.memory_space<vmem>>)
    %run_scoped3A_41 = arith.constant 39 : i32
    "tpu.region"() ({
      %run_scoped3A_99 = tpu.sem_alloc : memref<!tpu.dma_semaphore, #tpu.memory_space<semaphore_mem>>
      %dma_start3A_100 = arith.constant 0 : i32
      %dma_start3A_101 = tpu.memref_slice %arg8[%run_scoped3A_41, %dma_start3A_100] : memref<40x128xi32, #tpu.memory_space<vmem>> -> memref<1x128xi32, #tpu.memory_space<vmem>>
      %dma_start3A_102 = tpu.memref_squeeze %dma_start3A_101 : memref<1x128xi32, #tpu.memory_space<vmem>> -> memref<128xi32, #tpu.memory_space<vmem>>
      %dma_start3A_103 = arith.constant 0 : i32
      %dma_start3A_104 = arith.constant 0 : i32
      %dma_start3A_105 = tpu.memref_slice %arg11[%dma_start3A_103, %dma_start3A_104] : memref<10240x128xf32, #tpu.memory_space<vmem_shared>> -> memref<10240x128xf32, #tpu.memory_space<vmem_shared>>
      tpu.enqueue_indirect_dma source(%arg10 : memref<128x128xf32, #tpu.memory_space<vmem>>) target(%dma_start3A_105 : memref<10240x128xf32, #tpu.memory_space<vmem_shared>>) offsets(%dma_start3A_102 : memref<128xi32, #tpu.memory_space<vmem>>) semaphore(%run_scoped3A_99 : memref<!tpu.dma_semaphore, #tpu.memory_space<semaphore_mem>>) {add = true}
      %dma_wait3A_106 = arith.constant 0 : i32
      %dma_wait3A_107 = tpu.memref_slice %arg8[%run_scoped3A_41, %dma_wait3A_106] : memref<40x128xi32, #tpu.memory_space<vmem>> -> memref<1x128xi32, #tpu.memory_space<vmem>>
      %dma_wait3A_108 = tpu.memref_squeeze %dma_wait3A_107 : memref<1x128xi32, #tpu.memory_space<vmem>> -> memref<128xi32, #tpu.memory_space<vmem>>
      %dma_wait3A_109 = arith.constant 0 : i32
      %dma_wait3A_110 = arith.constant 0 : i32
      %dma_wait3A_111 = tpu.memref_slice %arg11[%dma_wait3A_109, %dma_wait3A_110] : memref<10240x128xf32, #tpu.memory_space<vmem_shared>> -> memref<10240x128xf32, #tpu.memory_space<vmem_shared>>
      tpu.wait_indirect_dma semaphore(%run_scoped3A_99 : memref<!tpu.dma_semaphore, #tpu.memory_space<semaphore_mem>>) src(%arg10 : memref<128x128xf32, #tpu.memory_space<vmem>>) dst(%dma_wait3A_111 : memref<10240x128xf32, #tpu.memory_space<vmem_shared>>)
      tpu.yield
    }) : () -> ()
    "tpu.region"() ({
      %run_scoped3A_99 = tpu.sem_alloc : memref<!tpu.dma_semaphore, #tpu.memory_space<semaphore_mem>>
      %dma_start3A_100 = arith.constant 40 : i32
      %dma_start3A_101 = arith.constant 0 : i32
      %dma_start3A_102 = tpu.memref_slice %arg3[%arg0, %arg1, %dma_start3A_100, %dma_start3A_101] : memref<2x16x80x128xi32, #tpu.memory_space<hbm>> -> memref<1x1x40x128xi32, #tpu.memory_space<hbm>>
      %dma_start3A_103 = tpu.memref_squeeze %dma_start3A_102 : memref<1x1x40x128xi32, #tpu.memory_space<hbm>> -> memref<40x128xi32, #tpu.memory_space<hbm>>
      %dma_start3A_104 = arith.constant 40 : i32
      %dma_start3A_105 = arith.constant 0 : i32
      %dma_start3A_106 = tpu.memref_slice %arg3[%arg0, %arg1, %dma_start3A_104, %dma_start3A_105] : memref<2x16x80x128xi32, #tpu.memory_space<hbm>> -> memref<1x1x40x128xi32, #tpu.memory_space<hbm>>
      %dma_start3A_107 = tpu.memref_squeeze %dma_start3A_106 : memref<1x1x40x128xi32, #tpu.memory_space<hbm>> -> memref<40x128xi32, #tpu.memory_space<hbm>>
      tpu.enqueue_dma source(%dma_start3A_107 : memref<40x128xi32, #tpu.memory_space<hbm>>) target(%arg7 : memref<40x128xi32, #tpu.memory_space<vmem>>) target_semaphore(%run_scoped3A_99 : memref<!tpu.dma_semaphore, #tpu.memory_space<semaphore_mem>>)
      %dma_wait3A_108 = arith.constant 40 : i32
      %dma_wait3A_109 = arith.constant 0 : i32
      %dma_wait3A_110 = tpu.memref_slice %arg3[%arg0, %arg1, %dma_wait3A_108, %dma_wait3A_109] : memref<2x16x80x128xi32, #tpu.memory_space<hbm>> -> memref<1x1x40x128xi32, #tpu.memory_space<hbm>>
      %dma_wait3A_111 = tpu.memref_squeeze %dma_wait3A_110 : memref<1x1x40x128xi32, #tpu.memory_space<hbm>> -> memref<40x128xi32, #tpu.memory_space<hbm>>
      %dma_wait3A_112 = arith.constant 40 : i32
      %dma_wait3A_113 = arith.constant 0 : i32
      %dma_wait3A_114 = tpu.memref_slice %arg3[%arg0, %arg1, %dma_wait3A_112, %dma_wait3A_113] : memref<2x16x80x128xi32, #tpu.memory_space<hbm>> -> memref<1x1x40x128xi32, #tpu.memory_space<hbm>>
      %dma_wait3A_115 = tpu.memref_squeeze %dma_wait3A_114 : memref<1x1x40x128xi32, #tpu.memory_space<hbm>> -> memref<40x128xi32, #tpu.memory_space<hbm>>
      tpu.wait_dma2 semaphore(%run_scoped3A_99 : memref<!tpu.dma_semaphore, #tpu.memory_space<semaphore_mem>>) src(%dma_wait3A_115 : memref<40x128xi32, #tpu.memory_space<hbm>>) dst(%arg7 : memref<40x128xi32, #tpu.memory_space<vmem>>)
      tpu.yield
    }) : () -> ()
    "tpu.region"() ({
      %run_scoped3A_99 = tpu.sem_alloc : memref<!tpu.dma_semaphore, #tpu.memory_space<semaphore_mem>>
      %dma_start3A_100 = arith.constant 40 : i32
      %dma_start3A_101 = arith.constant 0 : i32
      %dma_start3A_102 = tpu.memref_slice %arg4[%arg0, %arg1, %dma_start3A_100, %dma_start3A_101] : memref<2x16x80x128xi32, #tpu.memory_space<hbm>> -> memref<1x1x40x128xi32, #tpu.memory_space<hbm>>
      %dma_start3A_103 = tpu.memref_squeeze %dma_start3A_102 : memref<1x1x40x128xi32, #tpu.memory_space<hbm>> -> memref<40x128xi32, #tpu.memory_space<hbm>>
      %dma_start3A_104 = arith.constant 40 : i32
      %dma_start3A_105 = arith.constant 0 : i32
      %dma_start3A_106 = tpu.memref_slice %arg4[%arg0, %arg1, %dma_start3A_104, %dma_start3A_105] : memref<2x16x80x128xi32, #tpu.memory_space<hbm>> -> memref<1x1x40x128xi32, #tpu.memory_space<hbm>>
      %dma_start3A_107 = tpu.memref_squeeze %dma_start3A_106 : memref<1x1x40x128xi32, #tpu.memory_space<hbm>> -> memref<40x128xi32, #tpu.memory_space<hbm>>
      tpu.enqueue_dma source(%dma_start3A_107 : memref<40x128xi32, #tpu.memory_space<hbm>>) target(%arg8 : memref<40x128xi32, #tpu.memory_space<vmem>>) target_semaphore(%run_scoped3A_99 : memref<!tpu.dma_semaphore, #tpu.memory_space<semaphore_mem>>)
      %dma_wait3A_108 = arith.constant 40 : i32
      %dma_wait3A_109 = arith.constant 0 : i32
      %dma_wait3A_110 = tpu.memref_slice %arg4[%arg0, %arg1, %dma_wait3A_108, %dma_wait3A_109] : memref<2x16x80x128xi32, #tpu.memory_space<hbm>> -> memref<1x1x40x128xi32, #tpu.memory_space<hbm>>
      %dma_wait3A_111 = tpu.memref_squeeze %dma_wait3A_110 : memref<1x1x40x128xi32, #tpu.memory_space<hbm>> -> memref<40x128xi32, #tpu.memory_space<hbm>>
      %dma_wait3A_112 = arith.constant 40 : i32
      %dma_wait3A_113 = arith.constant 0 : i32
      %dma_wait3A_114 = tpu.memref_slice %arg4[%arg0, %arg1, %dma_wait3A_112, %dma_wait3A_113] : memref<2x16x80x128xi32, #tpu.memory_space<hbm>> -> memref<1x1x40x128xi32, #tpu.memory_space<hbm>>
      %dma_wait3A_115 = tpu.memref_squeeze %dma_wait3A_114 : memref<1x1x40x128xi32, #tpu.memory_space<hbm>> -> memref<40x128xi32, #tpu.memory_space<hbm>>
      tpu.wait_dma2 semaphore(%run_scoped3A_99 : memref<!tpu.dma_semaphore, #tpu.memory_space<semaphore_mem>>) src(%dma_wait3A_115 : memref<40x128xi32, #tpu.memory_space<hbm>>) dst(%arg8 : memref<40x128xi32, #tpu.memory_space<vmem>>)
      tpu.yield
    }) : () -> ()
    %dma_start3A_42 = arith.constant 0 : i32
    %dma_start3A_43 = arith.constant 0 : i32
    %dma_start3A_44 = tpu.memref_slice %arg7[%dma_start3A_42, %dma_start3A_43] : memref<40x128xi32, #tpu.memory_space<vmem>> -> memref<1x128xi32, #tpu.memory_space<vmem>>
    %dma_start3A_45 = tpu.memref_squeeze %dma_start3A_44 : memref<1x128xi32, #tpu.memory_space<vmem>> -> memref<128xi32, #tpu.memory_space<vmem>>
    %dma_start3A_46 = arith.constant 0 : i32
    %dma_start3A_47 = arith.constant 0 : i32
    %dma_start3A_48 = tpu.memref_slice %arg2[%dma_start3A_46, %dma_start3A_47] : memref<10240x128xf32, #tpu.memory_space<hbm>> -> memref<10240x128xf32, #tpu.memory_space<hbm>>
    tpu.enqueue_indirect_dma source(%dma_start3A_48 : memref<10240x128xf32, #tpu.memory_space<hbm>>) target(%arg9 : memref<128x128xf32, #tpu.memory_space<vmem>>) offsets(%dma_start3A_45 : memref<128xi32, #tpu.memory_space<vmem>>) semaphore(%arg12 : memref<!tpu.dma_semaphore, #tpu.memory_space<semaphore_mem>>)
    %dma_start3A_49 = arith.constant 1 : i32
    %dma_start3A_50 = arith.constant 0 : i32
    %dma_start3A_51 = tpu.memref_slice %arg7[%dma_start3A_49, %dma_start3A_50] : memref<40x128xi32, #tpu.memory_space<vmem>> -> memref<1x128xi32, #tpu.memory_space<vmem>>
    %dma_start3A_52 = tpu.memref_squeeze %dma_start3A_51 : memref<1x128xi32, #tpu.memory_space<vmem>> -> memref<128xi32, #tpu.memory_space<vmem>>
    %dma_start3A_53 = arith.constant 0 : i32
    %dma_start3A_54 = arith.constant 0 : i32
    %dma_start3A_55 = tpu.memref_slice %arg2[%dma_start3A_53, %dma_start3A_54] : memref<10240x128xf32, #tpu.memory_space<hbm>> -> memref<10240x128xf32, #tpu.memory_space<hbm>>
    tpu.enqueue_indirect_dma source(%dma_start3A_55 : memref<10240x128xf32, #tpu.memory_space<hbm>>) target(%arg10 : memref<128x128xf32, #tpu.memory_space<vmem>>) offsets(%dma_start3A_52 : memref<128xi32, #tpu.memory_space<vmem>>) semaphore(%arg13 : memref<!tpu.dma_semaphore, #tpu.memory_space<semaphore_mem>>)
    %scan3A_56 = arith.constant 0 : i32
    %scan3A_57 = arith.constant 0 : i32
    %scan3A_58 = arith.constant 19 : i32
    %scan3A_59 = arith.addi %scan3A_57, %scan3A_58 : i32
    %scan3A_60 = arith.constant 1 : i32
    scf.for %scan3A_99 = %scan3A_57 to %scan3A_59 step %scan3A_60  : i32 {
      %mul3A_100 = arith.constant 2 : i32
      %mul3A_101 = arith.muli %mul3A_100, %scan3A_99 : i32
      %dma_wait3A_102 = arith.constant 0 : i32
      %dma_wait3A_103 = tpu.memref_slice %arg7[%mul3A_101, %dma_wait3A_102] : memref<40x128xi32, #tpu.memory_space<vmem>> -> memref<1x128xi32, #tpu.memory_space<vmem>>
      %dma_wait3A_104 = tpu.memref_squeeze %dma_wait3A_103 : memref<1x128xi32, #tpu.memory_space<vmem>> -> memref<128xi32, #tpu.memory_space<vmem>>
      %dma_wait3A_105 = arith.constant 0 : i32
      %dma_wait3A_106 = arith.constant 0 : i32
      %dma_wait3A_107 = tpu.memref_slice %arg2[%dma_wait3A_105, %dma_wait3A_106] : memref<10240x128xf32, #tpu.memory_space<hbm>> -> memref<10240x128xf32, #tpu.memory_space<hbm>>
      tpu.wait_indirect_dma semaphore(%arg12 : memref<!tpu.dma_semaphore, #tpu.memory_space<semaphore_mem>>) src(%dma_wait3A_107 : memref<10240x128xf32, #tpu.memory_space<hbm>>) dst(%arg9 : memref<128x128xf32, #tpu.memory_space<vmem>>)
      "tpu.region"() ({
        %run_scoped3A_134 = tpu.sem_alloc : memref<!tpu.dma_semaphore, #tpu.memory_space<semaphore_mem>>
        %dma_start3A_135 = arith.constant 0 : i32
        %dma_start3A_136 = tpu.memref_slice %arg8[%mul3A_101, %dma_start3A_135] : memref<40x128xi32, #tpu.memory_space<vmem>> -> memref<1x128xi32, #tpu.memory_space<vmem>>
        %dma_start3A_137 = tpu.memref_squeeze %dma_start3A_136 : memref<1x128xi32, #tpu.memory_space<vmem>> -> memref<128xi32, #tpu.memory_space<vmem>>
        %dma_start3A_138 = arith.constant 0 : i32
        %dma_start3A_139 = arith.constant 0 : i32
        %dma_start3A_140 = tpu.memref_slice %arg11[%dma_start3A_138, %dma_start3A_139] : memref<10240x128xf32, #tpu.memory_space<vmem_shared>> -> memref<10240x128xf32, #tpu.memory_space<vmem_shared>>
        tpu.enqueue_indirect_dma source(%arg9 : memref<128x128xf32, #tpu.memory_space<vmem>>) target(%dma_start3A_140 : memref<10240x128xf32, #tpu.memory_space<vmem_shared>>) offsets(%dma_start3A_137 : memref<128xi32, #tpu.memory_space<vmem>>) semaphore(%run_scoped3A_134 : memref<!tpu.dma_semaphore, #tpu.memory_space<semaphore_mem>>) {add = true}
        %dma_wait3A_141 = arith.constant 0 : i32
        %dma_wait3A_142 = tpu.memref_slice %arg8[%mul3A_101, %dma_wait3A_141] : memref<40x128xi32, #tpu.memory_space<vmem>> -> memref<1x128xi32, #tpu.memory_space<vmem>>
        %dma_wait3A_143 = tpu.memref_squeeze %dma_wait3A_142 : memref<1x128xi32, #tpu.memory_space<vmem>> -> memref<128xi32, #tpu.memory_space<vmem>>
        %dma_wait3A_144 = arith.constant 0 : i32
        %dma_wait3A_145 = arith.constant 0 : i32
        %dma_wait3A_146 = tpu.memref_slice %arg11[%dma_wait3A_144, %dma_wait3A_145] : memref<10240x128xf32, #tpu.memory_space<vmem_shared>> -> memref<10240x128xf32, #tpu.memory_space<vmem_shared>>
        tpu.wait_indirect_dma semaphore(%run_scoped3A_134 : memref<!tpu.dma_semaphore, #tpu.memory_space<semaphore_mem>>) src(%arg9 : memref<128x128xf32, #tpu.memory_space<vmem>>) dst(%dma_wait3A_146 : memref<10240x128xf32, #tpu.memory_space<vmem_shared>>)
        tpu.yield
      }) : () -> ()
      %add3A_108 = arith.constant 2 : i32
      %add3A_109 = arith.addi %mul3A_101, %add3A_108 : i32
      %dma_start3A_110 = arith.constant 0 : i32
      %dma_start3A_111 = tpu.memref_slice %arg7[%add3A_109, %dma_start3A_110] : memref<40x128xi32, #tpu.memory_space<vmem>> -> memref<1x128xi32, #tpu.memory_space<vmem>>
      %dma_start3A_112 = tpu.memref_squeeze %dma_start3A_111 : memref<1x128xi32, #tpu.memory_space<vmem>> -> memref<128xi32, #tpu.memory_space<vmem>>
      %dma_start3A_113 = arith.constant 0 : i32
      %dma_start3A_114 = arith.constant 0 : i32
      %dma_start3A_115 = tpu.memref_slice %arg2[%dma_start3A_113, %dma_start3A_114] : memref<10240x128xf32, #tpu.memory_space<hbm>> -> memref<10240x128xf32, #tpu.memory_space<hbm>>
      tpu.enqueue_indirect_dma source(%dma_start3A_115 : memref<10240x128xf32, #tpu.memory_space<hbm>>) target(%arg9 : memref<128x128xf32, #tpu.memory_space<vmem>>) offsets(%dma_start3A_112 : memref<128xi32, #tpu.memory_space<vmem>>) semaphore(%arg12 : memref<!tpu.dma_semaphore, #tpu.memory_space<semaphore_mem>>)
      %add3A_116 = arith.constant 1 : i32
      %add3A_117 = arith.addi %mul3A_101, %add3A_116 : i32
      %dma_wait3A_118 = arith.constant 0 : i32
      %dma_wait3A_119 = tpu.memref_slice %arg7[%add3A_117, %dma_wait3A_118] : memref<40x128xi32, #tpu.memory_space<vmem>> -> memref<1x128xi32, #tpu.memory_space<vmem>>
      %dma_wait3A_120 = tpu.memref_squeeze %dma_wait3A_119 : memref<1x128xi32, #tpu.memory_space<vmem>> -> memref<128xi32, #tpu.memory_space<vmem>>
      %dma_wait3A_121 = arith.constant 0 : i32
      %dma_wait3A_122 = arith.constant 0 : i32
      %dma_wait3A_123 = tpu.memref_slice %arg2[%dma_wait3A_121, %dma_wait3A_122] : memref<10240x128xf32, #tpu.memory_space<hbm>> -> memref<10240x128xf32, #tpu.memory_space<hbm>>
      tpu.wait_indirect_dma semaphore(%arg13 : memref<!tpu.dma_semaphore, #tpu.memory_space<semaphore_mem>>) src(%dma_wait3A_123 : memref<10240x128xf32, #tpu.memory_space<hbm>>) dst(%arg10 : memref<128x128xf32, #tpu.memory_space<vmem>>)
      %add3A_124 = arith.constant 1 : i32
      %add3A_125 = arith.addi %mul3A_101, %add3A_124 : i32
      "tpu.region"() ({
        %run_scoped3A_134 = tpu.sem_alloc : memref<!tpu.dma_semaphore, #tpu.memory_space<semaphore_mem>>
        %dma_start3A_135 = arith.constant 0 : i32
        %dma_start3A_136 = tpu.memref_slice %arg8[%add3A_125, %dma_start3A_135] : memref<40x128xi32, #tpu.memory_space<vmem>> -> memref<1x128xi32, #tpu.memory_space<vmem>>
        %dma_start3A_137 = tpu.memref_squeeze %dma_start3A_136 : memref<1x128xi32, #tpu.memory_space<vmem>> -> memref<128xi32, #tpu.memory_space<vmem>>
        %dma_start3A_138 = arith.constant 0 : i32
        %dma_start3A_139 = arith.constant 0 : i32
        %dma_start3A_140 = tpu.memref_slice %arg11[%dma_start3A_138, %dma_start3A_139] : memref<10240x128xf32, #tpu.memory_space<vmem_shared>> -> memref<10240x128xf32, #tpu.memory_space<vmem_shared>>
        tpu.enqueue_indirect_dma source(%arg10 : memref<128x128xf32, #tpu.memory_space<vmem>>) target(%dma_start3A_140 : memref<10240x128xf32, #tpu.memory_space<vmem_shared>>) offsets(%dma_start3A_137 : memref<128xi32, #tpu.memory_space<vmem>>) semaphore(%run_scoped3A_134 : memref<!tpu.dma_semaphore, #tpu.memory_space<semaphore_mem>>) {add = true}
        %dma_wait3A_141 = arith.constant 0 : i32
        %dma_wait3A_142 = tpu.memref_slice %arg8[%add3A_125, %dma_wait3A_141] : memref<40x128xi32, #tpu.memory_space<vmem>> -> memref<1x128xi32, #tpu.memory_space<vmem>>
        %dma_wait3A_143 = tpu.memref_squeeze %dma_wait3A_142 : memref<1x128xi32, #tpu.memory_space<vmem>> -> memref<128xi32, #tpu.memory_space<vmem>>
        %dma_wait3A_144 = arith.constant 0 : i32
        %dma_wait3A_145 = arith.constant 0 : i32
        %dma_wait3A_146 = tpu.memref_slice %arg11[%dma_wait3A_144, %dma_wait3A_145] : memref<10240x128xf32, #tpu.memory_space<vmem_shared>> -> memref<10240x128xf32, #tpu.memory_space<vmem_shared>>
        tpu.wait_indirect_dma semaphore(%run_scoped3A_134 : memref<!tpu.dma_semaphore, #tpu.memory_space<semaphore_mem>>) src(%arg10 : memref<128x128xf32, #tpu.memory_space<vmem>>) dst(%dma_wait3A_146 : memref<10240x128xf32, #tpu.memory_space<vmem_shared>>)
        tpu.yield
      }) : () -> ()
      %add3A_126 = arith.constant 3 : i32
      %add3A_127 = arith.addi %mul3A_101, %add3A_126 : i32
      %dma_start3A_128 = arith.constant 0 : i32
      %dma_start3A_129 = tpu.memref_slice %arg7[%add3A_127, %dma_start3A_128] : memref<40x128xi32, #tpu.memory_space<vmem>> -> memref<1x128xi32, #tpu.memory_space<vmem>>
      %dma_start3A_130 = tpu.memref_squeeze %dma_start3A_129 : memref<1x128xi32, #tpu.memory_space<vmem>> -> memref<128xi32, #tpu.memory_space<vmem>>
      %dma_start3A_131 = arith.constant 0 : i32
      %dma_start3A_132 = arith.constant 0 : i32
      %dma_start3A_133 = tpu.memref_slice %arg2[%dma_start3A_131, %dma_start3A_132] : memref<10240x128xf32, #tpu.memory_space<hbm>> -> memref<10240x128xf32, #tpu.memory_space<hbm>>
      tpu.enqueue_indirect_dma source(%dma_start3A_133 : memref<10240x128xf32, #tpu.memory_space<hbm>>) target(%arg10 : memref<128x128xf32, #tpu.memory_space<vmem>>) offsets(%dma_start3A_130 : memref<128xi32, #tpu.memory_space<vmem>>) semaphore(%arg13 : memref<!tpu.dma_semaphore, #tpu.memory_space<semaphore_mem>>)
    }
    %scan3A_61 = arith.constant 19 : i32
    %dma_wait3A_62 = arith.constant 38 : i32
    %dma_wait3A_63 = arith.constant 0 : i32
    %dma_wait3A_64 = tpu.memref_slice %arg7[%dma_wait3A_62, %dma_wait3A_63] : memref<40x128xi32, #tpu.memory_space<vmem>> -> memref<1x128xi32, #tpu.memory_space<vmem>>
    %dma_wait3A_65 = tpu.memref_squeeze %dma_wait3A_64 : memref<1x128xi32, #tpu.memory_space<vmem>> -> memref<128xi32, #tpu.memory_space<vmem>>
    %dma_wait3A_66 = arith.constant 0 : i32
    %dma_wait3A_67 = arith.constant 0 : i32
    %dma_wait3A_68 = tpu.memref_slice %arg2[%dma_wait3A_66, %dma_wait3A_67] : memref<10240x128xf32, #tpu.memory_space<hbm>> -> memref<10240x128xf32, #tpu.memory_space<hbm>>
    tpu.wait_indirect_dma semaphore(%arg12 : memref<!tpu.dma_semaphore, #tpu.memory_space<semaphore_mem>>) src(%dma_wait3A_68 : memref<10240x128xf32, #tpu.memory_space<hbm>>) dst(%arg9 : memref<128x128xf32, #tpu.memory_space<vmem>>)
    %run_scoped3A_69 = arith.constant 38 : i32
    "tpu.region"() ({
      %run_scoped3A_99 = tpu.sem_alloc : memref<!tpu.dma_semaphore, #tpu.memory_space<semaphore_mem>>
      %dma_start3A_100 = arith.constant 0 : i32
      %dma_start3A_101 = tpu.memref_slice %arg8[%run_scoped3A_69, %dma_start3A_100] : memref<40x128xi32, #tpu.memory_space<vmem>> -> memref<1x128xi32, #tpu.memory_space<vmem>>
      %dma_start3A_102 = tpu.memref_squeeze %dma_start3A_101 : memref<1x128xi32, #tpu.memory_space<vmem>> -> memref<128xi32, #tpu.memory_space<vmem>>
      %dma_start3A_103 = arith.constant 0 : i32
      %dma_start3A_104 = arith.constant 0 : i32
      %dma_start3A_105 = tpu.memref_slice %arg11[%dma_start3A_103, %dma_start3A_104] : memref<10240x128xf32, #tpu.memory_space<vmem_shared>> -> memref<10240x128xf32, #tpu.memory_space<vmem_shared>>
      tpu.enqueue_indirect_dma source(%arg9 : memref<128x128xf32, #tpu.memory_space<vmem>>) target(%dma_start3A_105 : memref<10240x128xf32, #tpu.memory_space<vmem_shared>>) offsets(%dma_start3A_102 : memref<128xi32, #tpu.memory_space<vmem>>) semaphore(%run_scoped3A_99 : memref<!tpu.dma_semaphore, #tpu.memory_space<semaphore_mem>>) {add = true}
      %dma_wait3A_106 = arith.constant 0 : i32
      %dma_wait3A_107 = tpu.memref_slice %arg8[%run_scoped3A_69, %dma_wait3A_106] : memref<40x128xi32, #tpu.memory_space<vmem>> -> memref<1x128xi32, #tpu.memory_space<vmem>>
      %dma_wait3A_108 = tpu.memref_squeeze %dma_wait3A_107 : memref<1x128xi32, #tpu.memory_space<vmem>> -> memref<128xi32, #tpu.memory_space<vmem>>
      %dma_wait3A_109 = arith.constant 0 : i32
      %dma_wait3A_110 = arith.constant 0 : i32
      %dma_wait3A_111 = tpu.memref_slice %arg11[%dma_wait3A_109, %dma_wait3A_110] : memref<10240x128xf32, #tpu.memory_space<vmem_shared>> -> memref<10240x128xf32, #tpu.memory_space<vmem_shared>>
      tpu.wait_indirect_dma semaphore(%run_scoped3A_99 : memref<!tpu.dma_semaphore, #tpu.memory_space<semaphore_mem>>) src(%arg9 : memref<128x128xf32, #tpu.memory_space<vmem>>) dst(%dma_wait3A_111 : memref<10240x128xf32, #tpu.memory_space<vmem_shared>>)
      tpu.yield
    }) : () -> ()
    %dma_wait3A_70 = arith.constant 39 : i32
    %dma_wait3A_71 = arith.constant 0 : i32
    %dma_wait3A_72 = tpu.memref_slice %arg7[%dma_wait3A_70, %dma_wait3A_71] : memref<40x128xi32, #tpu.memory_space<vmem>> -> memref<1x128xi32, #tpu.memory_space<vmem>>
    %dma_wait3A_73 = tpu.memref_squeeze %dma_wait3A_72 : memref<1x128xi32, #tpu.memory_space<vmem>> -> memref<128xi32, #tpu.memory_space<vmem>>
    %dma_wait3A_74 = arith.constant 0 : i32
    %dma_wait3A_75 = arith.constant 0 : i32
    %dma_wait3A_76 = tpu.memref_slice %arg2[%dma_wait3A_74, %dma_wait3A_75] : memref<10240x128xf32, #tpu.memory_space<hbm>> -> memref<10240x128xf32, #tpu.memory_space<hbm>>
    tpu.wait_indirect_dma semaphore(%arg13 : memref<!tpu.dma_semaphore, #tpu.memory_space<semaphore_mem>>) src(%dma_wait3A_76 : memref<10240x128xf32, #tpu.memory_space<hbm>>) dst(%arg10 : memref<128x128xf32, #tpu.memory_space<vmem>>)
    %run_scoped3A_77 = arith.constant 39 : i32
    "tpu.region"() ({
      %run_scoped3A_99 = tpu.sem_alloc : memref<!tpu.dma_semaphore, #tpu.memory_space<semaphore_mem>>
      %dma_start3A_100 = arith.constant 0 : i32
      %dma_start3A_101 = tpu.memref_slice %arg8[%run_scoped3A_77, %dma_start3A_100] : memref<40x128xi32, #tpu.memory_space<vmem>> -> memref<1x128xi32, #tpu.memory_space<vmem>>
      %dma_start3A_102 = tpu.memref_squeeze %dma_start3A_101 : memref<1x128xi32, #tpu.memory_space<vmem>> -> memref<128xi32, #tpu.memory_space<vmem>>
      %dma_start3A_103 = arith.constant 0 : i32
      %dma_start3A_104 = arith.constant 0 : i32
      %dma_start3A_105 = tpu.memref_slice %arg11[%dma_start3A_103, %dma_start3A_104] : memref<10240x128xf32, #tpu.memory_space<vmem_shared>> -> memref<10240x128xf32, #tpu.memory_space<vmem_shared>>
      tpu.enqueue_indirect_dma source(%arg10 : memref<128x128xf32, #tpu.memory_space<vmem>>) target(%dma_start3A_105 : memref<10240x128xf32, #tpu.memory_space<vmem_shared>>) offsets(%dma_start3A_102 : memref<128xi32, #tpu.memory_space<vmem>>) semaphore(%run_scoped3A_99 : memref<!tpu.dma_semaphore, #tpu.memory_space<semaphore_mem>>) {add = true}
      %dma_wait3A_106 = arith.constant 0 : i32
      %dma_wait3A_107 = tpu.memref_slice %arg8[%run_scoped3A_77, %dma_wait3A_106] : memref<40x128xi32, #tpu.memory_space<vmem>> -> memref<1x128xi32, #tpu.memory_space<vmem>>
      %dma_wait3A_108 = tpu.memref_squeeze %dma_wait3A_107 : memref<1x128xi32, #tpu.memory_space<vmem>> -> memref<128xi32, #tpu.memory_space<vmem>>
      %dma_wait3A_109 = arith.constant 0 : i32
      %dma_wait3A_110 = arith.constant 0 : i32
      %dma_wait3A_111 = tpu.memref_slice %arg11[%dma_wait3A_109, %dma_wait3A_110] : memref<10240x128xf32, #tpu.memory_space<vmem_shared>> -> memref<10240x128xf32, #tpu.memory_space<vmem_shared>>
      tpu.wait_indirect_dma semaphore(%run_scoped3A_99 : memref<!tpu.dma_semaphore, #tpu.memory_space<semaphore_mem>>) src(%arg10 : memref<128x128xf32, #tpu.memory_space<vmem>>) dst(%dma_wait3A_111 : memref<10240x128xf32, #tpu.memory_space<vmem_shared>>)
      tpu.yield
    }) : () -> ()
    %barrier3A_78 = arith.constant 0 : index
    tpu.barrier barrier_id(%barrier3A_78)
    %add3A_79 = arith.constant 0 : i32
    %add3A_80 = arith.addi %mul3A_0, %add3A_79 : i32
    %add3A_81 = arith.constant 0 : i32
    %add3A_82 = arith.addi %mul3A_0, %add3A_81 : i32
    "tpu.region"() ({
      %run_scoped3A_99 = tpu.sem_alloc : memref<!tpu.dma_semaphore, #tpu.memory_space<semaphore_mem>>
      %dma_start3A_100 = arith.constant 0 : i32
      %dma_start3A_101 = tpu.memref_slice %arg6[%arg0, %add3A_82, %dma_start3A_100] : memref<2x10240x128xf32, #tpu.memory_space<hbm>> -> memref<1x128x128xf32, #tpu.memory_space<hbm>>
      %dma_start3A_102 = tpu.memref_squeeze %dma_start3A_101 : memref<1x128x128xf32, #tpu.memory_space<hbm>> -> memref<128x128xf32, #tpu.memory_space<hbm>>
      %dma_start3A_103 = arith.constant 0 : i32
      %dma_start3A_104 = tpu.memref_slice %arg11[%add3A_80, %dma_start3A_103] : memref<10240x128xf32, #tpu.memory_space<vmem_shared>> -> memref<128x128xf32, #tpu.memory_space<vmem_shared>>
      tpu.enqueue_dma source(%dma_start3A_104 : memref<128x128xf32, #tpu.memory_space<vmem_shared>>) target(%dma_start3A_102 : memref<128x128xf32, #tpu.memory_space<hbm>>) target_semaphore(%run_scoped3A_99 : memref<!tpu.dma_semaphore, #tpu.memory_space<semaphore_mem>>)
      %dma_wait3A_105 = arith.constant 0 : i32
      %dma_wait3A_106 = tpu.memref_slice %arg6[%arg0, %add3A_82, %dma_wait3A_105] : memref<2x10240x128xf32, #tpu.memory_space<hbm>> -> memref<1x128x128xf32, #tpu.memory_space<hbm>>
      %dma_wait3A_107 = tpu.memref_squeeze %dma_wait3A_106 : memref<1x128x128xf32, #tpu.memory_space<hbm>> -> memref<128x128xf32, #tpu.memory_space<hbm>>
      %dma_wait3A_108 = arith.constant 0 : i32
      %dma_wait3A_109 = tpu.memref_slice %arg11[%add3A_80, %dma_wait3A_108] : memref<10240x128xf32, #tpu.memory_space<vmem_shared>> -> memref<128x128xf32, #tpu.memory_space<vmem_shared>>
      tpu.wait_dma2 semaphore(%run_scoped3A_99 : memref<!tpu.dma_semaphore, #tpu.memory_space<semaphore_mem>>) src(%dma_wait3A_109 : memref<128x128xf32, #tpu.memory_space<vmem_shared>>) dst(%dma_wait3A_107 : memref<128x128xf32, #tpu.memory_space<hbm>>)
      tpu.yield
    }) : () -> ()
    %add3A_83 = arith.constant 128 : i32
    %add3A_84 = arith.addi %mul3A_0, %add3A_83 : i32
    %add3A_85 = arith.constant 128 : i32
    %add3A_86 = arith.addi %mul3A_0, %add3A_85 : i32
    "tpu.region"() ({
      %run_scoped3A_99 = tpu.sem_alloc : memref<!tpu.dma_semaphore, #tpu.memory_space<semaphore_mem>>
      %dma_start3A_100 = arith.constant 0 : i32
      %dma_start3A_101 = tpu.memref_slice %arg6[%arg0, %add3A_86, %dma_start3A_100] : memref<2x10240x128xf32, #tpu.memory_space<hbm>> -> memref<1x128x128xf32, #tpu.memory_space<hbm>>
      %dma_start3A_102 = tpu.memref_squeeze %dma_start3A_101 : memref<1x128x128xf32, #tpu.memory_space<hbm>> -> memref<128x128xf32, #tpu.memory_space<hbm>>
      %dma_start3A_103 = arith.constant 0 : i32
      %dma_start3A_104 = tpu.memref_slice %arg11[%add3A_84, %dma_start3A_103] : memref<10240x128xf32, #tpu.memory_space<vmem_shared>> -> memref<128x128xf32, #tpu.memory_space<vmem_shared>>
      tpu.enqueue_dma source(%dma_start3A_104 : memref<128x128xf32, #tpu.memory_space<vmem_shared>>) target(%dma_start3A_102 : memref<128x128xf32, #tpu.memory_space<hbm>>) target_semaphore(%run_scoped3A_99 : memref<!tpu.dma_semaphore, #tpu.memory_space<semaphore_mem>>)
      %dma_wait3A_105 = arith.constant 0 : i32
      %dma_wait3A_106 = tpu.memref_slice %arg6[%arg0, %add3A_86, %dma_wait3A_105] : memref<2x10240x128xf32, #tpu.memory_space<hbm>> -> memref<1x128x128xf32, #tpu.memory_space<hbm>>
      %dma_wait3A_107 = tpu.memref_squeeze %dma_wait3A_106 : memref<1x128x128xf32, #tpu.memory_space<hbm>> -> memref<128x128xf32, #tpu.memory_space<hbm>>
      %dma_wait3A_108 = arith.constant 0 : i32
      %dma_wait3A_109 = tpu.memref_slice %arg11[%add3A_84, %dma_wait3A_108] : memref<10240x128xf32, #tpu.memory_space<vmem_shared>> -> memref<128x128xf32, #tpu.memory_space<vmem_shared>>
      tpu.wait_dma2 semaphore(%run_scoped3A_99 : memref<!tpu.dma_semaphore, #tpu.memory_space<semaphore_mem>>) src(%dma_wait3A_109 : memref<128x128xf32, #tpu.memory_space<vmem_shared>>) dst(%dma_wait3A_107 : memref<128x128xf32, #tpu.memory_space<hbm>>)
      tpu.yield
    }) : () -> ()
    %add3A_87 = arith.constant 256 : i32
    %add3A_88 = arith.addi %mul3A_0, %add3A_87 : i32
    %add3A_89 = arith.constant 256 : i32
    %add3A_90 = arith.addi %mul3A_0, %add3A_89 : i32
    "tpu.region"() ({
      %run_scoped3A_99 = tpu.sem_alloc : memref<!tpu.dma_semaphore, #tpu.memory_space<semaphore_mem>>
      %dma_start3A_100 = arith.constant 0 : i32
      %dma_start3A_101 = tpu.memref_slice %arg6[%arg0, %add3A_90, %dma_start3A_100] : memref<2x10240x128xf32, #tpu.memory_space<hbm>> -> memref<1x128x128xf32, #tpu.memory_space<hbm>>
      %dma_start3A_102 = tpu.memref_squeeze %dma_start3A_101 : memref<1x128x128xf32, #tpu.memory_space<hbm>> -> memref<128x128xf32, #tpu.memory_space<hbm>>
      %dma_start3A_103 = arith.constant 0 : i32
      %dma_start3A_104 = tpu.memref_slice %arg11[%add3A_88, %dma_start3A_103] : memref<10240x128xf32, #tpu.memory_space<vmem_shared>> -> memref<128x128xf32, #tpu.memory_space<vmem_shared>>
      tpu.enqueue_dma source(%dma_start3A_104 : memref<128x128xf32, #tpu.memory_space<vmem_shared>>) target(%dma_start3A_102 : memref<128x128xf32, #tpu.memory_space<hbm>>) target_semaphore(%run_scoped3A_99 : memref<!tpu.dma_semaphore, #tpu.memory_space<semaphore_mem>>)
      %dma_wait3A_105 = arith.constant 0 : i32
      %dma_wait3A_106 = tpu.memref_slice %arg6[%arg0, %add3A_90, %dma_wait3A_105] : memref<2x10240x128xf32, #tpu.memory_space<hbm>> -> memref<1x128x128xf32, #tpu.memory_space<hbm>>
      %dma_wait3A_107 = tpu.memref_squeeze %dma_wait3A_106 : memref<1x128x128xf32, #tpu.memory_space<hbm>> -> memref<128x128xf32, #tpu.memory_space<hbm>>
      %dma_wait3A_108 = arith.constant 0 : i32
      %dma_wait3A_109 = tpu.memref_slice %arg11[%add3A_88, %dma_wait3A_108] : memref<10240x128xf32, #tpu.memory_space<vmem_shared>> -> memref<128x128xf32, #tpu.memory_space<vmem_shared>>
      tpu.wait_dma2 semaphore(%run_scoped3A_99 : memref<!tpu.dma_semaphore, #tpu.memory_space<semaphore_mem>>) src(%dma_wait3A_109 : memref<128x128xf32, #tpu.memory_space<vmem_shared>>) dst(%dma_wait3A_107 : memref<128x128xf32, #tpu.memory_space<hbm>>)
      tpu.yield
    }) : () -> ()
    %add3A_91 = arith.constant 384 : i32
    %add3A_92 = arith.addi %mul3A_0, %add3A_91 : i32
    %add3A_93 = arith.constant 384 : i32
    %add3A_94 = arith.addi %mul3A_0, %add3A_93 : i32
    "tpu.region"() ({
      %run_scoped3A_99 = tpu.sem_alloc : memref<!tpu.dma_semaphore, #tpu.memory_space<semaphore_mem>>
      %dma_start3A_100 = arith.constant 0 : i32
      %dma_start3A_101 = tpu.memref_slice %arg6[%arg0, %add3A_94, %dma_start3A_100] : memref<2x10240x128xf32, #tpu.memory_space<hbm>> -> memref<1x128x128xf32, #tpu.memory_space<hbm>>
      %dma_start3A_102 = tpu.memref_squeeze %dma_start3A_101 : memref<1x128x128xf32, #tpu.memory_space<hbm>> -> memref<128x128xf32, #tpu.memory_space<hbm>>
      %dma_start3A_103 = arith.constant 0 : i32
      %dma_start3A_104 = tpu.memref_slice %arg11[%add3A_92, %dma_start3A_103] : memref<10240x128xf32, #tpu.memory_space<vmem_shared>> -> memref<128x128xf32, #tpu.memory_space<vmem_shared>>
      tpu.enqueue_dma source(%dma_start3A_104 : memref<128x128xf32, #tpu.memory_space<vmem_shared>>) target(%dma_start3A_102 : memref<128x128xf32, #tpu.memory_space<hbm>>) target_semaphore(%run_scoped3A_99 : memref<!tpu.dma_semaphore, #tpu.memory_space<semaphore_mem>>)
      %dma_wait3A_105 = arith.constant 0 : i32
      %dma_wait3A_106 = tpu.memref_slice %arg6[%arg0, %add3A_94, %dma_wait3A_105] : memref<2x10240x128xf32, #tpu.memory_space<hbm>> -> memref<1x128x128xf32, #tpu.memory_space<hbm>>
      %dma_wait3A_107 = tpu.memref_squeeze %dma_wait3A_106 : memref<1x128x128xf32, #tpu.memory_space<hbm>> -> memref<128x128xf32, #tpu.memory_space<hbm>>
      %dma_wait3A_108 = arith.constant 0 : i32
      %dma_wait3A_109 = tpu.memref_slice %arg11[%add3A_92, %dma_wait3A_108] : memref<10240x128xf32, #tpu.memory_space<vmem_shared>> -> memref<128x128xf32, #tpu.memory_space<vmem_shared>>
      tpu.wait_dma2 semaphore(%run_scoped3A_99 : memref<!tpu.dma_semaphore, #tpu.memory_space<semaphore_mem>>) src(%dma_wait3A_109 : memref<128x128xf32, #tpu.memory_space<vmem_shared>>) dst(%dma_wait3A_107 : memref<128x128xf32, #tpu.memory_space<hbm>>)
      tpu.yield
    }) : () -> ()
    %add3A_95 = arith.constant 512 : i32
    %add3A_96 = arith.addi %mul3A_0, %add3A_95 : i32
    %add3A_97 = arith.constant 512 : i32
    %add3A_98 = arith.addi %mul3A_0, %add3A_97 : i32
    "tpu.region"() ({
      %run_scoped3A_99 = tpu.sem_alloc : memref<!tpu.dma_semaphore, #tpu.memory_space<semaphore_mem>>
      %dma_start3A_100 = arith.constant 0 : i32
      %dma_start3A_101 = tpu.memref_slice %arg6[%arg0, %add3A_98, %dma_start3A_100] : memref<2x10240x128xf32, #tpu.memory_space<hbm>> -> memref<1x128x128xf32, #tpu.memory_space<hbm>>
      %dma_start3A_102 = tpu.memref_squeeze %dma_start3A_101 : memref<1x128x128xf32, #tpu.memory_space<hbm>> -> memref<128x128xf32, #tpu.memory_space<hbm>>
      %dma_start3A_103 = arith.constant 0 : i32
      %dma_start3A_104 = tpu.memref_slice %arg11[%add3A_96, %dma_start3A_103] : memref<10240x128xf32, #tpu.memory_space<vmem_shared>> -> memref<128x128xf32, #tpu.memory_space<vmem_shared>>
      tpu.enqueue_dma source(%dma_start3A_104 : memref<128x128xf32, #tpu.memory_space<vmem_shared>>) target(%dma_start3A_102 : memref<128x128xf32, #tpu.memory_space<hbm>>) target_semaphore(%run_scoped3A_99 : memref<!tpu.dma_semaphore, #tpu.memory_space<semaphore_mem>>)
      %dma_wait3A_105 = arith.constant 0 : i32
      %dma_wait3A_106 = tpu.memref_slice %arg6[%arg0, %add3A_98, %dma_wait3A_105] : memref<2x10240x128xf32, #tpu.memory_space<hbm>> -> memref<1x128x128xf32, #tpu.memory_space<hbm>>
      %dma_wait3A_107 = tpu.memref_squeeze %dma_wait3A_106 : memref<1x128x128xf32, #tpu.memory_space<hbm>> -> memref<128x128xf32, #tpu.memory_space<hbm>>
      %dma_wait3A_108 = arith.constant 0 : i32
      %dma_wait3A_109 = tpu.memref_slice %arg11[%add3A_96, %dma_wait3A_108] : memref<10240x128xf32, #tpu.memory_space<vmem_shared>> -> memref<128x128xf32, #tpu.memory_space<vmem_shared>>
      tpu.wait_dma2 semaphore(%run_scoped3A_99 : memref<!tpu.dma_semaphore, #tpu.memory_space<semaphore_mem>>) src(%dma_wait3A_109 : memref<128x128xf32, #tpu.memory_space<vmem_shared>>) dst(%dma_wait3A_107 : memref<128x128xf32, #tpu.memory_space<hbm>>)
      tpu.yield
    }) : () -> ()
    return
  }
}

#map = affine_map<(d0, d1) -> (0, 0)>
#map1 = affine_map<(d0, d1) -> (0, 0, 0, 0)>
#map2 = affine_map<(d0, d1) -> (0, 0, 0)>
module attributes {stable_mosaic.version = 14 : i64} {
  func.func @agg(%arg0: i32, %arg1: i32, %arg2: memref<10240x128xf32, #tpu.memory_space<hbm>>, %arg3: memref<2x16x80x128xi32, #tpu.memory_space<hbm>>, %arg4: memref<2x16x80x128xi32, #tpu.memory_space<hbm>>, %arg5: memref<128x128xf32, #tpu.memory_space<hbm>>, %arg6: memref<2x10240x128xf32, #tpu.memory_space<hbm>>, %arg7: memref<40x128xi32, #tpu.memory_space<vmem>>, %arg8: memref<40x128xi32, #tpu.memory_space<vmem>>, %arg9: memref<128x128xf32, #tpu.memory_space<vmem>>, %arg10: memref<128x128xf32, #tpu.memory_space<vmem>>, %arg11: memref<10240x128xf32, #tpu.memory_space<vmem_shared>>, %arg12: memref<!tpu.dma_semaphore, #tpu.memory_space<semaphore_mem>>, %arg13: memref<!tpu.dma_semaphore, #tpu.memory_space<semaphore_mem>>) attributes {dimension_semantics = [#tpu.dimension_semantics<core_parallel>, #tpu.dimension_semantics<subcore_parallel>], iteration_bounds = array<i64: 2, 16>, scalar_prefetch = 0 : i64, scratch_operands = 7 : i64, tpu.core_type = #tpu.core_type<sc_vector_subcore>, window_params = [{transform_indices = #map}, {transform_indices = #map1}, {transform_indices = #map1}, {transform_indices = #map}, {transform_indices = #map2}]} {
    %mul3A = arith.constant 640 : i32
    %mul3A_0 = arith.muli %arg1, %mul3A : i32
    %add3A = arith.constant 0 : i32
    %add3A_1 = arith.addi %mul3A_0, %add3A : i32
    "tpu.region"() ({
      %run_scoped3A_99 = tpu.sem_alloc : memref<!tpu.dma_semaphore, #tpu.memory_space<semaphore_mem>>
      %dma_start3A_100 = arith.constant 0 : i32
      %dma_start3A_101 = tpu.memref_slice %arg11[%add3A_1, %dma_start3A_100] : memref<10240x128xf32, #tpu.memory_space<vmem_shared>> -> memref<128x128xf32, #tpu.memory_space<vmem_shared>>
      tpu.enqueue_dma source(%arg5 : memref<128x128xf32, #tpu.memory_space<hbm>>) target(%dma_start3A_101 : memref<128x128xf32, #tpu.memory_space<vmem_shared>>) target_semaphore(%run_scoped3A_99 : memref<!tpu.dma_semaphore, #tpu.memory_space<semaphore_mem>>)
      %dma_wait3A_102 = arith.constant 0 : i32
      %dma_wait3A_103 = tpu.memref_slice %arg11[%add3A_1, %dma_wait3A_102] : memref<10240x128xf32, #tpu.memory_space<vmem_shared>> -> memref<128x128xf32, #tpu.memory_space<vmem_shared>>
      tpu.wait_dma2 semaphore(%run_scoped3A_99 : memref<!tpu.dma_semaphore, #tpu.memory_space<semaphore_mem>>) src(%arg5 : memref<128x128xf32, #tpu.memory_space<hbm>>) dst(%dma_wait3A_103 : memref<128x128xf32, #tpu.memory_space<vmem_shared>>)
      tpu.yield
    }) : () -> ()
    %add3A_2 = arith.constant 128 : i32
    %add3A_3 = arith.addi %mul3A_0, %add3A_2 : i32
    "tpu.region"() ({
      %run_scoped3A_99 = tpu.sem_alloc : memref<!tpu.dma_semaphore, #tpu.memory_space<semaphore_mem>>
      %dma_start3A_100 = arith.constant 0 : i32
      %dma_start3A_101 = tpu.memref_slice %arg11[%add3A_3, %dma_start3A_100] : memref<10240x128xf32, #tpu.memory_space<vmem_shared>> -> memref<128x128xf32, #tpu.memory_space<vmem_shared>>
      tpu.enqueue_dma source(%arg5 : memref<128x128xf32, #tpu.memory_space<hbm>>) target(%dma_start3A_101 : memref<128x128xf32, #tpu.memory_space<vmem_shared>>) target_semaphore(%run_scoped3A_99 : memref<!tpu.dma_semaphore, #tpu.memory_space<semaphore_mem>>)
      %dma_wait3A_102 = arith.constant 0 : i32
      %dma_wait3A_103 = tpu.memref_slice %arg11[%add3A_3, %dma_wait3A_102] : memref<10240x128xf32, #tpu.memory_space<vmem_shared>> -> memref<128x128xf32, #tpu.memory_space<vmem_shared>>
      tpu.wait_dma2 semaphore(%run_scoped3A_99 : memref<!tpu.dma_semaphore, #tpu.memory_space<semaphore_mem>>) src(%arg5 : memref<128x128xf32, #tpu.memory_space<hbm>>) dst(%dma_wait3A_103 : memref<128x128xf32, #tpu.memory_space<vmem_shared>>)
      tpu.yield
    }) : () -> ()
    %add3A_4 = arith.constant 256 : i32
    %add3A_5 = arith.addi %mul3A_0, %add3A_4 : i32
    "tpu.region"() ({
      %run_scoped3A_99 = tpu.sem_alloc : memref<!tpu.dma_semaphore, #tpu.memory_space<semaphore_mem>>
      %dma_start3A_100 = arith.constant 0 : i32
      %dma_start3A_101 = tpu.memref_slice %arg11[%add3A_5, %dma_start3A_100] : memref<10240x128xf32, #tpu.memory_space<vmem_shared>> -> memref<128x128xf32, #tpu.memory_space<vmem_shared>>
      tpu.enqueue_dma source(%arg5 : memref<128x128xf32, #tpu.memory_space<hbm>>) target(%dma_start3A_101 : memref<128x128xf32, #tpu.memory_space<vmem_shared>>) target_semaphore(%run_scoped3A_99 : memref<!tpu.dma_semaphore, #tpu.memory_space<semaphore_mem>>)
      %dma_wait3A_102 = arith.constant 0 : i32
      %dma_wait3A_103 = tpu.memref_slice %arg11[%add3A_5, %dma_wait3A_102] : memref<10240x128xf32, #tpu.memory_space<vmem_shared>> -> memref<128x128xf32, #tpu.memory_space<vmem_shared>>
      tpu.wait_dma2 semaphore(%run_scoped3A_99 : memref<!tpu.dma_semaphore, #tpu.memory_space<semaphore_mem>>) src(%arg5 : memref<128x128xf32, #tpu.memory_space<hbm>>) dst(%dma_wait3A_103 : memref<128x128xf32, #tpu.memory_space<vmem_shared>>)
      tpu.yield
    }) : () -> ()
    %add3A_6 = arith.constant 384 : i32
    %add3A_7 = arith.addi %mul3A_0, %add3A_6 : i32
    "tpu.region"() ({
      %run_scoped3A_99 = tpu.sem_alloc : memref<!tpu.dma_semaphore, #tpu.memory_space<semaphore_mem>>
      %dma_start3A_100 = arith.constant 0 : i32
      %dma_start3A_101 = tpu.memref_slice %arg11[%add3A_7, %dma_start3A_100] : memref<10240x128xf32, #tpu.memory_space<vmem_shared>> -> memref<128x128xf32, #tpu.memory_space<vmem_shared>>
      tpu.enqueue_dma source(%arg5 : memref<128x128xf32, #tpu.memory_space<hbm>>) target(%dma_start3A_101 : memref<128x128xf32, #tpu.memory_space<vmem_shared>>) target_semaphore(%run_scoped3A_99 : memref<!tpu.dma_semaphore, #tpu.memory_space<semaphore_mem>>)
      %dma_wait3A_102 = arith.constant 0 : i32
      %dma_wait3A_103 = tpu.memref_slice %arg11[%add3A_7, %dma_wait3A_102] : memref<10240x128xf32, #tpu.memory_space<vmem_shared>> -> memref<128x128xf32, #tpu.memory_space<vmem_shared>>
      tpu.wait_dma2 semaphore(%run_scoped3A_99 : memref<!tpu.dma_semaphore, #tpu.memory_space<semaphore_mem>>) src(%arg5 : memref<128x128xf32, #tpu.memory_space<hbm>>) dst(%dma_wait3A_103 : memref<128x128xf32, #tpu.memory_space<vmem_shared>>)
      tpu.yield
    }) : () -> ()
    %add3A_8 = arith.constant 512 : i32
    %add3A_9 = arith.addi %mul3A_0, %add3A_8 : i32
    "tpu.region"() ({
      %run_scoped3A_99 = tpu.sem_alloc : memref<!tpu.dma_semaphore, #tpu.memory_space<semaphore_mem>>
      %dma_start3A_100 = arith.constant 0 : i32
      %dma_start3A_101 = tpu.memref_slice %arg11[%add3A_9, %dma_start3A_100] : memref<10240x128xf32, #tpu.memory_space<vmem_shared>> -> memref<128x128xf32, #tpu.memory_space<vmem_shared>>
      tpu.enqueue_dma source(%arg5 : memref<128x128xf32, #tpu.memory_space<hbm>>) target(%dma_start3A_101 : memref<128x128xf32, #tpu.memory_space<vmem_shared>>) target_semaphore(%run_scoped3A_99 : memref<!tpu.dma_semaphore, #tpu.memory_space<semaphore_mem>>)
      %dma_wait3A_102 = arith.constant 0 : i32
      %dma_wait3A_103 = tpu.memref_slice %arg11[%add3A_9, %dma_wait3A_102] : memref<10240x128xf32, #tpu.memory_space<vmem_shared>> -> memref<128x128xf32, #tpu.memory_space<vmem_shared>>
      tpu.wait_dma2 semaphore(%run_scoped3A_99 : memref<!tpu.dma_semaphore, #tpu.memory_space<semaphore_mem>>) src(%arg5 : memref<128x128xf32, #tpu.memory_space<hbm>>) dst(%dma_wait3A_103 : memref<128x128xf32, #tpu.memory_space<vmem_shared>>)
      tpu.yield
    }) : () -> ()
    %barrier3A = arith.constant 0 : index
    tpu.barrier barrier_id(%barrier3A)
    "tpu.region"() ({
      %run_scoped3A_99 = tpu.sem_alloc : memref<!tpu.dma_semaphore, #tpu.memory_space<semaphore_mem>>
      %dma_start3A_100 = arith.constant 0 : i32
      %dma_start3A_101 = arith.constant 0 : i32
      %dma_start3A_102 = tpu.memref_slice %arg3[%arg0, %arg1, %dma_start3A_100, %dma_start3A_101] : memref<2x16x80x128xi32, #tpu.memory_space<hbm>> -> memref<1x1x40x128xi32, #tpu.memory_space<hbm>>
      %dma_start3A_103 = tpu.memref_squeeze %dma_start3A_102 : memref<1x1x40x128xi32, #tpu.memory_space<hbm>> -> memref<40x128xi32, #tpu.memory_space<hbm>>
      %dma_start3A_104 = arith.constant 0 : i32
      %dma_start3A_105 = arith.constant 0 : i32
      %dma_start3A_106 = tpu.memref_slice %arg3[%arg0, %arg1, %dma_start3A_104, %dma_start3A_105] : memref<2x16x80x128xi32, #tpu.memory_space<hbm>> -> memref<1x1x40x128xi32, #tpu.memory_space<hbm>>
      %dma_start3A_107 = tpu.memref_squeeze %dma_start3A_106 : memref<1x1x40x128xi32, #tpu.memory_space<hbm>> -> memref<40x128xi32, #tpu.memory_space<hbm>>
      tpu.enqueue_dma source(%dma_start3A_107 : memref<40x128xi32, #tpu.memory_space<hbm>>) target(%arg7 : memref<40x128xi32, #tpu.memory_space<vmem>>) target_semaphore(%run_scoped3A_99 : memref<!tpu.dma_semaphore, #tpu.memory_space<semaphore_mem>>)
      %dma_wait3A_108 = arith.constant 0 : i32
      %dma_wait3A_109 = arith.constant 0 : i32
      %dma_wait3A_110 = tpu.memref_slice %arg3[%arg0, %arg1, %dma_wait3A_108, %dma_wait3A_109] : memref<2x16x80x128xi32, #tpu.memory_space<hbm>> -> memref<1x1x40x128xi32, #tpu.memory_space<hbm>>
      %dma_wait3A_111 = tpu.memref_squeeze %dma_wait3A_110 : memref<1x1x40x128xi32, #tpu.memory_space<hbm>> -> memref<40x128xi32, #tpu.memory_space<hbm>>
      %dma_wait3A_112 = arith.constant 0 : i32
      %dma_wait3A_113 = arith.constant 0 : i32
      %dma_wait3A_114 = tpu.memref_slice %arg3[%arg0, %arg1, %dma_wait3A_112, %dma_wait3A_113] : memref<2x16x80x128xi32, #tpu.memory_space<hbm>> -> memref<1x1x40x128xi32, #tpu.memory_space<hbm>>
      %dma_wait3A_115 = tpu.memref_squeeze %dma_wait3A_114 : memref<1x1x40x128xi32, #tpu.memory_space<hbm>> -> memref<40x128xi32, #tpu.memory_space<hbm>>
      tpu.wait_dma2 semaphore(%run_scoped3A_99 : memref<!tpu.dma_semaphore, #tpu.memory_space<semaphore_mem>>) src(%dma_wait3A_115 : memref<40x128xi32, #tpu.memory_space<hbm>>) dst(%arg7 : memref<40x128xi32, #tpu.memory_space<vmem>>)
      tpu.yield
    }) : () -> ()
    "tpu.region"() ({
      %run_scoped3A_99 = tpu.sem_alloc : memref<!tpu.dma_semaphore, #tpu.memory_space<semaphore_mem>>
      %dma_start3A_100 = arith.constant 0 : i32
      %dma_start3A_101 = arith.constant 0 : i32
      %dma_start3A_102 = tpu.memref_slice %arg4[%arg0, %arg1, %dma_start3A_100, %dma_start3A_101] : memref<2x16x80x128xi32, #tpu.memory_space<hbm>> -> memref<1x1x40x128xi32, #tpu.memory_space<hbm>>
      %dma_start3A_103 = tpu.memref_squeeze %dma_start3A_102 : memref<1x1x40x128xi32, #tpu.memory_space<hbm>> -> memref<40x128xi32, #tpu.memory_space<hbm>>
      %dma_start3A_104 = arith.constant 0 : i32
      %dma_start3A_105 = arith.constant 0 : i32
      %dma_start3A_106 = tpu.memref_slice %arg4[%arg0, %arg1, %dma_start3A_104, %dma_start3A_105] : memref<2x16x80x128xi32, #tpu.memory_space<hbm>> -> memref<1x1x40x128xi32, #tpu.memory_space<hbm>>
      %dma_start3A_107 = tpu.memref_squeeze %dma_start3A_106 : memref<1x1x40x128xi32, #tpu.memory_space<hbm>> -> memref<40x128xi32, #tpu.memory_space<hbm>>
      tpu.enqueue_dma source(%dma_start3A_107 : memref<40x128xi32, #tpu.memory_space<hbm>>) target(%arg8 : memref<40x128xi32, #tpu.memory_space<vmem>>) target_semaphore(%run_scoped3A_99 : memref<!tpu.dma_semaphore, #tpu.memory_space<semaphore_mem>>)
      %dma_wait3A_108 = arith.constant 0 : i32
      %dma_wait3A_109 = arith.constant 0 : i32
      %dma_wait3A_110 = tpu.memref_slice %arg4[%arg0, %arg1, %dma_wait3A_108, %dma_wait3A_109] : memref<2x16x80x128xi32, #tpu.memory_space<hbm>> -> memref<1x1x40x128xi32, #tpu.memory_space<hbm>>
      %dma_wait3A_111 = tpu.memref_squeeze %dma_wait3A_110 : memref<1x1x40x128xi32, #tpu.memory_space<hbm>> -> memref<40x128xi32, #tpu.memory_space<hbm>>
      %dma_wait3A_112 = arith.constant 0 : i32
      %dma_wait3A_113 = arith.constant 0 : i32
      %dma_wait3A_114 = tpu.memref_slice %arg4[%arg0, %arg1, %dma_wait3A_112, %dma_wait3A_113] : memref<2x16x80x128xi32, #tpu.memory_space<hbm>> -> memref<1x1x40x128xi32, #tpu.memory_space<hbm>>
      %dma_wait3A_115 = tpu.memref_squeeze %dma_wait3A_114 : memref<1x1x40x128xi32, #tpu.memory_space<hbm>> -> memref<40x128xi32, #tpu.memory_space<hbm>>
      tpu.wait_dma2 semaphore(%run_scoped3A_99 : memref<!tpu.dma_semaphore, #tpu.memory_space<semaphore_mem>>) src(%dma_wait3A_115 : memref<40x128xi32, #tpu.memory_space<hbm>>) dst(%arg8 : memref<40x128xi32, #tpu.memory_space<vmem>>)
      tpu.yield
    }) : () -> ()
    %dma_start3A = arith.constant 0 : i32
    %dma_start3A_10 = arith.constant 0 : i32
    %dma_start3A_11 = tpu.memref_slice %arg7[%dma_start3A, %dma_start3A_10] : memref<40x128xi32, #tpu.memory_space<vmem>> -> memref<1x128xi32, #tpu.memory_space<vmem>>
    %dma_start3A_12 = tpu.memref_squeeze %dma_start3A_11 : memref<1x128xi32, #tpu.memory_space<vmem>> -> memref<128xi32, #tpu.memory_space<vmem>>
    %dma_start3A_13 = arith.constant 0 : i32
    %dma_start3A_14 = arith.constant 0 : i32
    %dma_start3A_15 = tpu.memref_slice %arg2[%dma_start3A_13, %dma_start3A_14] : memref<10240x128xf32, #tpu.memory_space<hbm>> -> memref<10240x128xf32, #tpu.memory_space<hbm>>
    tpu.enqueue_indirect_dma source(%dma_start3A_15 : memref<10240x128xf32, #tpu.memory_space<hbm>>) target(%arg9 : memref<128x128xf32, #tpu.memory_space<vmem>>) offsets(%dma_start3A_12 : memref<128xi32, #tpu.memory_space<vmem>>) semaphore(%arg12 : memref<!tpu.dma_semaphore, #tpu.memory_space<semaphore_mem>>)
    %dma_start3A_16 = arith.constant 1 : i32
    %dma_start3A_17 = arith.constant 0 : i32
    %dma_start3A_18 = tpu.memref_slice %arg7[%dma_start3A_16, %dma_start3A_17] : memref<40x128xi32, #tpu.memory_space<vmem>> -> memref<1x128xi32, #tpu.memory_space<vmem>>
    %dma_start3A_19 = tpu.memref_squeeze %dma_start3A_18 : memref<1x128xi32, #tpu.memory_space<vmem>> -> memref<128xi32, #tpu.memory_space<vmem>>
    %dma_start3A_20 = arith.constant 0 : i32
    %dma_start3A_21 = arith.constant 0 : i32
    %dma_start3A_22 = tpu.memref_slice %arg2[%dma_start3A_20, %dma_start3A_21] : memref<10240x128xf32, #tpu.memory_space<hbm>> -> memref<10240x128xf32, #tpu.memory_space<hbm>>
    tpu.enqueue_indirect_dma source(%dma_start3A_22 : memref<10240x128xf32, #tpu.memory_space<hbm>>) target(%arg10 : memref<128x128xf32, #tpu.memory_space<vmem>>) offsets(%dma_start3A_19 : memref<128xi32, #tpu.memory_space<vmem>>) semaphore(%arg13 : memref<!tpu.dma_semaphore, #tpu.memory_space<semaphore_mem>>)
    %scan3A = arith.constant 0 : i32
    %scan3A_23 = arith.constant 0 : i32
    %scan3A_24 = arith.constant 19 : i32
    %scan3A_25 = arith.addi %scan3A_23, %scan3A_24 : i32
    %scan3A_26 = arith.constant 1 : i32
    scf.for %scan3A_99 = %scan3A_23 to %scan3A_25 step %scan3A_26  : i32 {
      %mul3A_100 = arith.constant 2 : i32
      %mul3A_101 = arith.muli %mul3A_100, %scan3A_99 : i32
      %dma_wait3A_102 = arith.constant 0 : i32
      %dma_wait3A_103 = tpu.memref_slice %arg7[%mul3A_101, %dma_wait3A_102] : memref<40x128xi32, #tpu.memory_space<vmem>> -> memref<1x128xi32, #tpu.memory_space<vmem>>
      %dma_wait3A_104 = tpu.memref_squeeze %dma_wait3A_103 : memref<1x128xi32, #tpu.memory_space<vmem>> -> memref<128xi32, #tpu.memory_space<vmem>>
      %dma_wait3A_105 = arith.constant 0 : i32
      %dma_wait3A_106 = arith.constant 0 : i32
      %dma_wait3A_107 = tpu.memref_slice %arg2[%dma_wait3A_105, %dma_wait3A_106] : memref<10240x128xf32, #tpu.memory_space<hbm>> -> memref<10240x128xf32, #tpu.memory_space<hbm>>
      tpu.wait_indirect_dma semaphore(%arg12 : memref<!tpu.dma_semaphore, #tpu.memory_space<semaphore_mem>>) src(%dma_wait3A_107 : memref<10240x128xf32, #tpu.memory_space<hbm>>) dst(%arg9 : memref<128x128xf32, #tpu.memory_space<vmem>>)
      "tpu.region"() ({
        %run_scoped3A_134 = tpu.sem_alloc : memref<!tpu.dma_semaphore, #tpu.memory_space<semaphore_mem>>
        %dma_start3A_135 = arith.constant 0 : i32
        %dma_start3A_136 = tpu.memref_slice %arg8[%mul3A_101, %dma_start3A_135] : memref<40x128xi32, #tpu.memory_space<vmem>> -> memref<1x128xi32, #tpu.memory_space<vmem>>
        %dma_start3A_137 = tpu.memref_squeeze %dma_start3A_136 : memref<1x128xi32, #tpu.memory_space<vmem>> -> memref<128xi32, #tpu.memory_space<vmem>>
        %dma_start3A_138 = arith.constant 0 : i32
        %dma_start3A_139 = arith.constant 0 : i32
        %dma_start3A_140 = tpu.memref_slice %arg11[%dma_start3A_138, %dma_start3A_139] : memref<10240x128xf32, #tpu.memory_space<vmem_shared>> -> memref<10240x128xf32, #tpu.memory_space<vmem_shared>>
        tpu.enqueue_indirect_dma source(%arg9 : memref<128x128xf32, #tpu.memory_space<vmem>>) target(%dma_start3A_140 : memref<10240x128xf32, #tpu.memory_space<vmem_shared>>) offsets(%dma_start3A_137 : memref<128xi32, #tpu.memory_space<vmem>>) semaphore(%run_scoped3A_134 : memref<!tpu.dma_semaphore, #tpu.memory_space<semaphore_mem>>) {add = true}
        %dma_wait3A_141 = arith.constant 0 : i32
        %dma_wait3A_142 = tpu.memref_slice %arg8[%mul3A_101, %dma_wait3A_141] : memref<40x128xi32, #tpu.memory_space<vmem>> -> memref<1x128xi32, #tpu.memory_space<vmem>>
        %dma_wait3A_143 = tpu.memref_squeeze %dma_wait3A_142 : memref<1x128xi32, #tpu.memory_space<vmem>> -> memref<128xi32, #tpu.memory_space<vmem>>
        %dma_wait3A_144 = arith.constant 0 : i32
        %dma_wait3A_145 = arith.constant 0 : i32
        %dma_wait3A_146 = tpu.memref_slice %arg11[%dma_wait3A_144, %dma_wait3A_145] : memref<10240x128xf32, #tpu.memory_space<vmem_shared>> -> memref<10240x128xf32, #tpu.memory_space<vmem_shared>>
        tpu.wait_indirect_dma semaphore(%run_scoped3A_134 : memref<!tpu.dma_semaphore, #tpu.memory_space<semaphore_mem>>) src(%arg9 : memref<128x128xf32, #tpu.memory_space<vmem>>) dst(%dma_wait3A_146 : memref<10240x128xf32, #tpu.memory_space<vmem_shared>>)
        tpu.yield
      }) : () -> ()
      %add3A_108 = arith.constant 2 : i32
      %add3A_109 = arith.addi %mul3A_101, %add3A_108 : i32
      %dma_start3A_110 = arith.constant 0 : i32
      %dma_start3A_111 = tpu.memref_slice %arg7[%add3A_109, %dma_start3A_110] : memref<40x128xi32, #tpu.memory_space<vmem>> -> memref<1x128xi32, #tpu.memory_space<vmem>>
      %dma_start3A_112 = tpu.memref_squeeze %dma_start3A_111 : memref<1x128xi32, #tpu.memory_space<vmem>> -> memref<128xi32, #tpu.memory_space<vmem>>
      %dma_start3A_113 = arith.constant 0 : i32
      %dma_start3A_114 = arith.constant 0 : i32
      %dma_start3A_115 = tpu.memref_slice %arg2[%dma_start3A_113, %dma_start3A_114] : memref<10240x128xf32, #tpu.memory_space<hbm>> -> memref<10240x128xf32, #tpu.memory_space<hbm>>
      tpu.enqueue_indirect_dma source(%dma_start3A_115 : memref<10240x128xf32, #tpu.memory_space<hbm>>) target(%arg9 : memref<128x128xf32, #tpu.memory_space<vmem>>) offsets(%dma_start3A_112 : memref<128xi32, #tpu.memory_space<vmem>>) semaphore(%arg12 : memref<!tpu.dma_semaphore, #tpu.memory_space<semaphore_mem>>)
      %add3A_116 = arith.constant 1 : i32
      %add3A_117 = arith.addi %mul3A_101, %add3A_116 : i32
      %dma_wait3A_118 = arith.constant 0 : i32
      %dma_wait3A_119 = tpu.memref_slice %arg7[%add3A_117, %dma_wait3A_118] : memref<40x128xi32, #tpu.memory_space<vmem>> -> memref<1x128xi32, #tpu.memory_space<vmem>>
      %dma_wait3A_120 = tpu.memref_squeeze %dma_wait3A_119 : memref<1x128xi32, #tpu.memory_space<vmem>> -> memref<128xi32, #tpu.memory_space<vmem>>
      %dma_wait3A_121 = arith.constant 0 : i32
      %dma_wait3A_122 = arith.constant 0 : i32
      %dma_wait3A_123 = tpu.memref_slice %arg2[%dma_wait3A_121, %dma_wait3A_122] : memref<10240x128xf32, #tpu.memory_space<hbm>> -> memref<10240x128xf32, #tpu.memory_space<hbm>>
      tpu.wait_indirect_dma semaphore(%arg13 : memref<!tpu.dma_semaphore, #tpu.memory_space<semaphore_mem>>) src(%dma_wait3A_123 : memref<10240x128xf32, #tpu.memory_space<hbm>>) dst(%arg10 : memref<128x128xf32, #tpu.memory_space<vmem>>)
      %add3A_124 = arith.constant 1 : i32
      %add3A_125 = arith.addi %mul3A_101, %add3A_124 : i32
      "tpu.region"() ({
        %run_scoped3A_134 = tpu.sem_alloc : memref<!tpu.dma_semaphore, #tpu.memory_space<semaphore_mem>>
        %dma_start3A_135 = arith.constant 0 : i32
        %dma_start3A_136 = tpu.memref_slice %arg8[%add3A_125, %dma_start3A_135] : memref<40x128xi32, #tpu.memory_space<vmem>> -> memref<1x128xi32, #tpu.memory_space<vmem>>
        %dma_start3A_137 = tpu.memref_squeeze %dma_start3A_136 : memref<1x128xi32, #tpu.memory_space<vmem>> -> memref<128xi32, #tpu.memory_space<vmem>>
        %dma_start3A_138 = arith.constant 0 : i32
        %dma_start3A_139 = arith.constant 0 : i32
        %dma_start3A_140 = tpu.memref_slice %arg11[%dma_start3A_138, %dma_start3A_139] : memref<10240x128xf32, #tpu.memory_space<vmem_shared>> -> memref<10240x128xf32, #tpu.memory_space<vmem_shared>>
        tpu.enqueue_indirect_dma source(%arg10 : memref<128x128xf32, #tpu.memory_space<vmem>>) target(%dma_start3A_140 : memref<10240x128xf32, #tpu.memory_space<vmem_shared>>) offsets(%dma_start3A_137 : memref<128xi32, #tpu.memory_space<vmem>>) semaphore(%run_scoped3A_134 : memref<!tpu.dma_semaphore, #tpu.memory_space<semaphore_mem>>) {add = true}
        %dma_wait3A_141 = arith.constant 0 : i32
        %dma_wait3A_142 = tpu.memref_slice %arg8[%add3A_125, %dma_wait3A_141] : memref<40x128xi32, #tpu.memory_space<vmem>> -> memref<1x128xi32, #tpu.memory_space<vmem>>
        %dma_wait3A_143 = tpu.memref_squeeze %dma_wait3A_142 : memref<1x128xi32, #tpu.memory_space<vmem>> -> memref<128xi32, #tpu.memory_space<vmem>>
        %dma_wait3A_144 = arith.constant 0 : i32
        %dma_wait3A_145 = arith.constant 0 : i32
        %dma_wait3A_146 = tpu.memref_slice %arg11[%dma_wait3A_144, %dma_wait3A_145] : memref<10240x128xf32, #tpu.memory_space<vmem_shared>> -> memref<10240x128xf32, #tpu.memory_space<vmem_shared>>
        tpu.wait_indirect_dma semaphore(%run_scoped3A_134 : memref<!tpu.dma_semaphore, #tpu.memory_space<semaphore_mem>>) src(%arg10 : memref<128x128xf32, #tpu.memory_space<vmem>>) dst(%dma_wait3A_146 : memref<10240x128xf32, #tpu.memory_space<vmem_shared>>)
        tpu.yield
      }) : () -> ()
      %add3A_126 = arith.constant 3 : i32
      %add3A_127 = arith.addi %mul3A_101, %add3A_126 : i32
      %dma_start3A_128 = arith.constant 0 : i32
      %dma_start3A_129 = tpu.memref_slice %arg7[%add3A_127, %dma_start3A_128] : memref<40x128xi32, #tpu.memory_space<vmem>> -> memref<1x128xi32, #tpu.memory_space<vmem>>
      %dma_start3A_130 = tpu.memref_squeeze %dma_start3A_129 : memref<1x128xi32, #tpu.memory_space<vmem>> -> memref<128xi32, #tpu.memory_space<vmem>>
      %dma_start3A_131 = arith.constant 0 : i32
      %dma_start3A_132 = arith.constant 0 : i32
      %dma_start3A_133 = tpu.memref_slice %arg2[%dma_start3A_131, %dma_start3A_132] : memref<10240x128xf32, #tpu.memory_space<hbm>> -> memref<10240x128xf32, #tpu.memory_space<hbm>>
      tpu.enqueue_indirect_dma source(%dma_start3A_133 : memref<10240x128xf32, #tpu.memory_space<hbm>>) target(%arg10 : memref<128x128xf32, #tpu.memory_space<vmem>>) offsets(%dma_start3A_130 : memref<128xi32, #tpu.memory_space<vmem>>) semaphore(%arg13 : memref<!tpu.dma_semaphore, #tpu.memory_space<semaphore_mem>>)
    }
    %scan3A_27 = arith.constant 19 : i32
    %dma_wait3A = arith.constant 38 : i32
    %dma_wait3A_28 = arith.constant 0 : i32
    %dma_wait3A_29 = tpu.memref_slice %arg7[%dma_wait3A, %dma_wait3A_28] : memref<40x128xi32, #tpu.memory_space<vmem>> -> memref<1x128xi32, #tpu.memory_space<vmem>>
    %dma_wait3A_30 = tpu.memref_squeeze %dma_wait3A_29 : memref<1x128xi32, #tpu.memory_space<vmem>> -> memref<128xi32, #tpu.memory_space<vmem>>
    %dma_wait3A_31 = arith.constant 0 : i32
    %dma_wait3A_32 = arith.constant 0 : i32
    %dma_wait3A_33 = tpu.memref_slice %arg2[%dma_wait3A_31, %dma_wait3A_32] : memref<10240x128xf32, #tpu.memory_space<hbm>> -> memref<10240x128xf32, #tpu.memory_space<hbm>>
    tpu.wait_indirect_dma semaphore(%arg12 : memref<!tpu.dma_semaphore, #tpu.memory_space<semaphore_mem>>) src(%dma_wait3A_33 : memref<10240x128xf32, #tpu.memory_space<hbm>>) dst(%arg9 : memref<128x128xf32, #tpu.memory_space<vmem>>)
    %run_scoped3A = arith.constant 38 : i32
    "tpu.region"() ({
      %run_scoped3A_99 = tpu.sem_alloc : memref<!tpu.dma_semaphore, #tpu.memory_space<semaphore_mem>>
      %dma_start3A_100 = arith.constant 0 : i32
      %dma_start3A_101 = tpu.memref_slice %arg8[%run_scoped3A, %dma_start3A_100] : memref<40x128xi32, #tpu.memory_space<vmem>> -> memref<1x128xi32, #tpu.memory_space<vmem>>
      %dma_start3A_102 = tpu.memref_squeeze %dma_start3A_101 : memref<1x128xi32, #tpu.memory_space<vmem>> -> memref<128xi32, #tpu.memory_space<vmem>>
      %dma_start3A_103 = arith.constant 0 : i32
      %dma_start3A_104 = arith.constant 0 : i32
      %dma_start3A_105 = tpu.memref_slice %arg11[%dma_start3A_103, %dma_start3A_104] : memref<10240x128xf32, #tpu.memory_space<vmem_shared>> -> memref<10240x128xf32, #tpu.memory_space<vmem_shared>>
      tpu.enqueue_indirect_dma source(%arg9 : memref<128x128xf32, #tpu.memory_space<vmem>>) target(%dma_start3A_105 : memref<10240x128xf32, #tpu.memory_space<vmem_shared>>) offsets(%dma_start3A_102 : memref<128xi32, #tpu.memory_space<vmem>>) semaphore(%run_scoped3A_99 : memref<!tpu.dma_semaphore, #tpu.memory_space<semaphore_mem>>) {add = true}
      %dma_wait3A_106 = arith.constant 0 : i32
      %dma_wait3A_107 = tpu.memref_slice %arg8[%run_scoped3A, %dma_wait3A_106] : memref<40x128xi32, #tpu.memory_space<vmem>> -> memref<1x128xi32, #tpu.memory_space<vmem>>
      %dma_wait3A_108 = tpu.memref_squeeze %dma_wait3A_107 : memref<1x128xi32, #tpu.memory_space<vmem>> -> memref<128xi32, #tpu.memory_space<vmem>>
      %dma_wait3A_109 = arith.constant 0 : i32
      %dma_wait3A_110 = arith.constant 0 : i32
      %dma_wait3A_111 = tpu.memref_slice %arg11[%dma_wait3A_109, %dma_wait3A_110] : memref<10240x128xf32, #tpu.memory_space<vmem_shared>> -> memref<10240x128xf32, #tpu.memory_space<vmem_shared>>
      tpu.wait_indirect_dma semaphore(%run_scoped3A_99 : memref<!tpu.dma_semaphore, #tpu.memory_space<semaphore_mem>>) src(%arg9 : memref<128x128xf32, #tpu.memory_space<vmem>>) dst(%dma_wait3A_111 : memref<10240x128xf32, #tpu.memory_space<vmem_shared>>)
      tpu.yield
    }) : () -> ()
    %dma_wait3A_34 = arith.constant 39 : i32
    %dma_wait3A_35 = arith.constant 0 : i32
    %dma_wait3A_36 = tpu.memref_slice %arg7[%dma_wait3A_34, %dma_wait3A_35] : memref<40x128xi32, #tpu.memory_space<vmem>> -> memref<1x128xi32, #tpu.memory_space<vmem>>
    %dma_wait3A_37 = tpu.memref_squeeze %dma_wait3A_36 : memref<1x128xi32, #tpu.memory_space<vmem>> -> memref<128xi32, #tpu.memory_space<vmem>>
    %dma_wait3A_38 = arith.constant 0 : i32
    %dma_wait3A_39 = arith.constant 0 : i32
    %dma_wait3A_40 = tpu.memref_slice %arg2[%dma_wait3A_38, %dma_wait3A_39] : memref<10240x128xf32, #tpu.memory_space<hbm>> -> memref<10240x128xf32, #tpu.memory_space<hbm>>
    tpu.wait_indirect_dma semaphore(%arg13 : memref<!tpu.dma_semaphore, #tpu.memory_space<semaphore_mem>>) src(%dma_wait3A_40 : memref<10240x128xf32, #tpu.memory_space<hbm>>) dst(%arg10 : memref<128x128xf32, #tpu.memory_space<vmem>>)
    %run_scoped3A_41 = arith.constant 39 : i32
    "tpu.region"() ({
      %run_scoped3A_99 = tpu.sem_alloc : memref<!tpu.dma_semaphore, #tpu.memory_space<semaphore_mem>>
      %dma_start3A_100 = arith.constant 0 : i32
      %dma_start3A_101 = tpu.memref_slice %arg8[%run_scoped3A_41, %dma_start3A_100] : memref<40x128xi32, #tpu.memory_space<vmem>> -> memref<1x128xi32, #tpu.memory_space<vmem>>
      %dma_start3A_102 = tpu.memref_squeeze %dma_start3A_101 : memref<1x128xi32, #tpu.memory_space<vmem>> -> memref<128xi32, #tpu.memory_space<vmem>>
      %dma_start3A_103 = arith.constant 0 : i32
      %dma_start3A_104 = arith.constant 0 : i32
      %dma_start3A_105 = tpu.memref_slice %arg11[%dma_start3A_103, %dma_start3A_104] : memref<10240x128xf32, #tpu.memory_space<vmem_shared>> -> memref<10240x128xf32, #tpu.memory_space<vmem_shared>>
      tpu.enqueue_indirect_dma source(%arg10 : memref<128x128xf32, #tpu.memory_space<vmem>>) target(%dma_start3A_105 : memref<10240x128xf32, #tpu.memory_space<vmem_shared>>) offsets(%dma_start3A_102 : memref<128xi32, #tpu.memory_space<vmem>>) semaphore(%run_scoped3A_99 : memref<!tpu.dma_semaphore, #tpu.memory_space<semaphore_mem>>) {add = true}
      %dma_wait3A_106 = arith.constant 0 : i32
      %dma_wait3A_107 = tpu.memref_slice %arg8[%run_scoped3A_41, %dma_wait3A_106] : memref<40x128xi32, #tpu.memory_space<vmem>> -> memref<1x128xi32, #tpu.memory_space<vmem>>
      %dma_wait3A_108 = tpu.memref_squeeze %dma_wait3A_107 : memref<1x128xi32, #tpu.memory_space<vmem>> -> memref<128xi32, #tpu.memory_space<vmem>>
      %dma_wait3A_109 = arith.constant 0 : i32
      %dma_wait3A_110 = arith.constant 0 : i32
      %dma_wait3A_111 = tpu.memref_slice %arg11[%dma_wait3A_109, %dma_wait3A_110] : memref<10240x128xf32, #tpu.memory_space<vmem_shared>> -> memref<10240x128xf32, #tpu.memory_space<vmem_shared>>
      tpu.wait_indirect_dma semaphore(%run_scoped3A_99 : memref<!tpu.dma_semaphore, #tpu.memory_space<semaphore_mem>>) src(%arg10 : memref<128x128xf32, #tpu.memory_space<vmem>>) dst(%dma_wait3A_111 : memref<10240x128xf32, #tpu.memory_space<vmem_shared>>)
      tpu.yield
    }) : () -> ()
    "tpu.region"() ({
      %run_scoped3A_99 = tpu.sem_alloc : memref<!tpu.dma_semaphore, #tpu.memory_space<semaphore_mem>>
      %dma_start3A_100 = arith.constant 40 : i32
      %dma_start3A_101 = arith.constant 0 : i32
      %dma_start3A_102 = tpu.memref_slice %arg3[%arg0, %arg1, %dma_start3A_100, %dma_start3A_101] : memref<2x16x80x128xi32, #tpu.memory_space<hbm>> -> memref<1x1x40x128xi32, #tpu.memory_space<hbm>>
      %dma_start3A_103 = tpu.memref_squeeze %dma_start3A_102 : memref<1x1x40x128xi32, #tpu.memory_space<hbm>> -> memref<40x128xi32, #tpu.memory_space<hbm>>
      %dma_start3A_104 = arith.constant 40 : i32
      %dma_start3A_105 = arith.constant 0 : i32
      %dma_start3A_106 = tpu.memref_slice %arg3[%arg0, %arg1, %dma_start3A_104, %dma_start3A_105] : memref<2x16x80x128xi32, #tpu.memory_space<hbm>> -> memref<1x1x40x128xi32, #tpu.memory_space<hbm>>
      %dma_start3A_107 = tpu.memref_squeeze %dma_start3A_106 : memref<1x1x40x128xi32, #tpu.memory_space<hbm>> -> memref<40x128xi32, #tpu.memory_space<hbm>>
      tpu.enqueue_dma source(%dma_start3A_107 : memref<40x128xi32, #tpu.memory_space<hbm>>) target(%arg7 : memref<40x128xi32, #tpu.memory_space<vmem>>) target_semaphore(%run_scoped3A_99 : memref<!tpu.dma_semaphore, #tpu.memory_space<semaphore_mem>>)
      %dma_wait3A_108 = arith.constant 40 : i32
      %dma_wait3A_109 = arith.constant 0 : i32
      %dma_wait3A_110 = tpu.memref_slice %arg3[%arg0, %arg1, %dma_wait3A_108, %dma_wait3A_109] : memref<2x16x80x128xi32, #tpu.memory_space<hbm>> -> memref<1x1x40x128xi32, #tpu.memory_space<hbm>>
      %dma_wait3A_111 = tpu.memref_squeeze %dma_wait3A_110 : memref<1x1x40x128xi32, #tpu.memory_space<hbm>> -> memref<40x128xi32, #tpu.memory_space<hbm>>
      %dma_wait3A_112 = arith.constant 40 : i32
      %dma_wait3A_113 = arith.constant 0 : i32
      %dma_wait3A_114 = tpu.memref_slice %arg3[%arg0, %arg1, %dma_wait3A_112, %dma_wait3A_113] : memref<2x16x80x128xi32, #tpu.memory_space<hbm>> -> memref<1x1x40x128xi32, #tpu.memory_space<hbm>>
      %dma_wait3A_115 = tpu.memref_squeeze %dma_wait3A_114 : memref<1x1x40x128xi32, #tpu.memory_space<hbm>> -> memref<40x128xi32, #tpu.memory_space<hbm>>
      tpu.wait_dma2 semaphore(%run_scoped3A_99 : memref<!tpu.dma_semaphore, #tpu.memory_space<semaphore_mem>>) src(%dma_wait3A_115 : memref<40x128xi32, #tpu.memory_space<hbm>>) dst(%arg7 : memref<40x128xi32, #tpu.memory_space<vmem>>)
      tpu.yield
    }) : () -> ()
    "tpu.region"() ({
      %run_scoped3A_99 = tpu.sem_alloc : memref<!tpu.dma_semaphore, #tpu.memory_space<semaphore_mem>>
      %dma_start3A_100 = arith.constant 40 : i32
      %dma_start3A_101 = arith.constant 0 : i32
      %dma_start3A_102 = tpu.memref_slice %arg4[%arg0, %arg1, %dma_start3A_100, %dma_start3A_101] : memref<2x16x80x128xi32, #tpu.memory_space<hbm>> -> memref<1x1x40x128xi32, #tpu.memory_space<hbm>>
      %dma_start3A_103 = tpu.memref_squeeze %dma_start3A_102 : memref<1x1x40x128xi32, #tpu.memory_space<hbm>> -> memref<40x128xi32, #tpu.memory_space<hbm>>
      %dma_start3A_104 = arith.constant 40 : i32
      %dma_start3A_105 = arith.constant 0 : i32
      %dma_start3A_106 = tpu.memref_slice %arg4[%arg0, %arg1, %dma_start3A_104, %dma_start3A_105] : memref<2x16x80x128xi32, #tpu.memory_space<hbm>> -> memref<1x1x40x128xi32, #tpu.memory_space<hbm>>
      %dma_start3A_107 = tpu.memref_squeeze %dma_start3A_106 : memref<1x1x40x128xi32, #tpu.memory_space<hbm>> -> memref<40x128xi32, #tpu.memory_space<hbm>>
      tpu.enqueue_dma source(%dma_start3A_107 : memref<40x128xi32, #tpu.memory_space<hbm>>) target(%arg8 : memref<40x128xi32, #tpu.memory_space<vmem>>) target_semaphore(%run_scoped3A_99 : memref<!tpu.dma_semaphore, #tpu.memory_space<semaphore_mem>>)
      %dma_wait3A_108 = arith.constant 40 : i32
      %dma_wait3A_109 = arith.constant 0 : i32
      %dma_wait3A_110 = tpu.memref_slice %arg4[%arg0, %arg1, %dma_wait3A_108, %dma_wait3A_109] : memref<2x16x80x128xi32, #tpu.memory_space<hbm>> -> memref<1x1x40x128xi32, #tpu.memory_space<hbm>>
      %dma_wait3A_111 = tpu.memref_squeeze %dma_wait3A_110 : memref<1x1x40x128xi32, #tpu.memory_space<hbm>> -> memref<40x128xi32, #tpu.memory_space<hbm>>
      %dma_wait3A_112 = arith.constant 40 : i32
      %dma_wait3A_113 = arith.constant 0 : i32
      %dma_wait3A_114 = tpu.memref_slice %arg4[%arg0, %arg1, %dma_wait3A_112, %dma_wait3A_113] : memref<2x16x80x128xi32, #tpu.memory_space<hbm>> -> memref<1x1x40x128xi32, #tpu.memory_space<hbm>>
      %dma_wait3A_115 = tpu.memref_squeeze %dma_wait3A_114 : memref<1x1x40x128xi32, #tpu.memory_space<hbm>> -> memref<40x128xi32, #tpu.memory_space<hbm>>
      tpu.wait_dma2 semaphore(%run_scoped3A_99 : memref<!tpu.dma_semaphore, #tpu.memory_space<semaphore_mem>>) src(%dma_wait3A_115 : memref<40x128xi32, #tpu.memory_space<hbm>>) dst(%arg8 : memref<40x128xi32, #tpu.memory_space<vmem>>)
      tpu.yield
    }) : () -> ()
    %dma_start3A_42 = arith.constant 0 : i32
    %dma_start3A_43 = arith.constant 0 : i32
    %dma_start3A_44 = tpu.memref_slice %arg7[%dma_start3A_42, %dma_start3A_43] : memref<40x128xi32, #tpu.memory_space<vmem>> -> memref<1x128xi32, #tpu.memory_space<vmem>>
    %dma_start3A_45 = tpu.memref_squeeze %dma_start3A_44 : memref<1x128xi32, #tpu.memory_space<vmem>> -> memref<128xi32, #tpu.memory_space<vmem>>
    %dma_start3A_46 = arith.constant 0 : i32
    %dma_start3A_47 = arith.constant 0 : i32
    %dma_start3A_48 = tpu.memref_slice %arg2[%dma_start3A_46, %dma_start3A_47] : memref<10240x128xf32, #tpu.memory_space<hbm>> -> memref<10240x128xf32, #tpu.memory_space<hbm>>
    tpu.enqueue_indirect_dma source(%dma_start3A_48 : memref<10240x128xf32, #tpu.memory_space<hbm>>) target(%arg9 : memref<128x128xf32, #tpu.memory_space<vmem>>) offsets(%dma_start3A_45 : memref<128xi32, #tpu.memory_space<vmem>>) semaphore(%arg12 : memref<!tpu.dma_semaphore, #tpu.memory_space<semaphore_mem>>)
    %dma_start3A_49 = arith.constant 1 : i32
    %dma_start3A_50 = arith.constant 0 : i32
    %dma_start3A_51 = tpu.memref_slice %arg7[%dma_start3A_49, %dma_start3A_50] : memref<40x128xi32, #tpu.memory_space<vmem>> -> memref<1x128xi32, #tpu.memory_space<vmem>>
    %dma_start3A_52 = tpu.memref_squeeze %dma_start3A_51 : memref<1x128xi32, #tpu.memory_space<vmem>> -> memref<128xi32, #tpu.memory_space<vmem>>
    %dma_start3A_53 = arith.constant 0 : i32
    %dma_start3A_54 = arith.constant 0 : i32
    %dma_start3A_55 = tpu.memref_slice %arg2[%dma_start3A_53, %dma_start3A_54] : memref<10240x128xf32, #tpu.memory_space<hbm>> -> memref<10240x128xf32, #tpu.memory_space<hbm>>
    tpu.enqueue_indirect_dma source(%dma_start3A_55 : memref<10240x128xf32, #tpu.memory_space<hbm>>) target(%arg10 : memref<128x128xf32, #tpu.memory_space<vmem>>) offsets(%dma_start3A_52 : memref<128xi32, #tpu.memory_space<vmem>>) semaphore(%arg13 : memref<!tpu.dma_semaphore, #tpu.memory_space<semaphore_mem>>)
    %scan3A_56 = arith.constant 0 : i32
    %scan3A_57 = arith.constant 0 : i32
    %scan3A_58 = arith.constant 19 : i32
    %scan3A_59 = arith.addi %scan3A_57, %scan3A_58 : i32
    %scan3A_60 = arith.constant 1 : i32
    scf.for %scan3A_99 = %scan3A_57 to %scan3A_59 step %scan3A_60  : i32 {
      %mul3A_100 = arith.constant 2 : i32
      %mul3A_101 = arith.muli %mul3A_100, %scan3A_99 : i32
      %dma_wait3A_102 = arith.constant 0 : i32
      %dma_wait3A_103 = tpu.memref_slice %arg7[%mul3A_101, %dma_wait3A_102] : memref<40x128xi32, #tpu.memory_space<vmem>> -> memref<1x128xi32, #tpu.memory_space<vmem>>
      %dma_wait3A_104 = tpu.memref_squeeze %dma_wait3A_103 : memref<1x128xi32, #tpu.memory_space<vmem>> -> memref<128xi32, #tpu.memory_space<vmem>>
      %dma_wait3A_105 = arith.constant 0 : i32
      %dma_wait3A_106 = arith.constant 0 : i32
      %dma_wait3A_107 = tpu.memref_slice %arg2[%dma_wait3A_105, %dma_wait3A_106] : memref<10240x128xf32, #tpu.memory_space<hbm>> -> memref<10240x128xf32, #tpu.memory_space<hbm>>
      tpu.wait_indirect_dma semaphore(%arg12 : memref<!tpu.dma_semaphore, #tpu.memory_space<semaphore_mem>>) src(%dma_wait3A_107 : memref<10240x128xf32, #tpu.memory_space<hbm>>) dst(%arg9 : memref<128x128xf32, #tpu.memory_space<vmem>>)
      "tpu.region"() ({
        %run_scoped3A_134 = tpu.sem_alloc : memref<!tpu.dma_semaphore, #tpu.memory_space<semaphore_mem>>
        %dma_start3A_135 = arith.constant 0 : i32
        %dma_start3A_136 = tpu.memref_slice %arg8[%mul3A_101, %dma_start3A_135] : memref<40x128xi32, #tpu.memory_space<vmem>> -> memref<1x128xi32, #tpu.memory_space<vmem>>
        %dma_start3A_137 = tpu.memref_squeeze %dma_start3A_136 : memref<1x128xi32, #tpu.memory_space<vmem>> -> memref<128xi32, #tpu.memory_space<vmem>>
        %dma_start3A_138 = arith.constant 0 : i32
        %dma_start3A_139 = arith.constant 0 : i32
        %dma_start3A_140 = tpu.memref_slice %arg11[%dma_start3A_138, %dma_start3A_139] : memref<10240x128xf32, #tpu.memory_space<vmem_shared>> -> memref<10240x128xf32, #tpu.memory_space<vmem_shared>>
        tpu.enqueue_indirect_dma source(%arg9 : memref<128x128xf32, #tpu.memory_space<vmem>>) target(%dma_start3A_140 : memref<10240x128xf32, #tpu.memory_space<vmem_shared>>) offsets(%dma_start3A_137 : memref<128xi32, #tpu.memory_space<vmem>>) semaphore(%run_scoped3A_134 : memref<!tpu.dma_semaphore, #tpu.memory_space<semaphore_mem>>) {add = true}
        %dma_wait3A_141 = arith.constant 0 : i32
        %dma_wait3A_142 = tpu.memref_slice %arg8[%mul3A_101, %dma_wait3A_141] : memref<40x128xi32, #tpu.memory_space<vmem>> -> memref<1x128xi32, #tpu.memory_space<vmem>>
        %dma_wait3A_143 = tpu.memref_squeeze %dma_wait3A_142 : memref<1x128xi32, #tpu.memory_space<vmem>> -> memref<128xi32, #tpu.memory_space<vmem>>
        %dma_wait3A_144 = arith.constant 0 : i32
        %dma_wait3A_145 = arith.constant 0 : i32
        %dma_wait3A_146 = tpu.memref_slice %arg11[%dma_wait3A_144, %dma_wait3A_145] : memref<10240x128xf32, #tpu.memory_space<vmem_shared>> -> memref<10240x128xf32, #tpu.memory_space<vmem_shared>>
        tpu.wait_indirect_dma semaphore(%run_scoped3A_134 : memref<!tpu.dma_semaphore, #tpu.memory_space<semaphore_mem>>) src(%arg9 : memref<128x128xf32, #tpu.memory_space<vmem>>) dst(%dma_wait3A_146 : memref<10240x128xf32, #tpu.memory_space<vmem_shared>>)
        tpu.yield
      }) : () -> ()
      %add3A_108 = arith.constant 2 : i32
      %add3A_109 = arith.addi %mul3A_101, %add3A_108 : i32
      %dma_start3A_110 = arith.constant 0 : i32
      %dma_start3A_111 = tpu.memref_slice %arg7[%add3A_109, %dma_start3A_110] : memref<40x128xi32, #tpu.memory_space<vmem>> -> memref<1x128xi32, #tpu.memory_space<vmem>>
      %dma_start3A_112 = tpu.memref_squeeze %dma_start3A_111 : memref<1x128xi32, #tpu.memory_space<vmem>> -> memref<128xi32, #tpu.memory_space<vmem>>
      %dma_start3A_113 = arith.constant 0 : i32
      %dma_start3A_114 = arith.constant 0 : i32
      %dma_start3A_115 = tpu.memref_slice %arg2[%dma_start3A_113, %dma_start3A_114] : memref<10240x128xf32, #tpu.memory_space<hbm>> -> memref<10240x128xf32, #tpu.memory_space<hbm>>
      tpu.enqueue_indirect_dma source(%dma_start3A_115 : memref<10240x128xf32, #tpu.memory_space<hbm>>) target(%arg9 : memref<128x128xf32, #tpu.memory_space<vmem>>) offsets(%dma_start3A_112 : memref<128xi32, #tpu.memory_space<vmem>>) semaphore(%arg12 : memref<!tpu.dma_semaphore, #tpu.memory_space<semaphore_mem>>)
      %add3A_116 = arith.constant 1 : i32
      %add3A_117 = arith.addi %mul3A_101, %add3A_116 : i32
      %dma_wait3A_118 = arith.constant 0 : i32
      %dma_wait3A_119 = tpu.memref_slice %arg7[%add3A_117, %dma_wait3A_118] : memref<40x128xi32, #tpu.memory_space<vmem>> -> memref<1x128xi32, #tpu.memory_space<vmem>>
      %dma_wait3A_120 = tpu.memref_squeeze %dma_wait3A_119 : memref<1x128xi32, #tpu.memory_space<vmem>> -> memref<128xi32, #tpu.memory_space<vmem>>
      %dma_wait3A_121 = arith.constant 0 : i32
      %dma_wait3A_122 = arith.constant 0 : i32
      %dma_wait3A_123 = tpu.memref_slice %arg2[%dma_wait3A_121, %dma_wait3A_122] : memref<10240x128xf32, #tpu.memory_space<hbm>> -> memref<10240x128xf32, #tpu.memory_space<hbm>>
      tpu.wait_indirect_dma semaphore(%arg13 : memref<!tpu.dma_semaphore, #tpu.memory_space<semaphore_mem>>) src(%dma_wait3A_123 : memref<10240x128xf32, #tpu.memory_space<hbm>>) dst(%arg10 : memref<128x128xf32, #tpu.memory_space<vmem>>)
      %add3A_124 = arith.constant 1 : i32
      %add3A_125 = arith.addi %mul3A_101, %add3A_124 : i32
      "tpu.region"() ({
        %run_scoped3A_134 = tpu.sem_alloc : memref<!tpu.dma_semaphore, #tpu.memory_space<semaphore_mem>>
        %dma_start3A_135 = arith.constant 0 : i32
        %dma_start3A_136 = tpu.memref_slice %arg8[%add3A_125, %dma_start3A_135] : memref<40x128xi32, #tpu.memory_space<vmem>> -> memref<1x128xi32, #tpu.memory_space<vmem>>
        %dma_start3A_137 = tpu.memref_squeeze %dma_start3A_136 : memref<1x128xi32, #tpu.memory_space<vmem>> -> memref<128xi32, #tpu.memory_space<vmem>>
        %dma_start3A_138 = arith.constant 0 : i32
        %dma_start3A_139 = arith.constant 0 : i32
        %dma_start3A_140 = tpu.memref_slice %arg11[%dma_start3A_138, %dma_start3A_139] : memref<10240x128xf32, #tpu.memory_space<vmem_shared>> -> memref<10240x128xf32, #tpu.memory_space<vmem_shared>>
        tpu.enqueue_indirect_dma source(%arg10 : memref<128x128xf32, #tpu.memory_space<vmem>>) target(%dma_start3A_140 : memref<10240x128xf32, #tpu.memory_space<vmem_shared>>) offsets(%dma_start3A_137 : memref<128xi32, #tpu.memory_space<vmem>>) semaphore(%run_scoped3A_134 : memref<!tpu.dma_semaphore, #tpu.memory_space<semaphore_mem>>) {add = true}
        %dma_wait3A_141 = arith.constant 0 : i32
        %dma_wait3A_142 = tpu.memref_slice %arg8[%add3A_125, %dma_wait3A_141] : memref<40x128xi32, #tpu.memory_space<vmem>> -> memref<1x128xi32, #tpu.memory_space<vmem>>
        %dma_wait3A_143 = tpu.memref_squeeze %dma_wait3A_142 : memref<1x128xi32, #tpu.memory_space<vmem>> -> memref<128xi32, #tpu.memory_space<vmem>>
        %dma_wait3A_144 = arith.constant 0 : i32
        %dma_wait3A_145 = arith.constant 0 : i32
        %dma_wait3A_146 = tpu.memref_slice %arg11[%dma_wait3A_144, %dma_wait3A_145] : memref<10240x128xf32, #tpu.memory_space<vmem_shared>> -> memref<10240x128xf32, #tpu.memory_space<vmem_shared>>
        tpu.wait_indirect_dma semaphore(%run_scoped3A_134 : memref<!tpu.dma_semaphore, #tpu.memory_space<semaphore_mem>>) src(%arg10 : memref<128x128xf32, #tpu.memory_space<vmem>>) dst(%dma_wait3A_146 : memref<10240x128xf32, #tpu.memory_space<vmem_shared>>)
        tpu.yield
      }) : () -> ()
      %add3A_126 = arith.constant 3 : i32
      %add3A_127 = arith.addi %mul3A_101, %add3A_126 : i32
      %dma_start3A_128 = arith.constant 0 : i32
      %dma_start3A_129 = tpu.memref_slice %arg7[%add3A_127, %dma_start3A_128] : memref<40x128xi32, #tpu.memory_space<vmem>> -> memref<1x128xi32, #tpu.memory_space<vmem>>
      %dma_start3A_130 = tpu.memref_squeeze %dma_start3A_129 : memref<1x128xi32, #tpu.memory_space<vmem>> -> memref<128xi32, #tpu.memory_space<vmem>>
      %dma_start3A_131 = arith.constant 0 : i32
      %dma_start3A_132 = arith.constant 0 : i32
      %dma_start3A_133 = tpu.memref_slice %arg2[%dma_start3A_131, %dma_start3A_132] : memref<10240x128xf32, #tpu.memory_space<hbm>> -> memref<10240x128xf32, #tpu.memory_space<hbm>>
      tpu.enqueue_indirect_dma source(%dma_start3A_133 : memref<10240x128xf32, #tpu.memory_space<hbm>>) target(%arg10 : memref<128x128xf32, #tpu.memory_space<vmem>>) offsets(%dma_start3A_130 : memref<128xi32, #tpu.memory_space<vmem>>) semaphore(%arg13 : memref<!tpu.dma_semaphore, #tpu.memory_space<semaphore_mem>>)
    }
    %scan3A_61 = arith.constant 19 : i32
    %dma_wait3A_62 = arith.constant 38 : i32
    %dma_wait3A_63 = arith.constant 0 : i32
    %dma_wait3A_64 = tpu.memref_slice %arg7[%dma_wait3A_62, %dma_wait3A_63] : memref<40x128xi32, #tpu.memory_space<vmem>> -> memref<1x128xi32, #tpu.memory_space<vmem>>
    %dma_wait3A_65 = tpu.memref_squeeze %dma_wait3A_64 : memref<1x128xi32, #tpu.memory_space<vmem>> -> memref<128xi32, #tpu.memory_space<vmem>>
    %dma_wait3A_66 = arith.constant 0 : i32
    %dma_wait3A_67 = arith.constant 0 : i32
    %dma_wait3A_68 = tpu.memref_slice %arg2[%dma_wait3A_66, %dma_wait3A_67] : memref<10240x128xf32, #tpu.memory_space<hbm>> -> memref<10240x128xf32, #tpu.memory_space<hbm>>
    tpu.wait_indirect_dma semaphore(%arg12 : memref<!tpu.dma_semaphore, #tpu.memory_space<semaphore_mem>>) src(%dma_wait3A_68 : memref<10240x128xf32, #tpu.memory_space<hbm>>) dst(%arg9 : memref<128x128xf32, #tpu.memory_space<vmem>>)
    %run_scoped3A_69 = arith.constant 38 : i32
    "tpu.region"() ({
      %run_scoped3A_99 = tpu.sem_alloc : memref<!tpu.dma_semaphore, #tpu.memory_space<semaphore_mem>>
      %dma_start3A_100 = arith.constant 0 : i32
      %dma_start3A_101 = tpu.memref_slice %arg8[%run_scoped3A_69, %dma_start3A_100] : memref<40x128xi32, #tpu.memory_space<vmem>> -> memref<1x128xi32, #tpu.memory_space<vmem>>
      %dma_start3A_102 = tpu.memref_squeeze %dma_start3A_101 : memref<1x128xi32, #tpu.memory_space<vmem>> -> memref<128xi32, #tpu.memory_space<vmem>>
      %dma_start3A_103 = arith.constant 0 : i32
      %dma_start3A_104 = arith.constant 0 : i32
      %dma_start3A_105 = tpu.memref_slice %arg11[%dma_start3A_103, %dma_start3A_104] : memref<10240x128xf32, #tpu.memory_space<vmem_shared>> -> memref<10240x128xf32, #tpu.memory_space<vmem_shared>>
      tpu.enqueue_indirect_dma source(%arg9 : memref<128x128xf32, #tpu.memory_space<vmem>>) target(%dma_start3A_105 : memref<10240x128xf32, #tpu.memory_space<vmem_shared>>) offsets(%dma_start3A_102 : memref<128xi32, #tpu.memory_space<vmem>>) semaphore(%run_scoped3A_99 : memref<!tpu.dma_semaphore, #tpu.memory_space<semaphore_mem>>) {add = true}
      %dma_wait3A_106 = arith.constant 0 : i32
      %dma_wait3A_107 = tpu.memref_slice %arg8[%run_scoped3A_69, %dma_wait3A_106] : memref<40x128xi32, #tpu.memory_space<vmem>> -> memref<1x128xi32, #tpu.memory_space<vmem>>
      %dma_wait3A_108 = tpu.memref_squeeze %dma_wait3A_107 : memref<1x128xi32, #tpu.memory_space<vmem>> -> memref<128xi32, #tpu.memory_space<vmem>>
      %dma_wait3A_109 = arith.constant 0 : i32
      %dma_wait3A_110 = arith.constant 0 : i32
      %dma_wait3A_111 = tpu.memref_slice %arg11[%dma_wait3A_109, %dma_wait3A_110] : memref<10240x128xf32, #tpu.memory_space<vmem_shared>> -> memref<10240x128xf32, #tpu.memory_space<vmem_shared>>
      tpu.wait_indirect_dma semaphore(%run_scoped3A_99 : memref<!tpu.dma_semaphore, #tpu.memory_space<semaphore_mem>>) src(%arg9 : memref<128x128xf32, #tpu.memory_space<vmem>>) dst(%dma_wait3A_111 : memref<10240x128xf32, #tpu.memory_space<vmem_shared>>)
      tpu.yield
    }) : () -> ()
    %dma_wait3A_70 = arith.constant 39 : i32
    %dma_wait3A_71 = arith.constant 0 : i32
    %dma_wait3A_72 = tpu.memref_slice %arg7[%dma_wait3A_70, %dma_wait3A_71] : memref<40x128xi32, #tpu.memory_space<vmem>> -> memref<1x128xi32, #tpu.memory_space<vmem>>
    %dma_wait3A_73 = tpu.memref_squeeze %dma_wait3A_72 : memref<1x128xi32, #tpu.memory_space<vmem>> -> memref<128xi32, #tpu.memory_space<vmem>>
    %dma_wait3A_74 = arith.constant 0 : i32
    %dma_wait3A_75 = arith.constant 0 : i32
    %dma_wait3A_76 = tpu.memref_slice %arg2[%dma_wait3A_74, %dma_wait3A_75] : memref<10240x128xf32, #tpu.memory_space<hbm>> -> memref<10240x128xf32, #tpu.memory_space<hbm>>
    tpu.wait_indirect_dma semaphore(%arg13 : memref<!tpu.dma_semaphore, #tpu.memory_space<semaphore_mem>>) src(%dma_wait3A_76 : memref<10240x128xf32, #tpu.memory_space<hbm>>) dst(%arg10 : memref<128x128xf32, #tpu.memory_space<vmem>>)
    %run_scoped3A_77 = arith.constant 39 : i32
    "tpu.region"() ({
      %run_scoped3A_99 = tpu.sem_alloc : memref<!tpu.dma_semaphore, #tpu.memory_space<semaphore_mem>>
      %dma_start3A_100 = arith.constant 0 : i32
      %dma_start3A_101 = tpu.memref_slice %arg8[%run_scoped3A_77, %dma_start3A_100] : memref<40x128xi32, #tpu.memory_space<vmem>> -> memref<1x128xi32, #tpu.memory_space<vmem>>
      %dma_start3A_102 = tpu.memref_squeeze %dma_start3A_101 : memref<1x128xi32, #tpu.memory_space<vmem>> -> memref<128xi32, #tpu.memory_space<vmem>>
      %dma_start3A_103 = arith.constant 0 : i32
      %dma_start3A_104 = arith.constant 0 : i32
      %dma_start3A_105 = tpu.memref_slice %arg11[%dma_start3A_103, %dma_start3A_104] : memref<10240x128xf32, #tpu.memory_space<vmem_shared>> -> memref<10240x128xf32, #tpu.memory_space<vmem_shared>>
      tpu.enqueue_indirect_dma source(%arg10 : memref<128x128xf32, #tpu.memory_space<vmem>>) target(%dma_start3A_105 : memref<10240x128xf32, #tpu.memory_space<vmem_shared>>) offsets(%dma_start3A_102 : memref<128xi32, #tpu.memory_space<vmem>>) semaphore(%run_scoped3A_99 : memref<!tpu.dma_semaphore, #tpu.memory_space<semaphore_mem>>) {add = true}
      %dma_wait3A_106 = arith.constant 0 : i32
      %dma_wait3A_107 = tpu.memref_slice %arg8[%run_scoped3A_77, %dma_wait3A_106] : memref<40x128xi32, #tpu.memory_space<vmem>> -> memref<1x128xi32, #tpu.memory_space<vmem>>
      %dma_wait3A_108 = tpu.memref_squeeze %dma_wait3A_107 : memref<1x128xi32, #tpu.memory_space<vmem>> -> memref<128xi32, #tpu.memory_space<vmem>>
      %dma_wait3A_109 = arith.constant 0 : i32
      %dma_wait3A_110 = arith.constant 0 : i32
      %dma_wait3A_111 = tpu.memref_slice %arg11[%dma_wait3A_109, %dma_wait3A_110] : memref<10240x128xf32, #tpu.memory_space<vmem_shared>> -> memref<10240x128xf32, #tpu.memory_space<vmem_shared>>
      tpu.wait_indirect_dma semaphore(%run_scoped3A_99 : memref<!tpu.dma_semaphore, #tpu.memory_space<semaphore_mem>>) src(%arg10 : memref<128x128xf32, #tpu.memory_space<vmem>>) dst(%dma_wait3A_111 : memref<10240x128xf32, #tpu.memory_space<vmem_shared>>)
      tpu.yield
    }) : () -> ()
    %barrier3A_78 = arith.constant 0 : index
    tpu.barrier barrier_id(%barrier3A_78)
    %add3A_79 = arith.constant 0 : i32
    %add3A_80 = arith.addi %mul3A_0, %add3A_79 : i32
    %add3A_81 = arith.constant 0 : i32
    %add3A_82 = arith.addi %mul3A_0, %add3A_81 : i32
    "tpu.region"() ({
      %run_scoped3A_99 = tpu.sem_alloc : memref<!tpu.dma_semaphore, #tpu.memory_space<semaphore_mem>>
      %dma_start3A_100 = arith.constant 0 : i32
      %dma_start3A_101 = tpu.memref_slice %arg6[%arg0, %add3A_82, %dma_start3A_100] : memref<2x10240x128xf32, #tpu.memory_space<hbm>> -> memref<1x128x128xf32, #tpu.memory_space<hbm>>
      %dma_start3A_102 = tpu.memref_squeeze %dma_start3A_101 : memref<1x128x128xf32, #tpu.memory_space<hbm>> -> memref<128x128xf32, #tpu.memory_space<hbm>>
      %dma_start3A_103 = arith.constant 0 : i32
      %dma_start3A_104 = tpu.memref_slice %arg11[%add3A_80, %dma_start3A_103] : memref<10240x128xf32, #tpu.memory_space<vmem_shared>> -> memref<128x128xf32, #tpu.memory_space<vmem_shared>>
      tpu.enqueue_dma source(%dma_start3A_104 : memref<128x128xf32, #tpu.memory_space<vmem_shared>>) target(%dma_start3A_102 : memref<128x128xf32, #tpu.memory_space<hbm>>) target_semaphore(%run_scoped3A_99 : memref<!tpu.dma_semaphore, #tpu.memory_space<semaphore_mem>>)
      %dma_wait3A_105 = arith.constant 0 : i32
      %dma_wait3A_106 = tpu.memref_slice %arg6[%arg0, %add3A_82, %dma_wait3A_105] : memref<2x10240x128xf32, #tpu.memory_space<hbm>> -> memref<1x128x128xf32, #tpu.memory_space<hbm>>
      %dma_wait3A_107 = tpu.memref_squeeze %dma_wait3A_106 : memref<1x128x128xf32, #tpu.memory_space<hbm>> -> memref<128x128xf32, #tpu.memory_space<hbm>>
      %dma_wait3A_108 = arith.constant 0 : i32
      %dma_wait3A_109 = tpu.memref_slice %arg11[%add3A_80, %dma_wait3A_108] : memref<10240x128xf32, #tpu.memory_space<vmem_shared>> -> memref<128x128xf32, #tpu.memory_space<vmem_shared>>
      tpu.wait_dma2 semaphore(%run_scoped3A_99 : memref<!tpu.dma_semaphore, #tpu.memory_space<semaphore_mem>>) src(%dma_wait3A_109 : memref<128x128xf32, #tpu.memory_space<vmem_shared>>) dst(%dma_wait3A_107 : memref<128x128xf32, #tpu.memory_space<hbm>>)
      tpu.yield
    }) : () -> ()
    %add3A_83 = arith.constant 128 : i32
    %add3A_84 = arith.addi %mul3A_0, %add3A_83 : i32
    %add3A_85 = arith.constant 128 : i32
    %add3A_86 = arith.addi %mul3A_0, %add3A_85 : i32
    "tpu.region"() ({
      %run_scoped3A_99 = tpu.sem_alloc : memref<!tpu.dma_semaphore, #tpu.memory_space<semaphore_mem>>
      %dma_start3A_100 = arith.constant 0 : i32
      %dma_start3A_101 = tpu.memref_slice %arg6[%arg0, %add3A_86, %dma_start3A_100] : memref<2x10240x128xf32, #tpu.memory_space<hbm>> -> memref<1x128x128xf32, #tpu.memory_space<hbm>>
      %dma_start3A_102 = tpu.memref_squeeze %dma_start3A_101 : memref<1x128x128xf32, #tpu.memory_space<hbm>> -> memref<128x128xf32, #tpu.memory_space<hbm>>
      %dma_start3A_103 = arith.constant 0 : i32
      %dma_start3A_104 = tpu.memref_slice %arg11[%add3A_84, %dma_start3A_103] : memref<10240x128xf32, #tpu.memory_space<vmem_shared>> -> memref<128x128xf32, #tpu.memory_space<vmem_shared>>
      tpu.enqueue_dma source(%dma_start3A_104 : memref<128x128xf32, #tpu.memory_space<vmem_shared>>) target(%dma_start3A_102 : memref<128x128xf32, #tpu.memory_space<hbm>>) target_semaphore(%run_scoped3A_99 : memref<!tpu.dma_semaphore, #tpu.memory_space<semaphore_mem>>)
      %dma_wait3A_105 = arith.constant 0 : i32
      %dma_wait3A_106 = tpu.memref_slice %arg6[%arg0, %add3A_86, %dma_wait3A_105] : memref<2x10240x128xf32, #tpu.memory_space<hbm>> -> memref<1x128x128xf32, #tpu.memory_space<hbm>>
      %dma_wait3A_107 = tpu.memref_squeeze %dma_wait3A_106 : memref<1x128x128xf32, #tpu.memory_space<hbm>> -> memref<128x128xf32, #tpu.memory_space<hbm>>
      %dma_wait3A_108 = arith.constant 0 : i32
      %dma_wait3A_109 = tpu.memref_slice %arg11[%add3A_84, %dma_wait3A_108] : memref<10240x128xf32, #tpu.memory_space<vmem_shared>> -> memref<128x128xf32, #tpu.memory_space<vmem_shared>>
      tpu.wait_dma2 semaphore(%run_scoped3A_99 : memref<!tpu.dma_semaphore, #tpu.memory_space<semaphore_mem>>) src(%dma_wait3A_109 : memref<128x128xf32, #tpu.memory_space<vmem_shared>>) dst(%dma_wait3A_107 : memref<128x128xf32, #tpu.memory_space<hbm>>)
      tpu.yield
    }) : () -> ()
    %add3A_87 = arith.constant 256 : i32
    %add3A_88 = arith.addi %mul3A_0, %add3A_87 : i32
    %add3A_89 = arith.constant 256 : i32
    %add3A_90 = arith.addi %mul3A_0, %add3A_89 : i32
    "tpu.region"() ({
      %run_scoped3A_99 = tpu.sem_alloc : memref<!tpu.dma_semaphore, #tpu.memory_space<semaphore_mem>>
      %dma_start3A_100 = arith.constant 0 : i32
      %dma_start3A_101 = tpu.memref_slice %arg6[%arg0, %add3A_90, %dma_start3A_100] : memref<2x10240x128xf32, #tpu.memory_space<hbm>> -> memref<1x128x128xf32, #tpu.memory_space<hbm>>
      %dma_start3A_102 = tpu.memref_squeeze %dma_start3A_101 : memref<1x128x128xf32, #tpu.memory_space<hbm>> -> memref<128x128xf32, #tpu.memory_space<hbm>>
      %dma_start3A_103 = arith.constant 0 : i32
      %dma_start3A_104 = tpu.memref_slice %arg11[%add3A_88, %dma_start3A_103] : memref<10240x128xf32, #tpu.memory_space<vmem_shared>> -> memref<128x128xf32, #tpu.memory_space<vmem_shared>>
      tpu.enqueue_dma source(%dma_start3A_104 : memref<128x128xf32, #tpu.memory_space<vmem_shared>>) target(%dma_start3A_102 : memref<128x128xf32, #tpu.memory_space<hbm>>) target_semaphore(%run_scoped3A_99 : memref<!tpu.dma_semaphore, #tpu.memory_space<semaphore_mem>>)
      %dma_wait3A_105 = arith.constant 0 : i32
      %dma_wait3A_106 = tpu.memref_slice %arg6[%arg0, %add3A_90, %dma_wait3A_105] : memref<2x10240x128xf32, #tpu.memory_space<hbm>> -> memref<1x128x128xf32, #tpu.memory_space<hbm>>
      %dma_wait3A_107 = tpu.memref_squeeze %dma_wait3A_106 : memref<1x128x128xf32, #tpu.memory_space<hbm>> -> memref<128x128xf32, #tpu.memory_space<hbm>>
      %dma_wait3A_108 = arith.constant 0 : i32
      %dma_wait3A_109 = tpu.memref_slice %arg11[%add3A_88, %dma_wait3A_108] : memref<10240x128xf32, #tpu.memory_space<vmem_shared>> -> memref<128x128xf32, #tpu.memory_space<vmem_shared>>
      tpu.wait_dma2 semaphore(%run_scoped3A_99 : memref<!tpu.dma_semaphore, #tpu.memory_space<semaphore_mem>>) src(%dma_wait3A_109 : memref<128x128xf32, #tpu.memory_space<vmem_shared>>) dst(%dma_wait3A_107 : memref<128x128xf32, #tpu.memory_space<hbm>>)
      tpu.yield
    }) : () -> ()
    %add3A_91 = arith.constant 384 : i32
    %add3A_92 = arith.addi %mul3A_0, %add3A_91 : i32
    %add3A_93 = arith.constant 384 : i32
    %add3A_94 = arith.addi %mul3A_0, %add3A_93 : i32
    "tpu.region"() ({
      %run_scoped3A_99 = tpu.sem_alloc : memref<!tpu.dma_semaphore, #tpu.memory_space<semaphore_mem>>
      %dma_start3A_100 = arith.constant 0 : i32
      %dma_start3A_101 = tpu.memref_slice %arg6[%arg0, %add3A_94, %dma_start3A_100] : memref<2x10240x128xf32, #tpu.memory_space<hbm>> -> memref<1x128x128xf32, #tpu.memory_space<hbm>>
      %dma_start3A_102 = tpu.memref_squeeze %dma_start3A_101 : memref<1x128x128xf32, #tpu.memory_space<hbm>> -> memref<128x128xf32, #tpu.memory_space<hbm>>
      %dma_start3A_103 = arith.constant 0 : i32
      %dma_start3A_104 = tpu.memref_slice %arg11[%add3A_92, %dma_start3A_103] : memref<10240x128xf32, #tpu.memory_space<vmem_shared>> -> memref<128x128xf32, #tpu.memory_space<vmem_shared>>
      tpu.enqueue_dma source(%dma_start3A_104 : memref<128x128xf32, #tpu.memory_space<vmem_shared>>) target(%dma_start3A_102 : memref<128x128xf32, #tpu.memory_space<hbm>>) target_semaphore(%run_scoped3A_99 : memref<!tpu.dma_semaphore, #tpu.memory_space<semaphore_mem>>)
      %dma_wait3A_105 = arith.constant 0 : i32
      %dma_wait3A_106 = tpu.memref_slice %arg6[%arg0, %add3A_94, %dma_wait3A_105] : memref<2x10240x128xf32, #tpu.memory_space<hbm>> -> memref<1x128x128xf32, #tpu.memory_space<hbm>>
      %dma_wait3A_107 = tpu.memref_squeeze %dma_wait3A_106 : memref<1x128x128xf32, #tpu.memory_space<hbm>> -> memref<128x128xf32, #tpu.memory_space<hbm>>
      %dma_wait3A_108 = arith.constant 0 : i32
      %dma_wait3A_109 = tpu.memref_slice %arg11[%add3A_92, %dma_wait3A_108] : memref<10240x128xf32, #tpu.memory_space<vmem_shared>> -> memref<128x128xf32, #tpu.memory_space<vmem_shared>>
      tpu.wait_dma2 semaphore(%run_scoped3A_99 : memref<!tpu.dma_semaphore, #tpu.memory_space<semaphore_mem>>) src(%dma_wait3A_109 : memref<128x128xf32, #tpu.memory_space<vmem_shared>>) dst(%dma_wait3A_107 : memref<128x128xf32, #tpu.memory_space<hbm>>)
      tpu.yield
    }) : () -> ()
    %add3A_95 = arith.constant 512 : i32
    %add3A_96 = arith.addi %mul3A_0, %add3A_95 : i32
    %add3A_97 = arith.constant 512 : i32
    %add3A_98 = arith.addi %mul3A_0, %add3A_97 : i32
    "tpu.region"() ({
      %run_scoped3A_99 = tpu.sem_alloc : memref<!tpu.dma_semaphore, #tpu.memory_space<semaphore_mem>>
      %dma_start3A_100 = arith.constant 0 : i32
      %dma_start3A_101 = tpu.memref_slice %arg6[%arg0, %add3A_98, %dma_start3A_100] : memref<2x10240x128xf32, #tpu.memory_space<hbm>> -> memref<1x128x128xf32, #tpu.memory_space<hbm>>
      %dma_start3A_102 = tpu.memref_squeeze %dma_start3A_101 : memref<1x128x128xf32, #tpu.memory_space<hbm>> -> memref<128x128xf32, #tpu.memory_space<hbm>>
      %dma_start3A_103 = arith.constant 0 : i32
      %dma_start3A_104 = tpu.memref_slice %arg11[%add3A_96, %dma_start3A_103] : memref<10240x128xf32, #tpu.memory_space<vmem_shared>> -> memref<128x128xf32, #tpu.memory_space<vmem_shared>>
      tpu.enqueue_dma source(%dma_start3A_104 : memref<128x128xf32, #tpu.memory_space<vmem_shared>>) target(%dma_start3A_102 : memref<128x128xf32, #tpu.memory_space<hbm>>) target_semaphore(%run_scoped3A_99 : memref<!tpu.dma_semaphore, #tpu.memory_space<semaphore_mem>>)
      %dma_wait3A_105 = arith.constant 0 : i32
      %dma_wait3A_106 = tpu.memref_slice %arg6[%arg0, %add3A_98, %dma_wait3A_105] : memref<2x10240x128xf32, #tpu.memory_space<hbm>> -> memref<1x128x128xf32, #tpu.memory_space<hbm>>
      %dma_wait3A_107 = tpu.memref_squeeze %dma_wait3A_106 : memref<1x128x128xf32, #tpu.memory_space<hbm>> -> memref<128x128xf32, #tpu.memory_space<hbm>>
      %dma_wait3A_108 = arith.constant 0 : i32
      %dma_wait3A_109 = tpu.memref_slice %arg11[%add3A_96, %dma_wait3A_108] : memref<10240x128xf32, #tpu.memory_space<vmem_shared>> -> memref<128x128xf32, #tpu.memory_space<vmem_shared>>
      tpu.wait_dma2 semaphore(%run_scoped3A_99 : memref<!tpu.dma_semaphore, #tpu.memory_space<semaphore_mem>>) src(%dma_wait3A_109 : memref<128x128xf32, #tpu.memory_space<vmem_shared>>) dst(%dma_wait3A_107 : memref<128x128xf32, #tpu.memory_space<hbm>>)
      tpu.yield
    }) : () -> ()
    return
  }
}

module attributes {stable_mosaic.version = 14 : i64} {
  func.func @body(%arg0: i32, %arg1: memref<1280x128xf32, #tpu.memory_space<vmem>>, %arg2: memref<128x128xf32, #tpu.memory_space<vmem>>, %arg3: memref<2x1280x128xf32, #tpu.memory_space<vmem>>, %arg4: memref<1280x128xf32, #tpu.memory_space<vmem>>, %arg5: memref<1280x128xf32, #tpu.memory_space<vmem>>) attributes {dimension_semantics = [#tpu.dimension_semantics<arbitrary>], iteration_bounds = array<i64: 8>, scalar_prefetch = 0 : i64, scratch_operands = 0 : i64, tpu.core_type = #tpu.core_type<tc>, window_params = [{transform_indices = @transform_0, window_bounds = array<i64: 1280, 128>}, {pipeline_mode = #tpu.pipeline_mode<synchronous>, transform_indices = @transform_1, window_bounds = array<i64: 128, 128>}, {transform_indices = @transform_2, window_bounds = array<i64: 2, 1280, 128>}, {transform_indices = @transform_3, window_bounds = array<i64: 1280, 128>}, {transform_indices = @transform_4, window_bounds = array<i64: 1280, 128>}]} {
    %get3A = arith.constant 0 : index
    %get3A_0 = arith.constant 0 : index
    %get3A_1 = vector.load %arg1[%get3A, %get3A_0] : memref<1280x128xf32, #tpu.memory_space<vmem>>, vector<1280x128xf32>
    %get3A_2 = arith.constant 0 : index
    %get3A_3 = arith.constant 0 : index
    %get3A_4 = vector.load %arg2[%get3A_2, %get3A_3] : memref<128x128xf32, #tpu.memory_space<vmem>>, vector<128x128xf32>
    %dot_general3A = arith.constant dense<0.000000e+00> : vector<1280x128xf32>
    %dot_general3A_5 = tpu.matmul %get3A_1, %get3A_4, %dot_general3A {dimension_numbers = #tpu.dot_dimension_numbers<[1], [0], [0], [1], [0, 0, 1, 1], [], []>, transpose_lhs_hint = false} : vector<1280x128xf32>, vector<128x128xf32>, vector<1280x128xf32> -> vector<1280x128xf32>
    %get3A_6 = arith.constant 0 : index
    %get3A_7 = arith.constant 0 : index
    %get3A_8 = arith.constant 0 : index
    %get3A_9 = vector.load %arg3[%get3A_6, %get3A_7, %get3A_8] : memref<2x1280x128xf32, #tpu.memory_space<vmem>>, vector<1x1280x128xf32>
    %get3A_10 = vector.shape_cast %get3A_9 : vector<1x1280x128xf32> to vector<1280x128xf32>
    %get3A_11 = arith.constant 1 : index
    %get3A_12 = arith.constant 0 : index
    %get3A_13 = arith.constant 0 : index
    %get3A_14 = vector.load %arg3[%get3A_11, %get3A_12, %get3A_13] : memref<2x1280x128xf32, #tpu.memory_space<vmem>>, vector<1x1280x128xf32>
    %get3A_15 = vector.shape_cast %get3A_14 : vector<1x1280x128xf32> to vector<1280x128xf32>
    %add3A = arith.addf %get3A_10, %get3A_15 : vector<1280x128xf32>
    %add3A_16 = arith.constant 1.000000e+00 : f32
    %add3A_17 = vector.broadcast %add3A_16 : f32 to vector<1280x128xf32>
    %add3A_18 = arith.addf %add3A, %add3A_17 : vector<1280x128xf32>
    %rsqrt3A = math.rsqrt %add3A_18 : vector<1280x128xf32>
    %swap3A = arith.constant 0 : index
    %swap3A_19 = arith.constant 0 : index
    %swap3A_20 = vector.load %arg4[%swap3A, %swap3A_19] : memref<1280x128xf32, #tpu.memory_space<vmem>>, vector<1280x128xf32>
    tpu.vector_store %arg4[%swap3A, %swap3A_19], %dot_general3A_5 {strides = array<i32>} : memref<1280x128xf32, #tpu.memory_space<vmem>>, vector<1280x128xf32>,
    %mul3A = arith.mulf %dot_general3A_5, %rsqrt3A : vector<1280x128xf32>
    %swap3A_21 = arith.constant 0 : index
    %swap3A_22 = arith.constant 0 : index
    %swap3A_23 = vector.load %arg5[%swap3A_21, %swap3A_22] : memref<1280x128xf32, #tpu.memory_space<vmem>>, vector<1280x128xf32>
    tpu.vector_store %arg5[%swap3A_21, %swap3A_22], %mul3A {strides = array<i32>} : memref<1280x128xf32, #tpu.memory_space<vmem>>, vector<1280x128xf32>,
    return
  }
  func.func @transform_0(%arg0: i32) -> (i32, i32) {
    %c0_i32 = arith.constant 0 : i32
    %c0_i32_0 = arith.constant 0 : i32
    return %arg0, %c0_i32 : i32, i32
  }
  func.func @transform_1(%arg0: i32) -> (i32, i32) {
    %c0_i32 = arith.constant 0 : i32
    %c0_i32_0 = arith.constant 0 : i32
    %c0_i32_1 = arith.constant 0 : i32
    return %c0_i32, %c0_i32_0 : i32, i32
  }
  func.func @transform_2(%arg0: i32) -> (i32, i32, i32) {
    %c0_i32 = arith.constant 0 : i32
    %c0_i32_0 = arith.constant 0 : i32
    %c0_i32_1 = arith.constant 0 : i32
    return %c0_i32, %arg0, %c0_i32_0 : i32, i32, i32
  }
  func.func @transform_3(%arg0: i32) -> (i32, i32) {
    %c0_i32 = arith.constant 0 : i32
    %c0_i32_0 = arith.constant 0 : i32
    return %arg0, %c0_i32 : i32, i32
  }
  func.func @transform_4(%arg0: i32) -> (i32, i32) {
    %c0_i32 = arith.constant 0 : i32
    %c0_i32_0 = arith.constant 0 : i32
    return %arg0, %c0_i32 : i32, i32
  }
}

module attributes {stable_mosaic.version = 14 : i64} {
  func.func @body(%arg0: i32, %arg1: memref<2x1280x128xf32, #tpu.memory_space<vmem>>, %arg2: memref<2x1280x128xf32, #tpu.memory_space<vmem>>, %arg3: memref<1280x128xf32, #tpu.memory_space<vmem>>, %arg4: memref<128x128xf32, #tpu.memory_space<vmem>>, %arg5: memref<1x128xf32, #tpu.memory_space<vmem>>, %arg6: memref<1280x128xf32, #tpu.memory_space<vmem>>, %arg7: memref<1280x128xf32, #tpu.memory_space<vmem>>) attributes {dimension_semantics = [#tpu.dimension_semantics<arbitrary>], iteration_bounds = array<i64: 8>, scalar_prefetch = 0 : i64, scratch_operands = 0 : i64, tpu.core_type = #tpu.core_type<tc>, window_params = [{transform_indices = @transform_0, window_bounds = array<i64: 2, 1280, 128>}, {transform_indices = @transform_1, window_bounds = array<i64: 2, 1280, 128>}, {transform_indices = @transform_2, window_bounds = array<i64: 1280, 128>}, {pipeline_mode = #tpu.pipeline_mode<synchronous>, transform_indices = @transform_3, window_bounds = array<i64: 128, 128>}, {pipeline_mode = #tpu.pipeline_mode<synchronous>, transform_indices = @transform_4, window_bounds = array<i64: 1, 128>}, {transform_indices = @transform_5, window_bounds = array<i64: 1280, 128>}, {transform_indices = @transform_6, window_bounds = array<i64: 1280, 128>}]} {
    %get3A = arith.constant 0 : index
    %get3A_0 = arith.constant 0 : index
    %get3A_1 = arith.constant 0 : index
    %get3A_2 = vector.load %arg2[%get3A, %get3A_0, %get3A_1] : memref<2x1280x128xf32, #tpu.memory_space<vmem>>, vector<1x1280x128xf32>
    %get3A_3 = vector.shape_cast %get3A_2 : vector<1x1280x128xf32> to vector<1280x128xf32>
    %get3A_4 = arith.constant 1 : index
    %get3A_5 = arith.constant 0 : index
    %get3A_6 = arith.constant 0 : index
    %get3A_7 = vector.load %arg2[%get3A_4, %get3A_5, %get3A_6] : memref<2x1280x128xf32, #tpu.memory_space<vmem>>, vector<1x1280x128xf32>
    %get3A_8 = vector.shape_cast %get3A_7 : vector<1x1280x128xf32> to vector<1280x128xf32>
    %add3A = arith.addf %get3A_3, %get3A_8 : vector<1280x128xf32>
    %add3A_9 = arith.constant 1.000000e+00 : f32
    %add3A_10 = vector.broadcast %add3A_9 : f32 to vector<1280x128xf32>
    %add3A_11 = arith.addf %add3A, %add3A_10 : vector<1280x128xf32>
    %rsqrt3A = math.rsqrt %add3A_11 : vector<1280x128xf32>
    %get3A_12 = arith.constant 0 : index
    %get3A_13 = arith.constant 0 : index
    %get3A_14 = arith.constant 0 : index
    %get3A_15 = vector.load %arg1[%get3A_12, %get3A_13, %get3A_14] : memref<2x1280x128xf32, #tpu.memory_space<vmem>>, vector<1x1280x128xf32>
    %get3A_16 = vector.shape_cast %get3A_15 : vector<1x1280x128xf32> to vector<1280x128xf32>
    %get3A_17 = arith.constant 1 : index
    %get3A_18 = arith.constant 0 : index
    %get3A_19 = arith.constant 0 : index
    %get3A_20 = vector.load %arg1[%get3A_17, %get3A_18, %get3A_19] : memref<2x1280x128xf32, #tpu.memory_space<vmem>>, vector<1x1280x128xf32>
    %get3A_21 = vector.shape_cast %get3A_20 : vector<1x1280x128xf32> to vector<1280x128xf32>
    %add3A_22 = arith.addf %get3A_16, %get3A_21 : vector<1280x128xf32>
    %mul3A = arith.mulf %rsqrt3A, %add3A_22 : vector<1280x128xf32>
    %mul3A_23 = arith.mulf %rsqrt3A, %rsqrt3A : vector<1280x128xf32>
    %get3A_24 = arith.constant 0 : index
    %get3A_25 = arith.constant 0 : index
    %get3A_26 = vector.load %arg3[%get3A_24, %get3A_25] : memref<1280x128xf32, #tpu.memory_space<vmem>>, vector<1280x128xf32>
    %mul3A_27 = arith.mulf %mul3A_23, %get3A_26 : vector<1280x128xf32>
    %add3A_28 = arith.addf %mul3A, %mul3A_27 : vector<1280x128xf32>
    %get3A_29 = arith.constant 0 : index
    %get3A_30 = arith.constant 0 : index
    %get3A_31 = vector.load %arg5[%get3A_29, %get3A_30] : memref<1x128xf32, #tpu.memory_space<vmem>>, vector<1x128xf32>
    %add3A_32 = vector.broadcast %get3A_31 : vector<1x128xf32> to vector<1280x128xf32>
    %add3A_33 = arith.addf %add3A_28, %add3A_32 : vector<1280x128xf32>
    %max3A = arith.constant 0.000000e+00 : f32
    %max3A_34 = vector.broadcast %max3A : f32 to vector<1280x128xf32>
    %max3A_35 = arith.maximumf %add3A_33, %max3A_34 : vector<1280x128xf32>
    %get3A_36 = arith.constant 0 : index
    %get3A_37 = arith.constant 0 : index
    %get3A_38 = vector.load %arg4[%get3A_36, %get3A_37] : memref<128x128xf32, #tpu.memory_space<vmem>>, vector<128x128xf32>
    %dot_general3A = arith.constant dense<0.000000e+00> : vector<1280x128xf32>
    %dot_general3A_39 = tpu.matmul %max3A_35, %get3A_38, %dot_general3A {dimension_numbers = #tpu.dot_dimension_numbers<[1], [0], [0], [1], [0, 0, 1, 1], [], []>, transpose_lhs_hint = false} : vector<1280x128xf32>, vector<128x128xf32>, vector<1280x128xf32> -> vector<1280x128xf32>
    %mul3A_40 = arith.constant 1280 : i32
    %mul3A_41 = arith.muli %arg0, %mul3A_40 : i32
    %iota3A = tpu.iota {dimensions = array<i32: 0>} : vector<1280x128xi32>
    %add3A_42 = vector.broadcast %mul3A_41 : i32 to vector<1280x128xi32>
    %add3A_43 = arith.addi %add3A_42, %iota3A : vector<1280x128xi32>
    %swap3A = arith.constant 0 : index
    %swap3A_44 = arith.constant 0 : index
    %swap3A_45 = vector.load %arg6[%swap3A, %swap3A_44] : memref<1280x128xf32, #tpu.memory_space<vmem>>, vector<1280x128xf32>
    tpu.vector_store %arg6[%swap3A, %swap3A_44], %dot_general3A_39 {strides = array<i32>} : memref<1280x128xf32, #tpu.memory_space<vmem>>, vector<1280x128xf32>,
    %lt3A = arith.constant 10000 : i32
    %lt3A_46 = vector.broadcast %lt3A : i32 to vector<1280x128xi32>
    %lt3A_47 = arith.cmpi slt, %add3A_43, %lt3A_46 : vector<1280x128xi32>
    %mul3A_48 = arith.mulf %dot_general3A_39, %rsqrt3A : vector<1280x128xf32>
    %jit3A = arith.constant 0.000000e+00 : f32
    %broadcast_in_dim3A = vector.broadcast %jit3A : f32 to vector<1280x128xf32>
    %select_n3A = arith.select %lt3A_47, %mul3A_48, %broadcast_in_dim3A : vector<1280x128xi1>, vector<1280x128xf32>
    %swap3A_49 = arith.constant 0 : index
    %swap3A_50 = arith.constant 0 : index
    %swap3A_51 = vector.load %arg7[%swap3A_49, %swap3A_50] : memref<1280x128xf32, #tpu.memory_space<vmem>>, vector<1280x128xf32>
    tpu.vector_store %arg7[%swap3A_49, %swap3A_50], %select_n3A {strides = array<i32>} : memref<1280x128xf32, #tpu.memory_space<vmem>>, vector<1280x128xf32>,
    return
  }
  func.func @transform_0(%arg0: i32) -> (i32, i32, i32) {
    %c0_i32 = arith.constant 0 : i32
    %c0_i32_0 = arith.constant 0 : i32
    %c0_i32_1 = arith.constant 0 : i32
    return %c0_i32, %arg0, %c0_i32_0 : i32, i32, i32
  }
  func.func @transform_1(%arg0: i32) -> (i32, i32, i32) {
    %c0_i32 = arith.constant 0 : i32
    %c0_i32_0 = arith.constant 0 : i32
    %c0_i32_1 = arith.constant 0 : i32
    return %c0_i32, %arg0, %c0_i32_0 : i32, i32, i32
  }
  func.func @transform_2(%arg0: i32) -> (i32, i32) {
    %c0_i32 = arith.constant 0 : i32
    %c0_i32_0 = arith.constant 0 : i32
    return %arg0, %c0_i32 : i32, i32
  }
  func.func @transform_3(%arg0: i32) -> (i32, i32) {
    %c0_i32 = arith.constant 0 : i32
    %c0_i32_0 = arith.constant 0 : i32
    %c0_i32_1 = arith.constant 0 : i32
    return %c0_i32, %c0_i32_0 : i32, i32
  }
  func.func @transform_4(%arg0: i32) -> (i32, i32) {
    %c0_i32 = arith.constant 0 : i32
    %c0_i32_0 = arith.constant 0 : i32
    %c0_i32_1 = arith.constant 0 : i32
    return %c0_i32, %c0_i32_0 : i32, i32
  }
  func.func @transform_5(%arg0: i32) -> (i32, i32) {
    %c0_i32 = arith.constant 0 : i32
    %c0_i32_0 = arith.constant 0 : i32
    return %arg0, %c0_i32 : i32, i32
  }
  func.func @transform_6(%arg0: i32) -> (i32, i32) {
    %c0_i32 = arith.constant 0 : i32
    %c0_i32_0 = arith.constant 0 : i32
    return %arg0, %c0_i32 : i32, i32
  }
}

module attributes {stable_mosaic.version = 14 : i64} {
  func.func @body(%arg0: i32, %arg1: memref<2x1280x128xf32, #tpu.memory_space<vmem>>, %arg2: memref<2x1280x128xf32, #tpu.memory_space<vmem>>, %arg3: memref<1280x128xf32, #tpu.memory_space<vmem>>, %arg4: memref<1x128xf32, #tpu.memory_space<vmem>>, %arg5: memref<1280x128xf32, #tpu.memory_space<vmem>>) attributes {dimension_semantics = [#tpu.dimension_semantics<arbitrary>], iteration_bounds = array<i64: 8>, scalar_prefetch = 0 : i64, scratch_operands = 0 : i64, tpu.core_type = #tpu.core_type<tc>, window_params = [{transform_indices = @transform_0, window_bounds = array<i64: 2, 1280, 128>}, {transform_indices = @transform_1, window_bounds = array<i64: 2, 1280, 128>}, {transform_indices = @transform_2, window_bounds = array<i64: 1280, 128>}, {pipeline_mode = #tpu.pipeline_mode<synchronous>, transform_indices = @transform_3, window_bounds = array<i64: 1, 128>}, {transform_indices = @transform_4, window_bounds = array<i64: 1280, 128>}]} {
    %get3A = arith.constant 0 : index
    %get3A_0 = arith.constant 0 : index
    %get3A_1 = arith.constant 0 : index
    %get3A_2 = vector.load %arg2[%get3A, %get3A_0, %get3A_1] : memref<2x1280x128xf32, #tpu.memory_space<vmem>>, vector<1x1280x128xf32>
    %get3A_3 = vector.shape_cast %get3A_2 : vector<1x1280x128xf32> to vector<1280x128xf32>
    %get3A_4 = arith.constant 1 : index
    %get3A_5 = arith.constant 0 : index
    %get3A_6 = arith.constant 0 : index
    %get3A_7 = vector.load %arg2[%get3A_4, %get3A_5, %get3A_6] : memref<2x1280x128xf32, #tpu.memory_space<vmem>>, vector<1x1280x128xf32>
    %get3A_8 = vector.shape_cast %get3A_7 : vector<1x1280x128xf32> to vector<1280x128xf32>
    %add3A = arith.addf %get3A_3, %get3A_8 : vector<1280x128xf32>
    %add3A_9 = arith.constant 1.000000e+00 : f32
    %add3A_10 = vector.broadcast %add3A_9 : f32 to vector<1280x128xf32>
    %add3A_11 = arith.addf %add3A, %add3A_10 : vector<1280x128xf32>
    %rsqrt3A = math.rsqrt %add3A_11 : vector<1280x128xf32>
    %get3A_12 = arith.constant 0 : index
    %get3A_13 = arith.constant 0 : index
    %get3A_14 = arith.constant 0 : index
    %get3A_15 = vector.load %arg1[%get3A_12, %get3A_13, %get3A_14] : memref<2x1280x128xf32, #tpu.memory_space<vmem>>, vector<1x1280x128xf32>
    %get3A_16 = vector.shape_cast %get3A_15 : vector<1x1280x128xf32> to vector<1280x128xf32>
    %get3A_17 = arith.constant 1 : index
    %get3A_18 = arith.constant 0 : index
    %get3A_19 = arith.constant 0 : index
    %get3A_20 = vector.load %arg1[%get3A_17, %get3A_18, %get3A_19] : memref<2x1280x128xf32, #tpu.memory_space<vmem>>, vector<1x1280x128xf32>
    %get3A_21 = vector.shape_cast %get3A_20 : vector<1x1280x128xf32> to vector<1280x128xf32>
    %add3A_22 = arith.addf %get3A_16, %get3A_21 : vector<1280x128xf32>
    %mul3A = arith.mulf %rsqrt3A, %add3A_22 : vector<1280x128xf32>
    %mul3A_23 = arith.mulf %rsqrt3A, %rsqrt3A : vector<1280x128xf32>
    %get3A_24 = arith.constant 0 : index
    %get3A_25 = arith.constant 0 : index
    %get3A_26 = vector.load %arg3[%get3A_24, %get3A_25] : memref<1280x128xf32, #tpu.memory_space<vmem>>, vector<1280x128xf32>
    %mul3A_27 = arith.mulf %mul3A_23, %get3A_26 : vector<1280x128xf32>
    %add3A_28 = arith.addf %mul3A, %mul3A_27 : vector<1280x128xf32>
    %get3A_29 = arith.constant 0 : index
    %get3A_30 = arith.constant 0 : index
    %get3A_31 = vector.load %arg4[%get3A_29, %get3A_30] : memref<1x128xf32, #tpu.memory_space<vmem>>, vector<1x128xf32>
    %add3A_32 = vector.broadcast %get3A_31 : vector<1x128xf32> to vector<1280x128xf32>
    %add3A_33 = arith.addf %add3A_28, %add3A_32 : vector<1280x128xf32>
    %swap3A = arith.constant 0 : index
    %swap3A_34 = arith.constant 0 : index
    %swap3A_35 = vector.load %arg5[%swap3A, %swap3A_34] : memref<1280x128xf32, #tpu.memory_space<vmem>>, vector<1280x128xf32>
    tpu.vector_store %arg5[%swap3A, %swap3A_34], %add3A_33 {strides = array<i32>} : memref<1280x128xf32, #tpu.memory_space<vmem>>, vector<1280x128xf32>,
    return
  }
  func.func @transform_0(%arg0: i32) -> (i32, i32, i32) {
    %c0_i32 = arith.constant 0 : i32
    %c0_i32_0 = arith.constant 0 : i32
    %c0_i32_1 = arith.constant 0 : i32
    return %c0_i32, %arg0, %c0_i32_0 : i32, i32, i32
  }
  func.func @transform_1(%arg0: i32) -> (i32, i32, i32) {
    %c0_i32 = arith.constant 0 : i32
    %c0_i32_0 = arith.constant 0 : i32
    %c0_i32_1 = arith.constant 0 : i32
    return %c0_i32, %arg0, %c0_i32_0 : i32, i32, i32
  }
  func.func @transform_2(%arg0: i32) -> (i32, i32) {
    %c0_i32 = arith.constant 0 : i32
    %c0_i32_0 = arith.constant 0 : i32
    return %arg0, %c0_i32 : i32, i32
  }
  func.func @transform_3(%arg0: i32) -> (i32, i32) {
    %c0_i32 = arith.constant 0 : i32
    %c0_i32_0 = arith.constant 0 : i32
    %c0_i32_1 = arith.constant 0 : i32
    return %c0_i32, %c0_i32_0 : i32, i32
  }
  func.func @transform_4(%arg0: i32) -> (i32, i32) {
    %c0_i32 = arith.constant 0 : i32
    %c0_i32_0 = arith.constant 0 : i32
    return %arg0, %c0_i32 : i32, i32
  }
}

</mosaic_0001>

<sc_bundles>
// kernel: kernel.11.cloned.1.call-start
scs
__scs_entry_jumppad:
0x0: {  	(pc) =	sbr.rel $0x88, $3  }
0x1: {  	(tag) =	ssettag $0x0;
	lr =	simm.s32 $0x1  }
0x2: {  	[smem:$0x3F9B] =	sst lr;
	_ =	strace $0xD0000000  }
0x3: {  	_ = 	snop  }
0x4: {  	_ = 	snop  }
0x5: {  	_ = 	snop  }
0x6: {  	_ = 	snop  }
0x7: {  	_ = 	snop  }
__scs_overlays_trampoline_lowered:
0x8: {  	[smem:$0x3FAA] =	sst s0  }
0x9: {  	[smem:$0x3FAB] =	sst s1  }
0xa: {  	[smem:$0x3FAC] =	sst s2  }
0xb: {  	[smem:$0x3FAD] =	sst s3  }
0xc: {  	[smem:$0x3FAE] =	sst s4  }
0xd: {  	[smem:$0x3FAF] =	sst s5  }
0xe: {  	[smem:$0x3FB0] =	sst s6  }
0xf: {  	[smem:$0x3FB1] =	sst s7  }
0x10: {  	[smem:$0x3FB2] =	sst s8  }
0x11: {  	[smem:$0x3FB3] =	sst s9;
	s0 =	simm.s32 @!p0 $0x0  }
0x12: {  	s1 =	sld [smem:$0x3F99];
	s0 =	simm.s32 @p0 $0x1  }
0x13: {  	[smem:$0x3FB4] =	sst s0;
	s0 =	simm.s32 @!p1 $0x0  }
0x14: {  	s2 =	sld [smem:$0x3F98];
	s0 =	simm.s32 @p1 $0x1  }
0x15: {  	[smem:$0x3FB5] =	sst s0;
	s0 =	simm.s32 @!p2 $0x0  }
0x16: {  	s3 =	sld [smem:$0x3FDB];
	s0 =	simm.s32 @p2 $0x1  }
0x17: {  	s4 =	simm.s32 $0x1BF5;
	[smem:$0x3FB7] =	sst s0  }
0x18: {  	s0 =	sld [smem:$0x3F9A];
	_ =	swait.ge [sflag:s4], $0x0  }
0x19: {  	s7 =	sld [smem:$0x3F9B]  }
0x1a: {  	s8 =	sadd.s32 $0xFFFFE003, lr  }
0x1b: {  	s9 =	sadd.s32 $0xFFFFFEF7, lr;
	s5 =	simm.s32 $0xFFFFFFFF;
	p2 =	slt.u32 s8, $0xFFFFF086  }
0x1c: {  	p1 =	slt.u32 s9, $0xF7A;
	s5 =	simm.s32 @!p2 $0x0  }
0x1d: {  	s5 =	simm.s32 @p1 $0x1;
	p0 =	seq.s32 s7, s2  }
0x1e: {  	s7 =	smul.u32 @!p0 $0xF7A, s2;
	p2 =	seq.s32 @!p0 s5, $0x0  }
0x1f: {  	s9 =	smul.u32 $0xF7A, s1;
	s8 =	simm.s32 @!p0 $0x1BF5;
	p2 =	por !p2, p0  }
0x20: {  	[sflag:s8] =	ssyncset.s32 @!p0 $0xFFFFF086;
	s6 =	sadd.s32 @!p0 s3, s7;
	s7 =	simm.s32 @!p0 $0x108  }
0x21: {  	s3 =	sadd.s32 s3, s9;
	s6 =	sadd.s32 @!p0 $0x88, s6;
	s7 =	simm.s32 @p2 $0x1082  }
0x22: {  	[simem:s7], [sflag:s8] =	dma.local @!p0 [hbm:s6], $0xF7A  }
0x23: {  	s9 =	sor.u32 $0xD0000000, s2;
	s6 =	simm.s32 $0x108;
	_ =	swait.ge @!p0 [sflag:s8], $0x0  }
0x24: {  	s3 =	sadd.s32 $0x88, s3;
	s6 =	simm.s32 @!p1 $0x1082;
	[sflag:s4] =	ssyncset.s32 $0xFFFFF086  }
0x25: {  	[simem:s6], [sflag:s4] =	dma.local [hbm:s3], $0xF7A  }
0x26: {  	[smem:$0x3F9B] =	sst s1;
	(tag) =	ssettag s2;
	_ =	strace s9  }
0x27: {  	s1 =	sld [smem:$0x3FAB]  }
0x28: {  	s2 =	sld [smem:$0x3FAC]  }
0x29: {  	s4 =	sld [smem:$0x3FAE]  }
0x2a: {  	p0 =	seq.s32 s5, $0x0;
	s5 =	sld [smem:$0x3FAF]  }
0x2b: {  	s6 =	sld [smem:$0x3FB0]  }
0x2c: {  	s7 =	sld [smem:$0x3FB1]  }
0x2d: {  	s3 =	simm.s32 $0x108;
	s8 =	sld [smem:$0x3FB2]  }
0x2e: {  	s3 =	simm.s32 @!p0 $0x1082;
	s9 =	sld [smem:$0x3FB3]  }
0x2f: {  	lr =	sadd.s32 s0, s3;
	s0 =	sld [smem:$0x3FAA]  }
0x30: {  	s3 =	sld [smem:$0x3FAD]  }
0x31: {  	[smem:$0x3FB6] =	sst s10  }
0x32: {  	s10 =	sld [smem:$0x3FB4];
	_ =	sdelay $0x3  }
0x33: {  	p0 =	seq.s32 s10, $0x1;
	s10 =	sld [smem:$0x3FB6];
	_ =	sdelay $0x3  }
0x34: {  	[smem:$0x3FB6] =	sst s10  }
0x35: {  	s10 =	sld [smem:$0x3FB5];
	_ =	sdelay $0x3  }
0x36: {  	p1 =	seq.s32 s10, $0x1;
	s10 =	sld [smem:$0x3FB6];
	_ =	sdelay $0x3  }
0x37: {  	[smem:$0x3FB6] =	sst s10  }
0x38: {  	s10 =	sld [smem:$0x3FB7]  }
0x39: {  	_ = 	snop;
	(pc) =	sbr.ind lr, $3  }
0x3a: {  	_ = 	snop  }
0x3b: {  	_ = 	snop  }
0x3c: {  	p2 =	seq.s32 s10, $0x1;
	s10 =	sld [smem:$0x3FB6]  }
0x3d: {  	_ =	shalt  }
0x3e: {  	_ =	shalt  }
0x3f: {  	_ =	shalt  }
0x40: {  	_ =	shalt  }
0x41: {  	_ =	shalt  }
0x42: {  	_ =	shalt  }
0x43: {  	_ =	shalt  }
0x44: {  	_ =	shalt  }
0x45: {  	_ =	shalt  }
0x46: {  	_ =	shalt  }
0x47: {  	_ =	shalt  }
0x48: {  	_ =	shalt  }
0x49: {  	_ =	shalt  }
0x4a: {  	_ =	shalt  }
0x4b: {  	_ =	shalt  }
0x4c: {  	_ =	shalt  }
0x4d: {  	_ =	shalt  }
0x4e: {  	_ =	shalt  }
0x4f: {  	_ =	shalt  }
0x50: {  	_ =	shalt  }
0x51: {  	_ =	shalt  }
0x52: {  	_ =	shalt  }
0x53: {  	_ =	shalt  }
0x54: {  	_ =	shalt  }
0x55: {  	_ =	shalt  }
0x56: {  	_ =	shalt  }
0x57: {  	_ =	shalt  }
0x58: {  	_ =	shalt  }
0x59: {  	_ =	shalt  }
0x5a: {  	_ =	shalt  }
0x5b: {  	_ =	shalt  }
0x5c: {  	_ =	shalt  }
0x5d: {  	_ =	shalt  }
0x5e: {  	_ =	shalt  }
0x5f: {  	_ =	shalt  }
0x60: {  	_ =	shalt  }
0x61: {  	_ =	shalt  }
0x62: {  	_ =	shalt  }
0x63: {  	_ =	shalt  }
0x64: {  	_ =	shalt  }
0x65: {  	_ =	shalt  }
0x66: {  	_ =	shalt  }
0x67: {  	_ =	shalt  }
0x68: {  	_ =	shalt  }
0x69: {  	_ =	shalt  }
0x6a: {  	_ =	shalt  }
0x6b: {  	_ =	shalt  }
0x6c: {  	_ =	shalt  }
0x6d: {  	_ =	shalt  }
0x6e: {  	_ =	shalt  }
0x6f: {  	_ =	shalt  }
0x70: {  	_ =	shalt  }
0x71: {  	_ =	shalt  }
0x72: {  	_ =	shalt  }
0x73: {  	_ =	shalt  }
0x74: {  	_ =	shalt  }
0x75: {  	_ =	shalt  }
0x76: {  	_ =	shalt  }
0x77: {  	_ =	shalt  }
0x78: {  	_ =	shalt  }
0x79: {  	_ =	shalt  }
0x7a: {  	_ =	shalt  }
0x7b: {  	_ =	shalt  }
0x7c: {  	_ =	shalt  }
0x7d: {  	_ =	shalt  }
0x7e: {  	_ =	shalt  }
0x7f: {  	_ =	shalt  }
0x80: {  	_ =	shalt  }
0x81: {  	_ =	shalt  }
0x82: {  	_ =	shalt  }
0x83: {  	_ =	shalt  }
0x84: {  	_ =	shalt  }
0x85: {  	_ =	shalt  }
0x86: {  	_ =	shalt  }
0x87: {  	_ =	shalt  }
.Lfunc_end0:
.L_simem_size_0:
called_computation.1_lowered:
.L_overlay_start_0:
0x88: {  	s2 =	sld [smem:$0x3FD9]  }
0x89: {  	s3 =	sld [smem:$0x3FFE];
	_ =	sdelay $0x1  }
0x8a: {  	s1 =	srdreg.scid  }
0x8b: {  	s0 =	sand.u32 $0x1, s1  }
0x8c: {  	s17 =	sshll.u32 s0, $0xA;
	s2 =	sadd.s32 s3, s2  }
0x8d: {  	s2 =	sadd.s32 s2, s17  }
0x8e: {  	[smem:$0x3FC2] =	sst s2  }
0x8f: {  	_ = 	snop  }
0x90: {  	s2 =	sld [smem:$0x3FD0];
	(tm) =	ssettm $0x1  }
0x91: {  	s18 =	sld [smem:$0x3FFB];
	_ =	sdelay $0x3  }
0x92: {  	_ =	strace s18  }
0x93: {  	s3 =	sld [smem:$0x3FFC];
	_ =	sdelay $0x3  }
0x94: {  	_ =	strace s3  }
0x95: {  	s3 =	sld [smem:$0x3FFD];
	_ =	sdelay $0x3  }
0x96: {  	_ =	strace s3  }
0x97: {  	_ =	strace $0x8FFFFFFF  }
0x98: {  	s19 =	sld [smem:$0x3FDB];
	_ =	sdelay $0x1  }
0x99: {  	s4 =	simm.s32 $_scs_section_size  }
0x9a: {  	s5 =	simm.s32 $_size__tile_overlayer_lowered;
	s6 =	simm.s32 $_tile_overlayer_lowered  }
0x9b: {  	s22 =	simm.s32 $0x1BFF;
	s21 =	sshll.u32 s6, $0x1;
	s3 =	sadd.s32 s4, s19  }
0x9c: {  	s7 =	simm.s32 $0x0;
	s20 =	sshll.u32 s5, $0x1;
	s5 =	sadd.s32 s21, s3  }
0x9d: {  	[timem:s7], [sflag:s22] =	dma.local [hbm:s5], s20  }
0x9e: {  	_ =	swait.ge [sflag:s22], s20  }
0x9f: {  	s4 =	ssub.s32 $0x0, s20;
	[sflag:s22] =	ssyncset.done $0x0  }
0xa0: {  	[sflag:s22] =	ssyncadd.s32 s4;
	_ =	sdelay $0x1  }
0xa1: {  	s23 =	simm.s32 $0x1B8B  }
0xa2: {  	_ =	swait.ge [sflag:s23], $0x1  }
0xa3: {  	[sflag:s23] =	ssyncset.done $0x0  }
0xa4: {  	s25 =	simm.s32 $0x1B8E;
	s24 =	sld [smem:$0x3FFE];
	[sflag:s23] =	ssyncadd.s32 $0xFFFFFFFF  }
0xa5: {  	s26 =	simm.s32 $execute0_lowered;
	[smem:$0x3FD2] =	sst s25  }
0xa6: {  	s5 =	sshll.u32 s26, $0x1;
	_ =	strace $0x80000049;
	[dreg:$0x1] =	wrdreg $0xFFFFFFFF  }
0xa7: {  	s28 =	simm.s32 $_size_execute0_lowered;
	s3 =	sadd.s32 s3, s5;
	[dreg:$0x0] =	wrdreg $0x0  }
0xa8: {  	s5 =	sshll.u32 s28, $0x1;
	[dreg:$0x2] =	wrdreg s3  }
0xa9: {  	[dreg:$0x3] =	wrdreg s5  }
0xaa: {  	[dreg:$0x4] =	wrdreg $0xC0  }
0xab: {  	_ =	task [dreg:s7], $0x5FFFF  }
0xac: {  	[dreg:$0x1] =	wrdreg $0xFFFFFFFF  }
0xad: {  	[dreg:$0x0] =	wrdreg $0x60  }
0xae: {  	[dreg:$0x2] =	wrdreg s24  }
0xaf: {  	[dreg:$0x3] =	wrdreg s2  }
0xb0: {  	[dreg:$0x4] =	wrdreg $0xA8000  }
0xb1: {  	[dreg:$0x5] =	wrdreg $0x9  }
0xb2: {  	_ =	task.clear_ibuf [dreg:s7], $0x6FFFF;
	_ =	strace $0x90000049  }
0xb3: {  	s29 =	simm.s32 $0x9;
	_ =	strace $0x8000004B  }
0xb4: {  	_ =	swait.ge [sflag:s29], $0x1  }
0xb5: {  	[sflag:s29] =	ssyncadd.s32 $0xFFFFFFFF  }
0xb6: {  	_ =	strace $0x9000004B  }
0xb7: {  	_ =	sfence  }
0xb8: {  	s30 =	sld [smem:$0x0];
	_ =	sdelay $0x2  }
0xb9: {  	s31 =	sshll.u32 s1, $0xD;
	s1 =	sshrl.u32 s1, $0x2  }
0xba: {  	s3 =	sand.u32 $0x4000, s31;
	s1 =	sadd.s32 s1, s30  }
0xbb: {  	s0 =	sor.u32 s3, s0;
	s1 =	sshll.u32 s1, $0x11  }
0xbc: {  	s0 =	sor.u32 s1, s0  }
0xbd: {  	s0 =	sadd.s32 $0x8F2B, s0  }
0xbe: {  	[sflag:s0] =	ssyncadd.remote.s32 $0x1  }
0xbf: {  	_ =	sfence.sel $0xFFFF  }
0xc0: {  	[dreg:$0x0] =	wrdreg $0xFFFFFFFF;
	(pc) =	sbr.abs _section_cstart, $3  }
0xc1: {  	[dreg:$0x1] =	wrdreg $0xFFFFFFFF  }
0xc2: {  	_ =	task.clear_ibuf [dreg:s7], $0x2FFFF;
	_ =	strace $0x9FFFFFFF  }
0xc3: {  	(tm) =	ssettm $0x7FFFFFFF  }
tec
execute0_lowered:
.L_overlay_start_1:
0x0: {  	(tag) =	ssettag $0x1  }
0x1: {  	s0 =	rddreg [dreg:$0x0]  }
0x2: {  	s3 =	rddreg [dreg:$0x1]  }
0x3: {  	s1 =	rddreg [dreg:$0x2];
	s2 =	simm.s32 $0x0  }
0x4: {  	s5 =	srdreg.scid;
	s13 =	stileid.u32;
	s28 =	simm.s32 $0x1  }
0x5: {  	s29 =	simm.s32 $0x2;
	s30 =	simm.s32 $0x2700;
	s31 =	simm.s32 $0x2780  }
0x6: {  	[smem:$0x7FF] =	sst s2;
	s4 =	sadd.s32 $0xC800, s0;
	s7 =	smul.u32 $0x50000, s13  }
0x7: {  	s6 =	sadd.s32 $0x2000, s0;
	s8 =	sand.u32 $0x1, s5;
	s11 =	smul.u32 $0x14000, s13  }
0x8: {  	s5 =	sadd.s32 $0xC000, s0;
	s25 =	sshll.u32 s13, $0x6;
	s13 =	smul.u32 $0x2800, s13  }
0x9: {  	s0 =	sadd.s32 $0x84800, s0;
	s9 =	ssub.s32 $0x2, s8;
	s24 =	smul.u32 $0x28000, s8  }
0xa: {  	_ =	strace $0x8000004A;
	s8 =	smul.u32 $0x140000, s8;
	s10 =	sshrl.u32 s9, $0x1  }
0xb: {  	s7 =	sshrl.u32 s7, $0x2;
	s12 =	sadd.s32 $0x4000, s11;
	s18 =	sadd.s32 $0x8000, s11  }
0xc: {  	s19 =	sadd.s32 $0xC000, s11;
	s20 =	sadd.s32 $0x10000, s11;
	s9 =	ssub.s32 s9, s10  }
0xd: {  	s7 =	sadd.s32 s7, s1;
	s14 =	sadd.s32 s12, s1;
	s26 =	sadd.s32 s18, s1  }
0xe: {  	s10 =	sadd.s32 s13, s24;
	s15 =	sadd.s32 s20, s1;
	[dreg:$0x4] =	wrdreg s7  }
0xf: {  	s11 =	sadd.s32 s11, s8;
	s22 =	sadd.s32 s8, s12;
	[dreg:$0x5] =	wrdreg s14  }
0x10: {  	s24 =	sadd.s32 s8, s18;
	s7 =	sor.u32 $0x1C03, s25;
	[dreg:$0x6] =	wrdreg s26  }
0x11: {  	s10 =	sshrl.u32 s10, $0x3;
	s14 =	sadd.s32 s19, s1;
	[dreg:$0x8] =	wrdreg s15  }
0x12: {  	s21 =	sshrl.u32 s11, $0x3;
	s23 =	sshrl.u32 s22, $0x3;
	s25 =	sadd.s32 s8, s19  }
0x13: {  	s8 =	sadd.s32 s8, s20;
	[dreg:$0x7] =	wrdreg s14;
	s16 =	sadd.s32 s6, s10  }
0x14: {  	s22 =	simm.s32 $0x3;
	s17 =	sadd.s32 s3, s10;
	[dreg:$0x9] =	wrdreg s16  }
0x15: {  	s10 =	sadd.s32 $0x280, s10;
	s26 =	sshrl.u32 s8, $0x3;
	[dreg:$0xa] =	wrdreg s17  }
0x16: {  	s14 =	sadd.s32 s6, s10;
	s15 =	sadd.s32 s3, s10;
	s16 =	sadd.s32 s0, s21  }
0x17: {  	s17 =	sadd.s32 s0, s23;
	s3 =	sshrl.u32 s24, $0x3;
	s6 =	sshrl.u32 s25, $0x3  }
0x18: {  	s20 =	sadd.s32 s0, s26;
	s21 =	smax.u32 s9, $0x1;
	s23 =	simm.s32 $0x1400  }
0x19: {  	s24 =	simm.s32 $0x80;
	s25 =	simm.s32 $0x2800;
	s26 =	simm.s32 $0x6800  }
0x1a: {  	s18 =	sadd.s32 s0, s3;
	s19 =	sadd.s32 s0, s6;
	s0 =	simm.s32 $0x0  }
.LBB2_1:
0x1b: {  	s3 =	rddreg [dreg:$0x4]  }
0x1c: {  	s3 =	sshrl.u32 s3, $0x3  }
0x1d: {  	[spmem:s3], [sflag:s7] =	dma.local [hbm:s5], $0x800  }
0x1e: {  	_ =	swait.ge [sflag:s22], $0x800  }
0x1f: {  	[sflag:s22] =	ssyncset.done $0x0;
	s6 =	rddreg [dreg:$0x5]  }
0x20: {  	[sflag:s22] =	ssyncadd.s32 $0xFFFFF800;
	s6 =	sshrl.u32 s6, $0x3  }
0x21: {  	[spmem:s6], [sflag:s7] =	dma.local [hbm:s5], $0x800  }
0x22: {  	_ =	swait.ge [sflag:s22], $0x800  }
0x23: {  	[sflag:s22] =	ssyncset.done $0x0;
	s8 =	rddreg [dreg:$0x6]  }
0x24: {  	[sflag:s22] =	ssyncadd.s32 $0xFFFFF800;
	s8 =	sshrl.u32 s8, $0x3  }
0x25: {  	[spmem:s8], [sflag:s7] =	dma.local [hbm:s5], $0x800  }
0x26: {  	_ =	swait.ge [sflag:s22], $0x800  }
0x27: {  	[sflag:s22] =	ssyncset.done $0x0;
	s9 =	rddreg [dreg:$0x7]  }
0x28: {  	[sflag:s22] =	ssyncadd.s32 $0xFFFFF800;
	s9 =	sshrl.u32 s9, $0x3  }
0x29: {  	[spmem:s9], [sflag:s7] =	dma.local [hbm:s5], $0x800  }
0x2a: {  	_ =	swait.ge [sflag:s22], $0x800  }
0x2b: {  	[sflag:s22] =	ssyncset.done $0x0;
	s10 =	rddreg [dreg:$0x8]  }
0x2c: {  	[sflag:s22] =	ssyncadd.s32 $0xFFFFF800;
	s10 =	sshrl.u32 s10, $0x3  }
0x2d: {  	[spmem:s10], [sflag:s7] =	dma.local [hbm:s5], $0x800  }
0x2e: {  	_ =	swait.ge [sflag:s22], $0x800  }
0x2f: {  	[sflag:s22] =	ssyncset.done $0x0  }
0x30: {  	[sflag:s22] =	ssyncadd.s32 $0xFFFFF800  }
0x31: {  	[bflag:$0x0] =	sbarrier.arrive $0xFFFF  }
0x32: {  	s11 =	rddreg [dreg:$0x9]  }
0x33: {  	[tilespmem:s2], [sflag:$0x3] =	stream.linear.gather [hbm4b:s11+s2], $0x1400, $0x38;
	[tilespmem:$0x1E800] =	vst v63  }
0x34: {  	_ =	swait.ge [sflag:s22], $0x1400  }
0x35: {  	[sflag:s22] =	ssyncset.done $0x0  }
0x36: {  	s12 =	rddreg [dreg:$0xa];
	[sflag:s22] =	ssyncadd.s32 $0xFFFFEC00  }
0x37: {  	[tilespmem:s23], [sflag:$0x3] =	stream.linear.gather [hbm4b:s12+s2], $0x1400, $0x38;
	[tilespmem:$0x1E800] =	vst v63  }
0x38: {  	_ =	swait.ge [sflag:s22], $0x1400  }
0x39: {  	[sflag:s22] =	ssyncset.done $0x0  }
0x3a: {  	[sflag:s22] =	ssyncadd.s32 $0xFFFFEC00  }
0x3b: {  	[tilespmem:s25], [sflag:$0x1] =	stream.indirect.gather [hbm4b:s4+s24], $0x80, s2, s24, $0xb8;
	[tilespmem:$0x1E800] =	vst v63  }
0x3c: {  	_ = 	snop  }
0x3d: {  	[tilespmem:s26], [sflag:$0x2] =	stream.indirect.gather [hbm4b:s4+s24], $0x80, s24, s24, $0xb8;
	[tilespmem:$0x1E800] =	vst v63  }
0x3e: {  	_ =	swait.ge [sflag:s28], $0x4000  }
0x3f: {  	[sflag:s28] =	ssyncset.done $0x0  }
0x40: {  	s13 =	simm.s32 $0x1400;
	[sflag:s28] =	ssyncadd.s32 $0xFFFFC000  }
0x41: {  	[spmem:s1] =	stream.indirect.scatter.add.f32 [tilespmem:s25], [sflag:$0x3], $0x80, s13, s24, $0xb8;
	[tilespmem:$0x1E800] =	vst v63  }
0x42: {  	_ =	swait.ge [sflag:s22], $0x4000  }
0x43: {  	[sflag:s22] =	ssyncset.done $0x0  }
0x44: {  	s12 =	simm.s32 $0x100;
	[sflag:s22] =	ssyncadd.s32 $0xFFFFC000  }
0x45: {  	[tilespmem:s25], [sflag:$0x1] =	stream.indirect.gather [hbm4b:s4+s24], $0x80, s12, s24, $0xb8;
	[tilespmem:$0x1E800] =	vst v63  }
0x46: {  	_ =	swait.ge [sflag:s29], $0x4000  }
0x47: {  	[sflag:s29] =	ssyncset.done $0x0  }
0x48: {  	s13 =	simm.s32 $0x1480;
	[sflag:s29] =	ssyncadd.s32 $0xFFFFC000  }
0x49: {  	[spmem:s1] =	stream.indirect.scatter.add.f32 [tilespmem:s26], [sflag:$0x3], $0x80, s13, s24, $0xb8;
	[tilespmem:$0x1E800] =	vst v63  }
0x4a: {  	_ =	swait.ge [sflag:s22], $0x4000  }
0x4b: {  	[sflag:s22] =	ssyncset.done $0x0  }
0x4c: {  	s11 =	simm.s32 $0x400;
	s12 =	simm.s32 $0x180;
	[sflag:s22] =	ssyncadd.s32 $0xFFFFC000  }
.LBB2_2:
0x4d: {  	[tilespmem:s26], [sflag:$0x2] =	stream.indirect.gather [hbm4b:s4+s24], $0x80, s12, s24, $0xb8;
	[tilespmem:$0x1E800] =	vst v63  }
0x4e: {  	s12 =	smov.u32 s11  }
0x4f: {  	p0 =	sne.s32 s11, $0x4800;
	s11 =	sadd.s32 $0x400, s11;
	_ =	swait.ge [sflag:s28], $0x4000  }
0x50: {  	s12 =	sshra.s32 s12, $0x2;
	[sflag:s28] =	ssyncset.done $0x0  }
0x51: {  	s13 =	sadd.s32 $0x1400, s12;
	[sflag:s28] =	ssyncadd.s32 $0xFFFFC000  }
0x52: {  	[spmem:s1] =	stream.indirect.scatter.add.f32 [tilespmem:s25], [sflag:$0x3], $0x80, s13, s24, $0xb8;
	[tilespmem:$0x1E800] =	vst v63  }
0x53: {  	_ =	swait.ge [sflag:s22], $0x4000  }
0x54: {  	[sflag:s22] =	ssyncset.done $0x0  }
0x55: {  	s13 =	sadd.s32 $0x100, s12;
	[sflag:s22] =	ssyncadd.s32 $0xFFFFC000  }
0x56: {  	[tilespmem:s25], [sflag:$0x1] =	stream.indirect.gather [hbm4b:s4+s24], $0x80, s13, s24, $0xb8;
	[tilespmem:$0x1E800] =	vst v63  }
0x57: {  	_ =	swait.ge [sflag:s29], $0x4000  }
0x58: {  	[sflag:s29] =	ssyncset.done $0x0  }
.Ltmp0:
0x59: {  	s13 =	sadd.s32 $0x1480, s12;
	[sflag:s29] =	ssyncadd.s32 $0xFFFFC000;
	(pc) =	sbr.rel @p0 .LBB2_2-.Ltmp0, $4  }
0x5a: {  	[spmem:s1] =	stream.indirect.scatter.add.f32 [tilespmem:s26], [sflag:$0x3], $0x80, s13, s24, $0xb8;
	[tilespmem:$0x1E800] =	vst v63  }
0x5b: {  	_ =	swait.ge [sflag:s22], $0x4000  }
0x5c: {  	[sflag:s22] =	ssyncset.done $0x0  }
0x5d: {  	s12 =	sadd.s32 $0x180, s12;
	[sflag:s22] =	ssyncadd.s32 $0xFFFFC000  }
0x5e: {  	[tilespmem:s26], [sflag:$0x2] =	stream.indirect.gather [hbm4b:s4+s24], $0x80, s12, s24, $0xb8;
	[tilespmem:$0x1E800] =	vst v63  }
0x5f: {  	_ =	swait.ge [sflag:s28], $0x4000  }
0x60: {  	[sflag:s28] =	ssyncset.done $0x0  }
0x61: {  	[sflag:s28] =	ssyncadd.s32 $0xFFFFC000  }
0x62: {  	[spmem:s1] =	stream.indirect.scatter.add.f32 [tilespmem:s25], [sflag:$0x3], $0x80, s30, s24, $0xb8;
	[tilespmem:$0x1E800] =	vst v63  }
0x63: {  	_ =	swait.ge [sflag:s22], $0x4000  }
0x64: {  	[sflag:s22] =	ssyncset.done $0x0  }
0x65: {  	[sflag:s22] =	ssyncadd.s32 $0xFFFFC000  }
0x66: {  	_ =	swait.ge [sflag:s29], $0x4000  }
0x67: {  	[sflag:s29] =	ssyncset.done $0x0  }
0x68: {  	[sflag:s29] =	ssyncadd.s32 $0xFFFFC000  }
0x69: {  	[spmem:s1] =	stream.indirect.scatter.add.f32 [tilespmem:s26], [sflag:$0x3], $0x80, s31, s24, $0xb8;
	[tilespmem:$0x1E800] =	vst v63  }
0x6a: {  	_ =	swait.ge [sflag:s22], $0x4000  }
0x6b: {  	[sflag:s22] =	ssyncset.done $0x0  }
0x6c: {  	s11 =	simm.s32 $0x0;
	[sflag:s22] =	ssyncadd.s32 $0xFFFFC000  }
0x6d: {  	[tilespmem:s11], [sflag:$0x3] =	stream.linear.gather [hbm4b:s14+s11], $0x1400, $0x38;
	[tilespmem:$0x1E800] =	vst v63  }
0x6e: {  	_ =	swait.ge [sflag:s22], $0x1400  }
0x6f: {  	[sflag:s22] =	ssyncset.done $0x0  }
0x70: {  	[sflag:s22] =	ssyncadd.s32 $0xFFFFEC00  }
0x71: {  	[tilespmem:s23], [sflag:$0x3] =	stream.linear.gather [hbm4b:s15+s11], $0x1400, $0x38;
	[tilespmem:$0x1E800] =	vst v63  }
0x72: {  	_ =	swait.ge [sflag:s22], $0x1400  }
0x73: {  	[sflag:s22] =	ssyncset.done $0x0  }
0x74: {  	[sflag:s22] =	ssyncadd.s32 $0xFFFFEC00  }
0x75: {  	[tilespmem:s25], [sflag:$0x1] =	stream.indirect.gather [hbm4b:s4+s24], $0x80, s11, s24, $0xb8;
	[tilespmem:$0x1E800] =	vst v63  }
0x76: {  	_ = 	snop  }
0x77: {  	[tilespmem:s26], [sflag:$0x2] =	stream.indirect.gather [hbm4b:s4+s24], $0x80, s24, s24, $0xb8;
	[tilespmem:$0x1E800] =	vst v63  }
0x78: {  	_ =	swait.ge [sflag:s28], $0x4000  }
0x79: {  	[sflag:s28] =	ssyncset.done $0x0  }
0x7a: {  	s13 =	simm.s32 $0x1400;
	[sflag:s28] =	ssyncadd.s32 $0xFFFFC000  }
0x7b: {  	[spmem:s1] =	stream.indirect.scatter.add.f32 [tilespmem:s25], [sflag:$0x3], $0x80, s13, s24, $0xb8;
	[tilespmem:$0x1E800] =	vst v63  }
0x7c: {  	_ =	swait.ge [sflag:s22], $0x4000  }
0x7d: {  	[sflag:s22] =	ssyncset.done $0x0  }
0x7e: {  	s12 =	simm.s32 $0x100;
	[sflag:s22] =	ssyncadd.s32 $0xFFFFC000  }
0x7f: {  	[tilespmem:s25], [sflag:$0x1] =	stream.indirect.gather [hbm4b:s4+s24], $0x80, s12, s24, $0xb8;
	[tilespmem:$0x1E800] =	vst v63  }
0x80: {  	_ =	swait.ge [sflag:s29], $0x4000  }
0x81: {  	[sflag:s29] =	ssyncset.done $0x0  }
0x82: {  	s13 =	simm.s32 $0x1480;
	[sflag:s29] =	ssyncadd.s32 $0xFFFFC000  }
0x83: {  	[spmem:s1] =	stream.indirect.scatter.add.f32 [tilespmem:s26], [sflag:$0x3], $0x80, s13, s24, $0xb8;
	[tilespmem:$0x1E800] =	vst v63  }
0x84: {  	_ =	swait.ge [sflag:s22], $0x4000  }
0x85: {  	[sflag:s22] =	ssyncset.done $0x0  }
0x86: {  	s11 =	simm.s32 $0x400;
	s12 =	simm.s32 $0x180;
	[sflag:s22] =	ssyncadd.s32 $0xFFFFC000  }
.LBB2_4:
0x87: {  	[tilespmem:s26], [sflag:$0x2] =	stream.indirect.gather [hbm4b:s4+s24], $0x80, s12, s24, $0xb8;
	[tilespmem:$0x1E800] =	vst v63  }
0x88: {  	s12 =	smov.u32 s11  }
0x89: {  	p0 =	sne.s32 s11, $0x4800;
	s11 =	sadd.s32 $0x400, s11;
	_ =	swait.ge [sflag:s28], $0x4000  }
0x8a: {  	s12 =	sshra.s32 s12, $0x2;
	[sflag:s28] =	ssyncset.done $0x0  }
0x8b: {  	s13 =	sadd.s32 $0x1400, s12;
	[sflag:s28] =	ssyncadd.s32 $0xFFFFC000  }
0x8c: {  	[spmem:s1] =	stream.indirect.scatter.add.f32 [tilespmem:s25], [sflag:$0x3], $0x80, s13, s24, $0xb8;
	[tilespmem:$0x1E800] =	vst v63  }
0x8d: {  	_ =	swait.ge [sflag:s22], $0x4000  }
0x8e: {  	[sflag:s22] =	ssyncset.done $0x0  }
0x8f: {  	s13 =	sadd.s32 $0x100, s12;
	[sflag:s22] =	ssyncadd.s32 $0xFFFFC000  }
0x90: {  	[tilespmem:s25], [sflag:$0x1] =	stream.indirect.gather [hbm4b:s4+s24], $0x80, s13, s24, $0xb8;
	[tilespmem:$0x1E800] =	vst v63  }
0x91: {  	_ =	swait.ge [sflag:s29], $0x4000  }
0x92: {  	[sflag:s29] =	ssyncset.done $0x0  }
.Ltmp1:
0x93: {  	s13 =	sadd.s32 $0x1480, s12;
	[sflag:s29] =	ssyncadd.s32 $0xFFFFC000;
	(pc) =	sbr.rel @p0 .LBB2_4-.Ltmp1, $4  }
0x94: {  	[spmem:s1] =	stream.indirect.scatter.add.f32 [tilespmem:s26], [sflag:$0x3], $0x80, s13, s24, $0xb8;
	[tilespmem:$0x1E800] =	vst v63  }
0x95: {  	_ =	swait.ge [sflag:s22], $0x4000  }
0x96: {  	[sflag:s22] =	ssyncset.done $0x0  }
0x97: {  	s12 =	sadd.s32 $0x180, s12;
	[sflag:s22] =	ssyncadd.s32 $0xFFFFC000  }
0x98: {  	[tilespmem:s26], [sflag:$0x2] =	stream.indirect.gather [hbm4b:s4+s24], $0x80, s12, s24, $0xb8;
	[tilespmem:$0x1E800] =	vst v63  }
0x99: {  	_ =	swait.ge [sflag:s28], $0x4000  }
0x9a: {  	[sflag:s28] =	ssyncset.done $0x0  }
0x9b: {  	[sflag:s28] =	ssyncadd.s32 $0xFFFFC000  }
0x9c: {  	[spmem:s1] =	stream.indirect.scatter.add.f32 [tilespmem:s25], [sflag:$0x3], $0x80, s30, s24, $0xb8;
	[tilespmem:$0x1E800] =	vst v63  }
0x9d: {  	_ =	swait.ge [sflag:s22], $0x4000  }
0x9e: {  	[sflag:s22] =	ssyncset.done $0x0  }
0x9f: {  	[sflag:s22] =	ssyncadd.s32 $0xFFFFC000  }
0xa0: {  	_ =	swait.ge [sflag:s29], $0x4000  }
0xa1: {  	[sflag:s29] =	ssyncset.done $0x0  }
0xa2: {  	[sflag:s29] =	ssyncadd.s32 $0xFFFFC000  }
0xa3: {  	[spmem:s1] =	stream.indirect.scatter.add.f32 [tilespmem:s26], [sflag:$0x3], $0x80, s31, s24, $0xb8;
	[tilespmem:$0x1E800] =	vst v63  }
0xa4: {  	_ =	swait.ge [sflag:s22], $0x4000  }
0xa5: {  	[sflag:s22] =	ssyncset.done $0x0  }
0xa6: {  	[sflag:s22] =	ssyncadd.s32 $0xFFFFC000  }
0xa7: {  	[bflag:$0x0] =	sbarrier.arrive $0xFFFF  }
0xa8: {  	[hbm:s16], [sflag:s7] =	dma.local [spmem:s3], $0x800  }
0xa9: {  	_ =	swait.ge [sflag:s22], $0x800  }
0xaa: {  	[sflag:s22] =	ssyncset.done $0x0  }
0xab: {  	[sflag:s22] =	ssyncadd.s32 $0xFFFFF800  }
0xac: {  	[hbm:s17], [sflag:s7] =	dma.local [spmem:s6], $0x800  }
0xad: {  	_ =	swait.ge [sflag:s22], $0x800  }
0xae: {  	[sflag:s22] =	ssyncset.done $0x0  }
0xaf: {  	[sflag:s22] =	ssyncadd.s32 $0xFFFFF800  }
0xb0: {  	[hbm:s18], [sflag:s7] =	dma.local [spmem:s8], $0x800  }
0xb1: {  	_ =	swait.ge [sflag:s22], $0x800  }
0xb2: {  	[sflag:s22] =	ssyncset.done $0x0  }
0xb3: {  	[sflag:s22] =	ssyncadd.s32 $0xFFFFF800  }
0xb4: {  	[hbm:s19], [sflag:s7] =	dma.local [spmem:s9], $0x800  }
0xb5: {  	s0 =	sadd.s32 $0x1, s0;
	_ =	swait.ge [sflag:s22], $0x800  }
0xb6: {  	p0 =	sne.s32 s0, s21;
	[sflag:s22] =	ssyncset.done $0x0  }
.Ltmp2:
0xb7: {  	[sflag:s22] =	ssyncadd.s32 $0xFFFFF800;
	(pc) =	sbr.rel @p0 .LBB2_1-.Ltmp2, $4  }
0xb8: {  	[hbm:s20], [sflag:s7] =	dma.local [spmem:s10], $0x800  }
0xb9: {  	_ =	swait.ge [sflag:s22], $0x800  }
0xba: {  	[sflag:s22] =	ssyncset.done $0x0  }
0xbb: {  	[sflag:s22] =	ssyncadd.s32 $0xFFFFF800  }
0xbc: {  	_ =	sfence.sel $0x180000  }
0xbd: {  	[bflag:$0x0] =	sbarrier.arrive $0xFFFF  }
0xbe: {  	_ =	strace $0x9000004A  }
0xbf: {  	s0 =	stileid.u32;
	[bflag:$0x2] =	sbarrier.arrive $0xFFFF  }
0xc0: {  	p0 =	sne.s32 s0, $0x0;
	s0 =	rddreg [dreg:$0x3]  }
0xc1: {  	s0 =	sadd.s32 @!p0 $0x100000, s0  }
0xc2: {  	[sflag:s0] =	ssyncadd.tile.s32 @!p0 $0x1;
	_ =	shalt  }
.Lfunc_end2:
_tile_overlayer_lowered:
.L_overlay_start_2:
0xc3: {  	(tag) =	ssettag $0x2  }
0xc4: {  	s0 =	rddreg [dreg:$0x0];
	s2 =	stileid.u32  }
0xc5: {  	s1 =	rddreg [dreg:$0x1];
	p0 =	sne.s32 s2, $0x0  }
0xc6: {  	s3 =	rddreg [dreg:$0x2];
	[bflag:$0x3] =	sbarrier.arrive $0xFFFF;
	s2 =	simm.s32 @!p0 $0x1C03  }
0xc7: {  	[timem:s3], [sflag:s2] =	dma.local @!p0 [hbm:s0], s1  }
0xc8: {  	s0 =	simm.s32 @!p0 $0x3  }
0xc9: {  	_ =	swait.ge @!p0 [sflag:s0], s1  }
0xca: {  	s1 =	ssub.s32 @!p0 $0x0, s1;
	[sflag:s0] =	ssyncset.done @!p0 $0x0  }
0xcb: {  	[sflag:s0] =	ssyncadd.s32 @!p0 s1  }
0xcc: {  	[bflag:$0x3] =	sbarrier.arrive $0xFFFF  }
0xcd: {  	_ =	shalt  }

// kernel: kernel.14.cloned.1.call-start
scs
__scs_entry_jumppad:
0x0: {  	(pc) =	sbr.rel $0x88, $3  }
0x1: {  	(tag) =	ssettag $0x0;
	lr =	simm.s32 $0x1  }
0x2: {  	[smem:$0x3F9B] =	sst lr;
	_ =	strace $0xD0000000  }
0x3: {  	_ = 	snop  }
0x4: {  	_ = 	snop  }
0x5: {  	_ = 	snop  }
0x6: {  	_ = 	snop  }
0x7: {  	_ = 	snop  }
__scs_overlays_trampoline_lowered:
0x8: {  	[smem:$0x3FAA] =	sst s0  }
0x9: {  	[smem:$0x3FAB] =	sst s1  }
0xa: {  	[smem:$0x3FAC] =	sst s2  }
0xb: {  	[smem:$0x3FAD] =	sst s3  }
0xc: {  	[smem:$0x3FAE] =	sst s4  }
0xd: {  	[smem:$0x3FAF] =	sst s5  }
0xe: {  	[smem:$0x3FB0] =	sst s6  }
0xf: {  	[smem:$0x3FB1] =	sst s7  }
0x10: {  	[smem:$0x3FB2] =	sst s8  }
0x11: {  	[smem:$0x3FB3] =	sst s9;
	s0 =	simm.s32 @!p0 $0x0  }
0x12: {  	s1 =	sld [smem:$0x3F99];
	s0 =	simm.s32 @p0 $0x1  }
0x13: {  	[smem:$0x3FB4] =	sst s0;
	s0 =	simm.s32 @!p1 $0x0  }
0x14: {  	s2 =	sld [smem:$0x3F98];
	s0 =	simm.s32 @p1 $0x1  }
0x15: {  	[smem:$0x3FB5] =	sst s0;
	s0 =	simm.s32 @!p2 $0x0  }
0x16: {  	s3 =	sld [smem:$0x3FDB];
	s0 =	simm.s32 @p2 $0x1  }
0x17: {  	s4 =	simm.s32 $0x1BF5;
	[smem:$0x3FB7] =	sst s0  }
0x18: {  	s0 =	sld [smem:$0x3F9A];
	_ =	swait.ge [sflag:s4], $0x0  }
0x19: {  	s7 =	sld [smem:$0x3F9B]  }
0x1a: {  	s8 =	sadd.s32 $0xFFFFE003, lr  }
0x1b: {  	s9 =	sadd.s32 $0xFFFFFEF7, lr;
	s5 =	simm.s32 $0xFFFFFFFF;
	p2 =	slt.u32 s8, $0xFFFFF086  }
0x1c: {  	p1 =	slt.u32 s9, $0xF7A;
	s5 =	simm.s32 @!p2 $0x0  }
0x1d: {  	s5 =	simm.s32 @p1 $0x1;
	p0 =	seq.s32 s7, s2  }
0x1e: {  	s7 =	smul.u32 @!p0 $0xF7A, s2;
	p2 =	seq.s32 @!p0 s5, $0x0  }
0x1f: {  	s9 =	smul.u32 $0xF7A, s1;
	s8 =	simm.s32 @!p0 $0x1BF5;
	p2 =	por !p2, p0  }
0x20: {  	[sflag:s8] =	ssyncset.s32 @!p0 $0xFFFFF086;
	s6 =	sadd.s32 @!p0 s3, s7;
	s7 =	simm.s32 @!p0 $0x108  }
0x21: {  	s3 =	sadd.s32 s3, s9;
	s6 =	sadd.s32 @!p0 $0x88, s6;
	s7 =	simm.s32 @p2 $0x1082  }
0x22: {  	[simem:s7], [sflag:s8] =	dma.local @!p0 [hbm:s6], $0xF7A  }
0x23: {  	s9 =	sor.u32 $0xD0000000, s2;
	s6 =	simm.s32 $0x108;
	_ =	swait.ge @!p0 [sflag:s8], $0x0  }
0x24: {  	s3 =	sadd.s32 $0x88, s3;
	s6 =	simm.s32 @!p1 $0x1082;
	[sflag:s4] =	ssyncset.s32 $0xFFFFF086  }
0x25: {  	[simem:s6], [sflag:s4] =	dma.local [hbm:s3], $0xF7A  }
0x26: {  	[smem:$0x3F9B] =	sst s1;
	(tag) =	ssettag s2;
	_ =	strace s9  }
0x27: {  	s1 =	sld [smem:$0x3FAB]  }
0x28: {  	s2 =	sld [smem:$0x3FAC]  }
0x29: {  	s4 =	sld [smem:$0x3FAE]  }
0x2a: {  	p0 =	seq.s32 s5, $0x0;
	s5 =	sld [smem:$0x3FAF]  }
0x2b: {  	s6 =	sld [smem:$0x3FB0]  }
0x2c: {  	s7 =	sld [smem:$0x3FB1]  }
0x2d: {  	s3 =	simm.s32 $0x108;
	s8 =	sld [smem:$0x3FB2]  }
0x2e: {  	s3 =	simm.s32 @!p0 $0x1082;
	s9 =	sld [smem:$0x3FB3]  }
0x2f: {  	lr =	sadd.s32 s0, s3;
	s0 =	sld [smem:$0x3FAA]  }
0x30: {  	s3 =	sld [smem:$0x3FAD]  }
0x31: {  	[smem:$0x3FB6] =	sst s10  }
0x32: {  	s10 =	sld [smem:$0x3FB4];
	_ =	sdelay $0x3  }
0x33: {  	p0 =	seq.s32 s10, $0x1;
	s10 =	sld [smem:$0x3FB6];
	_ =	sdelay $0x3  }
0x34: {  	[smem:$0x3FB6] =	sst s10  }
0x35: {  	s10 =	sld [smem:$0x3FB5];
	_ =	sdelay $0x3  }
0x36: {  	p1 =	seq.s32 s10, $0x1;
	s10 =	sld [smem:$0x3FB6];
	_ =	sdelay $0x3  }
0x37: {  	[smem:$0x3FB6] =	sst s10  }
0x38: {  	s10 =	sld [smem:$0x3FB7]  }
0x39: {  	_ = 	snop;
	(pc) =	sbr.ind lr, $3  }
0x3a: {  	_ = 	snop  }
0x3b: {  	_ = 	snop  }
0x3c: {  	p2 =	seq.s32 s10, $0x1;
	s10 =	sld [smem:$0x3FB6]  }
0x3d: {  	_ =	shalt  }
0x3e: {  	_ =	shalt  }
0x3f: {  	_ =	shalt  }
0x40: {  	_ =	shalt  }
0x41: {  	_ =	shalt  }
0x42: {  	_ =	shalt  }
0x43: {  	_ =	shalt  }
0x44: {  	_ =	shalt  }
0x45: {  	_ =	shalt  }
0x46: {  	_ =	shalt  }
0x47: {  	_ =	shalt  }
0x48: {  	_ =	shalt  }
0x49: {  	_ =	shalt  }
0x4a: {  	_ =	shalt  }
0x4b: {  	_ =	shalt  }
0x4c: {  	_ =	shalt  }
0x4d: {  	_ =	shalt  }
0x4e: {  	_ =	shalt  }
0x4f: {  	_ =	shalt  }
0x50: {  	_ =	shalt  }
0x51: {  	_ =	shalt  }
0x52: {  	_ =	shalt  }
0x53: {  	_ =	shalt  }
0x54: {  	_ =	shalt  }
0x55: {  	_ =	shalt  }
0x56: {  	_ =	shalt  }
0x57: {  	_ =	shalt  }
0x58: {  	_ =	shalt  }
0x59: {  	_ =	shalt  }
0x5a: {  	_ =	shalt  }
0x5b: {  	_ =	shalt  }
0x5c: {  	_ =	shalt  }
0x5d: {  	_ =	shalt  }
0x5e: {  	_ =	shalt  }
0x5f: {  	_ =	shalt  }
0x60: {  	_ =	shalt  }
0x61: {  	_ =	shalt  }
0x62: {  	_ =	shalt  }
0x63: {  	_ =	shalt  }
0x64: {  	_ =	shalt  }
0x65: {  	_ =	shalt  }
0x66: {  	_ =	shalt  }
0x67: {  	_ =	shalt  }
0x68: {  	_ =	shalt  }
0x69: {  	_ =	shalt  }
0x6a: {  	_ =	shalt  }
0x6b: {  	_ =	shalt  }
0x6c: {  	_ =	shalt  }
0x6d: {  	_ =	shalt  }
0x6e: {  	_ =	shalt  }
0x6f: {  	_ =	shalt  }
0x70: {  	_ =	shalt  }
0x71: {  	_ =	shalt  }
0x72: {  	_ =	shalt  }
0x73: {  	_ =	shalt  }
0x74: {  	_ =	shalt  }
0x75: {  	_ =	shalt  }
0x76: {  	_ =	shalt  }
0x77: {  	_ =	shalt  }
0x78: {  	_ =	shalt  }
0x79: {  	_ =	shalt  }
0x7a: {  	_ =	shalt  }
0x7b: {  	_ =	shalt  }
0x7c: {  	_ =	shalt  }
0x7d: {  	_ =	shalt  }
0x7e: {  	_ =	shalt  }
0x7f: {  	_ =	shalt  }
0x80: {  	_ =	shalt  }
0x81: {  	_ =	shalt  }
0x82: {  	_ =	shalt  }
0x83: {  	_ =	shalt  }
0x84: {  	_ =	shalt  }
0x85: {  	_ =	shalt  }
0x86: {  	_ =	shalt  }
0x87: {  	_ =	shalt  }
.Lfunc_end0:
.L_simem_size_0:
called_computation.2_lowered:
.L_overlay_start_0:
0x88: {  	s2 =	sld [smem:$0x3FD9]  }
0x89: {  	s3 =	sld [smem:$0x3FFE];
	_ =	sdelay $0x1  }
0x8a: {  	s1 =	srdreg.scid  }
0x8b: {  	s0 =	sand.u32 $0x1, s1  }
0x8c: {  	s17 =	sshll.u32 s0, $0xA;
	s2 =	sadd.s32 s3, s2  }
0x8d: {  	s2 =	sadd.s32 s2, s17  }
0x8e: {  	[smem:$0x3FC2] =	sst s2  }
0x8f: {  	_ = 	snop  }
0x90: {  	s2 =	sld [smem:$0x3FD0];
	(tm) =	ssettm $0x1  }
0x91: {  	s18 =	sld [smem:$0x3FFB];
	_ =	sdelay $0x3  }
0x92: {  	_ =	strace s18  }
0x93: {  	s3 =	sld [smem:$0x3FFC];
	_ =	sdelay $0x3  }
0x94: {  	_ =	strace s3  }
0x95: {  	s3 =	sld [smem:$0x3FFD];
	_ =	sdelay $0x3  }
0x96: {  	_ =	strace s3  }
0x97: {  	_ =	strace $0x8FFFFFFF  }
0x98: {  	s19 =	sld [smem:$0x3FDB];
	_ =	sdelay $0x1  }
0x99: {  	s4 =	simm.s32 $_scs_section_size  }
0x9a: {  	s5 =	simm.s32 $_size__tile_overlayer_lowered;
	s6 =	simm.s32 $_tile_overlayer_lowered  }
0x9b: {  	s22 =	simm.s32 $0x1BFF;
	s21 =	sshll.u32 s6, $0x1;
	s3 =	sadd.s32 s4, s19  }
0x9c: {  	s7 =	simm.s32 $0x0;
	s20 =	sshll.u32 s5, $0x1;
	s5 =	sadd.s32 s21, s3  }
0x9d: {  	[timem:s7], [sflag:s22] =	dma.local [hbm:s5], s20  }
0x9e: {  	_ =	swait.ge [sflag:s22], s20  }
0x9f: {  	s4 =	ssub.s32 $0x0, s20;
	[sflag:s22] =	ssyncset.done $0x0  }
0xa0: {  	[sflag:s22] =	ssyncadd.s32 s4;
	_ =	sdelay $0x1  }
0xa1: {  	s23 =	simm.s32 $0x1B8B  }
0xa2: {  	_ =	swait.ge [sflag:s23], $0x1  }
0xa3: {  	[sflag:s23] =	ssyncset.done $0x0  }
0xa4: {  	s25 =	simm.s32 $0x1B8E;
	s24 =	sld [smem:$0x3FFE];
	[sflag:s23] =	ssyncadd.s32 $0xFFFFFFFF  }
0xa5: {  	s26 =	simm.s32 $execute0_lowered;
	[smem:$0x3FD2] =	sst s25  }
0xa6: {  	s5 =	sshll.u32 s26, $0x1;
	_ =	strace $0x8000004C;
	[dreg:$0x1] =	wrdreg $0xFFFFFFFF  }
0xa7: {  	s28 =	simm.s32 $_size_execute0_lowered;
	s3 =	sadd.s32 s3, s5;
	[dreg:$0x0] =	wrdreg $0x0  }
0xa8: {  	s5 =	sshll.u32 s28, $0x1;
	[dreg:$0x2] =	wrdreg s3  }
0xa9: {  	[dreg:$0x3] =	wrdreg s5  }
0xaa: {  	[dreg:$0x4] =	wrdreg $0xC0  }
0xab: {  	_ =	task [dreg:s7], $0x5FFFF  }
0xac: {  	[dreg:$0x1] =	wrdreg $0xFFFFFFFF  }
0xad: {  	[dreg:$0x0] =	wrdreg $0x60  }
0xae: {  	[dreg:$0x2] =	wrdreg s24  }
0xaf: {  	[dreg:$0x3] =	wrdreg s2  }
0xb0: {  	[dreg:$0x4] =	wrdreg $0xA8000  }
0xb1: {  	[dreg:$0x5] =	wrdreg $0x9  }
0xb2: {  	_ =	task.clear_ibuf [dreg:s7], $0x6FFFF;
	_ =	strace $0x9000004C  }
0xb3: {  	s29 =	simm.s32 $0x9;
	_ =	strace $0x8000004E  }
0xb4: {  	_ =	swait.ge [sflag:s29], $0x1  }
0xb5: {  	[sflag:s29] =	ssyncadd.s32 $0xFFFFFFFF  }
0xb6: {  	_ =	strace $0x9000004E  }
0xb7: {  	_ =	sfence  }
0xb8: {  	s30 =	sld [smem:$0x0];
	_ =	sdelay $0x2  }
0xb9: {  	s31 =	sshll.u32 s1, $0xD;
	s1 =	sshrl.u32 s1, $0x2  }
0xba: {  	s3 =	sand.u32 $0x4000, s31;
	s1 =	sadd.s32 s1, s30  }
0xbb: {  	s0 =	sor.u32 s3, s0;
	s1 =	sshll.u32 s1, $0x11  }
0xbc: {  	s0 =	sor.u32 s1, s0  }
0xbd: {  	s0 =	sadd.s32 $0x8F2B, s0  }
0xbe: {  	[sflag:s0] =	ssyncadd.remote.s32 $0x1  }
0xbf: {  	_ =	sfence.sel $0xFFFF  }
0xc0: {  	[dreg:$0x0] =	wrdreg $0xFFFFFFFF;
	(pc) =	sbr.abs _section_cstart, $3  }
0xc1: {  	[dreg:$0x1] =	wrdreg $0xFFFFFFFF  }
0xc2: {  	_ =	task.clear_ibuf [dreg:s7], $0x2FFFF;
	_ =	strace $0x9FFFFFFF  }
0xc3: {  	(tm) =	ssettm $0x7FFFFFFF  }
tec
execute0_lowered:
.L_overlay_start_1:
0x0: {  	(tag) =	ssettag $0x1  }
0x1: {  	s0 =	rddreg [dreg:$0x0]  }
0x2: {  	s3 =	rddreg [dreg:$0x1]  }
0x3: {  	s1 =	rddreg [dreg:$0x2];
	s2 =	simm.s32 $0x0  }
0x4: {  	s5 =	srdreg.scid;
	s13 =	stileid.u32;
	s28 =	simm.s32 $0x1  }
0x5: {  	s29 =	simm.s32 $0x2;
	s30 =	simm.s32 $0x2700;
	s31 =	simm.s32 $0x2780  }
0x6: {  	[smem:$0x7FF] =	sst s2;
	s4 =	sadd.s32 $0xC800, s0;
	s7 =	smul.u32 $0x50000, s13  }
0x7: {  	s6 =	sadd.s32 $0x2000, s0;
	s8 =	sand.u32 $0x1, s5;
	s11 =	smul.u32 $0x14000, s13  }
0x8: {  	s5 =	sadd.s32 $0xC000, s0;
	s25 =	sshll.u32 s13, $0x6;
	s13 =	smul.u32 $0x2800, s13  }
0x9: {  	s0 =	sadd.s32 $0x84800, s0;
	s9 =	ssub.s32 $0x2, s8;
	s24 =	smul.u32 $0x28000, s8  }
0xa: {  	_ =	strace $0x8000004D;
	s8 =	smul.u32 $0x140000, s8;
	s10 =	sshrl.u32 s9, $0x1  }
0xb: {  	s7 =	sshrl.u32 s7, $0x2;
	s12 =	sadd.s32 $0x4000, s11;
	s18 =	sadd.s32 $0x8000, s11  }
0xc: {  	s19 =	sadd.s32 $0xC000, s11;
	s20 =	sadd.s32 $0x10000, s11;
	s9 =	ssub.s32 s9, s10  }
0xd: {  	s7 =	sadd.s32 s7, s1;
	s14 =	sadd.s32 s12, s1;
	s26 =	sadd.s32 s18, s1  }
0xe: {  	s10 =	sadd.s32 s13, s24;
	s15 =	sadd.s32 s20, s1;
	[dreg:$0x4] =	wrdreg s7  }
0xf: {  	s11 =	sadd.s32 s11, s8;
	s22 =	sadd.s32 s8, s12;
	[dreg:$0x5] =	wrdreg s14  }
0x10: {  	s24 =	sadd.s32 s8, s18;
	s7 =	sor.u32 $0x1C03, s25;
	[dreg:$0x6] =	wrdreg s26  }
0x11: {  	s10 =	sshrl.u32 s10, $0x3;
	s14 =	sadd.s32 s19, s1;
	[dreg:$0x8] =	wrdreg s15  }
0x12: {  	s21 =	sshrl.u32 s11, $0x3;
	s23 =	sshrl.u32 s22, $0x3;
	s25 =	sadd.s32 s8, s19  }
0x13: {  	s8 =	sadd.s32 s8, s20;
	[dreg:$0x7] =	wrdreg s14;
	s16 =	sadd.s32 s6, s10  }
0x14: {  	s22 =	simm.s32 $0x3;
	s17 =	sadd.s32 s3, s10;
	[dreg:$0x9] =	wrdreg s16  }
0x15: {  	s10 =	sadd.s32 $0x280, s10;
	s26 =	sshrl.u32 s8, $0x3;
	[dreg:$0xa] =	wrdreg s17  }
0x16: {  	s14 =	sadd.s32 s6, s10;
	s15 =	sadd.s32 s3, s10;
	s16 =	sadd.s32 s0, s21  }
0x17: {  	s17 =	sadd.s32 s0, s23;
	s3 =	sshrl.u32 s24, $0x3;
	s6 =	sshrl.u32 s25, $0x3  }
0x18: {  	s20 =	sadd.s32 s0, s26;
	s21 =	smax.u32 s9, $0x1;
	s23 =	simm.s32 $0x1400  }
0x19: {  	s24 =	simm.s32 $0x80;
	s25 =	simm.s32 $0x2800;
	s26 =	simm.s32 $0x6800  }
0x1a: {  	s18 =	sadd.s32 s0, s3;
	s19 =	sadd.s32 s0, s6;
	s0 =	simm.s32 $0x0  }
.LBB2_1:
0x1b: {  	s3 =	rddreg [dreg:$0x4]  }
0x1c: {  	s3 =	sshrl.u32 s3, $0x3  }
0x1d: {  	[spmem:s3], [sflag:s7] =	dma.local [hbm:s5], $0x800  }
0x1e: {  	_ =	swait.ge [sflag:s22], $0x800  }
0x1f: {  	[sflag:s22] =	ssyncset.done $0x0;
	s6 =	rddreg [dreg:$0x5]  }
0x20: {  	[sflag:s22] =	ssyncadd.s32 $0xFFFFF800;
	s6 =	sshrl.u32 s6, $0x3  }
0x21: {  	[spmem:s6], [sflag:s7] =	dma.local [hbm:s5], $0x800  }
0x22: {  	_ =	swait.ge [sflag:s22], $0x800  }
0x23: {  	[sflag:s22] =	ssyncset.done $0x0;
	s8 =	rddreg [dreg:$0x6]  }
0x24: {  	[sflag:s22] =	ssyncadd.s32 $0xFFFFF800;
	s8 =	sshrl.u32 s8, $0x3  }
0x25: {  	[spmem:s8], [sflag:s7] =	dma.local [hbm:s5], $0x800  }
0x26: {  	_ =	swait.ge [sflag:s22], $0x800  }
0x27: {  	[sflag:s22] =	ssyncset.done $0x0;
	s9 =	rddreg [dreg:$0x7]  }
0x28: {  	[sflag:s22] =	ssyncadd.s32 $0xFFFFF800;
	s9 =	sshrl.u32 s9, $0x3  }
0x29: {  	[spmem:s9], [sflag:s7] =	dma.local [hbm:s5], $0x800  }
0x2a: {  	_ =	swait.ge [sflag:s22], $0x800  }
0x2b: {  	[sflag:s22] =	ssyncset.done $0x0;
	s10 =	rddreg [dreg:$0x8]  }
0x2c: {  	[sflag:s22] =	ssyncadd.s32 $0xFFFFF800;
	s10 =	sshrl.u32 s10, $0x3  }
0x2d: {  	[spmem:s10], [sflag:s7] =	dma.local [hbm:s5], $0x800  }
0x2e: {  	_ =	swait.ge [sflag:s22], $0x800  }
0x2f: {  	[sflag:s22] =	ssyncset.done $0x0  }
0x30: {  	[sflag:s22] =	ssyncadd.s32 $0xFFFFF800  }
0x31: {  	[bflag:$0x0] =	sbarrier.arrive $0xFFFF  }
0x32: {  	s11 =	rddreg [dreg:$0x9]  }
0x33: {  	[tilespmem:s2], [sflag:$0x3] =	stream.linear.gather [hbm4b:s11+s2], $0x1400, $0x38;
	[tilespmem:$0x1E800] =	vst v63  }
0x34: {  	_ =	swait.ge [sflag:s22], $0x1400  }
0x35: {  	[sflag:s22] =	ssyncset.done $0x0  }
0x36: {  	s12 =	rddreg [dreg:$0xa];
	[sflag:s22] =	ssyncadd.s32 $0xFFFFEC00  }
0x37: {  	[tilespmem:s23], [sflag:$0x3] =	stream.linear.gather [hbm4b:s12+s2], $0x1400, $0x38;
	[tilespmem:$0x1E800] =	vst v63  }
0x38: {  	_ =	swait.ge [sflag:s22], $0x1400  }
0x39: {  	[sflag:s22] =	ssyncset.done $0x0  }
0x3a: {  	[sflag:s22] =	ssyncadd.s32 $0xFFFFEC00  }
0x3b: {  	[tilespmem:s25], [sflag:$0x1] =	stream.indirect.gather [hbm4b:s4+s24], $0x80, s2, s24, $0xb8;
	[tilespmem:$0x1E800] =	vst v63  }
0x3c: {  	_ = 	snop  }
0x3d: {  	[tilespmem:s26], [sflag:$0x2] =	stream.indirect.gather [hbm4b:s4+s24], $0x80, s24, s24, $0xb8;
	[tilespmem:$0x1E800] =	vst v63  }
0x3e: {  	_ =	swait.ge [sflag:s28], $0x4000  }
0x3f: {  	[sflag:s28] =	ssyncset.done $0x0  }
0x40: {  	s13 =	simm.s32 $0x1400;
	[sflag:s28] =	ssyncadd.s32 $0xFFFFC000  }
0x41: {  	[spmem:s1] =	stream.indirect.scatter.add.f32 [tilespmem:s25], [sflag:$0x3], $0x80, s13, s24, $0xb8;
	[tilespmem:$0x1E800] =	vst v63  }
0x42: {  	_ =	swait.ge [sflag:s22], $0x4000  }
0x43: {  	[sflag:s22] =	ssyncset.done $0x0  }
0x44: {  	s12 =	simm.s32 $0x100;
	[sflag:s22] =	ssyncadd.s32 $0xFFFFC000  }
0x45: {  	[tilespmem:s25], [sflag:$0x1] =	stream.indirect.gather [hbm4b:s4+s24], $0x80, s12, s24, $0xb8;
	[tilespmem:$0x1E800] =	vst v63  }
0x46: {  	_ =	swait.ge [sflag:s29], $0x4000  }
0x47: {  	[sflag:s29] =	ssyncset.done $0x0  }
0x48: {  	s13 =	simm.s32 $0x1480;
	[sflag:s29] =	ssyncadd.s32 $0xFFFFC000  }
0x49: {  	[spmem:s1] =	stream.indirect.scatter.add.f32 [tilespmem:s26], [sflag:$0x3], $0x80, s13, s24, $0xb8;
	[tilespmem:$0x1E800] =	vst v63  }
0x4a: {  	_ =	swait.ge [sflag:s22], $0x4000  }
0x4b: {  	[sflag:s22] =	ssyncset.done $0x0  }
0x4c: {  	s11 =	simm.s32 $0x400;
	s12 =	simm.s32 $0x180;
	[sflag:s22] =	ssyncadd.s32 $0xFFFFC000  }
.LBB2_2:
0x4d: {  	[tilespmem:s26], [sflag:$0x2] =	stream.indirect.gather [hbm4b:s4+s24], $0x80, s12, s24, $0xb8;
	[tilespmem:$0x1E800] =	vst v63  }
0x4e: {  	s12 =	smov.u32 s11  }
0x4f: {  	p0 =	sne.s32 s11, $0x4800;
	s11 =	sadd.s32 $0x400, s11;
	_ =	swait.ge [sflag:s28], $0x4000  }
0x50: {  	s12 =	sshra.s32 s12, $0x2;
	[sflag:s28] =	ssyncset.done $0x0  }
0x51: {  	s13 =	sadd.s32 $0x1400, s12;
	[sflag:s28] =	ssyncadd.s32 $0xFFFFC000  }
0x52: {  	[spmem:s1] =	stream.indirect.scatter.add.f32 [tilespmem:s25], [sflag:$0x3], $0x80, s13, s24, $0xb8;
	[tilespmem:$0x1E800] =	vst v63  }
0x53: {  	_ =	swait.ge [sflag:s22], $0x4000  }
0x54: {  	[sflag:s22] =	ssyncset.done $0x0  }
0x55: {  	s13 =	sadd.s32 $0x100, s12;
	[sflag:s22] =	ssyncadd.s32 $0xFFFFC000  }
0x56: {  	[tilespmem:s25], [sflag:$0x1] =	stream.indirect.gather [hbm4b:s4+s24], $0x80, s13, s24, $0xb8;
	[tilespmem:$0x1E800] =	vst v63  }
0x57: {  	_ =	swait.ge [sflag:s29], $0x4000  }
0x58: {  	[sflag:s29] =	ssyncset.done $0x0  }
.Ltmp0:
0x59: {  	s13 =	sadd.s32 $0x1480, s12;
	[sflag:s29] =	ssyncadd.s32 $0xFFFFC000;
	(pc) =	sbr.rel @p0 .LBB2_2-.Ltmp0, $4  }
0x5a: {  	[spmem:s1] =	stream.indirect.scatter.add.f32 [tilespmem:s26], [sflag:$0x3], $0x80, s13, s24, $0xb8;
	[tilespmem:$0x1E800] =	vst v63  }
0x5b: {  	_ =	swait.ge [sflag:s22], $0x4000  }
0x5c: {  	[sflag:s22] =	ssyncset.done $0x0  }
0x5d: {  	s12 =	sadd.s32 $0x180, s12;
	[sflag:s22] =	ssyncadd.s32 $0xFFFFC000  }
0x5e: {  	[tilespmem:s26], [sflag:$0x2] =	stream.indirect.gather [hbm4b:s4+s24], $0x80, s12, s24, $0xb8;
	[tilespmem:$0x1E800] =	vst v63  }
0x5f: {  	_ =	swait.ge [sflag:s28], $0x4000  }
0x60: {  	[sflag:s28] =	ssyncset.done $0x0  }
0x61: {  	[sflag:s28] =	ssyncadd.s32 $0xFFFFC000  }
0x62: {  	[spmem:s1] =	stream.indirect.scatter.add.f32 [tilespmem:s25], [sflag:$0x3], $0x80, s30, s24, $0xb8;
	[tilespmem:$0x1E800] =	vst v63  }
0x63: {  	_ =	swait.ge [sflag:s22], $0x4000  }
0x64: {  	[sflag:s22] =	ssyncset.done $0x0  }
0x65: {  	[sflag:s22] =	ssyncadd.s32 $0xFFFFC000  }
0x66: {  	_ =	swait.ge [sflag:s29], $0x4000  }
0x67: {  	[sflag:s29] =	ssyncset.done $0x0  }
0x68: {  	[sflag:s29] =	ssyncadd.s32 $0xFFFFC000  }
0x69: {  	[spmem:s1] =	stream.indirect.scatter.add.f32 [tilespmem:s26], [sflag:$0x3], $0x80, s31, s24, $0xb8;
	[tilespmem:$0x1E800] =	vst v63  }
0x6a: {  	_ =	swait.ge [sflag:s22], $0x4000  }
0x6b: {  	[sflag:s22] =	ssyncset.done $0x0  }
0x6c: {  	s11 =	simm.s32 $0x0;
	[sflag:s22] =	ssyncadd.s32 $0xFFFFC000  }
0x6d: {  	[tilespmem:s11], [sflag:$0x3] =	stream.linear.gather [hbm4b:s14+s11], $0x1400, $0x38;
	[tilespmem:$0x1E800] =	vst v63  }
0x6e: {  	_ =	swait.ge [sflag:s22], $0x1400  }
0x6f: {  	[sflag:s22] =	ssyncset.done $0x0  }
0x70: {  	[sflag:s22] =	ssyncadd.s32 $0xFFFFEC00  }
0x71: {  	[tilespmem:s23], [sflag:$0x3] =	stream.linear.gather [hbm4b:s15+s11], $0x1400, $0x38;
	[tilespmem:$0x1E800] =	vst v63  }
0x72: {  	_ =	swait.ge [sflag:s22], $0x1400  }
0x73: {  	[sflag:s22] =	ssyncset.done $0x0  }
0x74: {  	[sflag:s22] =	ssyncadd.s32 $0xFFFFEC00  }
0x75: {  	[tilespmem:s25], [sflag:$0x1] =	stream.indirect.gather [hbm4b:s4+s24], $0x80, s11, s24, $0xb8;
	[tilespmem:$0x1E800] =	vst v63  }
0x76: {  	_ = 	snop  }
0x77: {  	[tilespmem:s26], [sflag:$0x2] =	stream.indirect.gather [hbm4b:s4+s24], $0x80, s24, s24, $0xb8;
	[tilespmem:$0x1E800] =	vst v63  }
0x78: {  	_ =	swait.ge [sflag:s28], $0x4000  }
0x79: {  	[sflag:s28] =	ssyncset.done $0x0  }
0x7a: {  	s13 =	simm.s32 $0x1400;
	[sflag:s28] =	ssyncadd.s32 $0xFFFFC000  }
0x7b: {  	[spmem:s1] =	stream.indirect.scatter.add.f32 [tilespmem:s25], [sflag:$0x3], $0x80, s13, s24, $0xb8;
	[tilespmem:$0x1E800] =	vst v63  }
0x7c: {  	_ =	swait.ge [sflag:s22], $0x4000  }
0x7d: {  	[sflag:s22] =	ssyncset.done $0x0  }
0x7e: {  	s12 =	simm.s32 $0x100;
	[sflag:s22] =	ssyncadd.s32 $0xFFFFC000  }
0x7f: {  	[tilespmem:s25], [sflag:$0x1] =	stream.indirect.gather [hbm4b:s4+s24], $0x80, s12, s24, $0xb8;
	[tilespmem:$0x1E800] =	vst v63  }
0x80: {  	_ =	swait.ge [sflag:s29], $0x4000  }
0x81: {  	[sflag:s29] =	ssyncset.done $0x0  }
0x82: {  	s13 =	simm.s32 $0x1480;
	[sflag:s29] =	ssyncadd.s32 $0xFFFFC000  }
0x83: {  	[spmem:s1] =	stream.indirect.scatter.add.f32 [tilespmem:s26], [sflag:$0x3], $0x80, s13, s24, $0xb8;
	[tilespmem:$0x1E800] =	vst v63  }
0x84: {  	_ =	swait.ge [sflag:s22], $0x4000  }
0x85: {  	[sflag:s22] =	ssyncset.done $0x0  }
0x86: {  	s11 =	simm.s32 $0x400;
	s12 =	simm.s32 $0x180;
	[sflag:s22] =	ssyncadd.s32 $0xFFFFC000  }
.LBB2_4:
0x87: {  	[tilespmem:s26], [sflag:$0x2] =	stream.indirect.gather [hbm4b:s4+s24], $0x80, s12, s24, $0xb8;
	[tilespmem:$0x1E800] =	vst v63  }
0x88: {  	s12 =	smov.u32 s11  }
0x89: {  	p0 =	sne.s32 s11, $0x4800;
	s11 =	sadd.s32 $0x400, s11;
	_ =	swait.ge [sflag:s28], $0x4000  }
0x8a: {  	s12 =	sshra.s32 s12, $0x2;
	[sflag:s28] =	ssyncset.done $0x0  }
0x8b: {  	s13 =	sadd.s32 $0x1400, s12;
	[sflag:s28] =	ssyncadd.s32 $0xFFFFC000  }
0x8c: {  	[spmem:s1] =	stream.indirect.scatter.add.f32 [tilespmem:s25], [sflag:$0x3], $0x80, s13, s24, $0xb8;
	[tilespmem:$0x1E800] =	vst v63  }
0x8d: {  	_ =	swait.ge [sflag:s22], $0x4000  }
0x8e: {  	[sflag:s22] =	ssyncset.done $0x0  }
0x8f: {  	s13 =	sadd.s32 $0x100, s12;
	[sflag:s22] =	ssyncadd.s32 $0xFFFFC000  }
0x90: {  	[tilespmem:s25], [sflag:$0x1] =	stream.indirect.gather [hbm4b:s4+s24], $0x80, s13, s24, $0xb8;
	[tilespmem:$0x1E800] =	vst v63  }
0x91: {  	_ =	swait.ge [sflag:s29], $0x4000  }
0x92: {  	[sflag:s29] =	ssyncset.done $0x0  }
.Ltmp1:
0x93: {  	s13 =	sadd.s32 $0x1480, s12;
	[sflag:s29] =	ssyncadd.s32 $0xFFFFC000;
	(pc) =	sbr.rel @p0 .LBB2_4-.Ltmp1, $4  }
0x94: {  	[spmem:s1] =	stream.indirect.scatter.add.f32 [tilespmem:s26], [sflag:$0x3], $0x80, s13, s24, $0xb8;
	[tilespmem:$0x1E800] =	vst v63  }
0x95: {  	_ =	swait.ge [sflag:s22], $0x4000  }
0x96: {  	[sflag:s22] =	ssyncset.done $0x0  }
0x97: {  	s12 =	sadd.s32 $0x180, s12;
	[sflag:s22] =	ssyncadd.s32 $0xFFFFC000  }
0x98: {  	[tilespmem:s26], [sflag:$0x2] =	stream.indirect.gather [hbm4b:s4+s24], $0x80, s12, s24, $0xb8;
	[tilespmem:$0x1E800] =	vst v63  }
0x99: {  	_ =	swait.ge [sflag:s28], $0x4000  }
0x9a: {  	[sflag:s28] =	ssyncset.done $0x0  }
0x9b: {  	[sflag:s28] =	ssyncadd.s32 $0xFFFFC000  }
0x9c: {  	[spmem:s1] =	stream.indirect.scatter.add.f32 [tilespmem:s25], [sflag:$0x3], $0x80, s30, s24, $0xb8;
	[tilespmem:$0x1E800] =	vst v63  }
0x9d: {  	_ =	swait.ge [sflag:s22], $0x4000  }
0x9e: {  	[sflag:s22] =	ssyncset.done $0x0  }
0x9f: {  	[sflag:s22] =	ssyncadd.s32 $0xFFFFC000  }
0xa0: {  	_ =	swait.ge [sflag:s29], $0x4000  }
0xa1: {  	[sflag:s29] =	ssyncset.done $0x0  }
0xa2: {  	[sflag:s29] =	ssyncadd.s32 $0xFFFFC000  }
0xa3: {  	[spmem:s1] =	stream.indirect.scatter.add.f32 [tilespmem:s26], [sflag:$0x3], $0x80, s31, s24, $0xb8;
	[tilespmem:$0x1E800] =	vst v63  }
0xa4: {  	_ =	swait.ge [sflag:s22], $0x4000  }
0xa5: {  	[sflag:s22] =	ssyncset.done $0x0  }
0xa6: {  	[sflag:s22] =	ssyncadd.s32 $0xFFFFC000  }
0xa7: {  	[bflag:$0x0] =	sbarrier.arrive $0xFFFF  }
0xa8: {  	[hbm:s16], [sflag:s7] =	dma.local [spmem:s3], $0x800  }
0xa9: {  	_ =	swait.ge [sflag:s22], $0x800  }
0xaa: {  	[sflag:s22] =	ssyncset.done $0x0  }
0xab: {  	[sflag:s22] =	ssyncadd.s32 $0xFFFFF800  }
0xac: {  	[hbm:s17], [sflag:s7] =	dma.local [spmem:s6], $0x800  }
0xad: {  	_ =	swait.ge [sflag:s22], $0x800  }
0xae: {  	[sflag:s22] =	ssyncset.done $0x0  }
0xaf: {  	[sflag:s22] =	ssyncadd.s32 $0xFFFFF800  }
0xb0: {  	[hbm:s18], [sflag:s7] =	dma.local [spmem:s8], $0x800  }
0xb1: {  	_ =	swait.ge [sflag:s22], $0x800  }
0xb2: {  	[sflag:s22] =	ssyncset.done $0x0  }
0xb3: {  	[sflag:s22] =	ssyncadd.s32 $0xFFFFF800  }
0xb4: {  	[hbm:s19], [sflag:s7] =	dma.local [spmem:s9], $0x800  }
0xb5: {  	s0 =	sadd.s32 $0x1, s0;
	_ =	swait.ge [sflag:s22], $0x800  }
0xb6: {  	p0 =	sne.s32 s0, s21;
	[sflag:s22] =	ssyncset.done $0x0  }
.Ltmp2:
0xb7: {  	[sflag:s22] =	ssyncadd.s32 $0xFFFFF800;
	(pc) =	sbr.rel @p0 .LBB2_1-.Ltmp2, $4  }
0xb8: {  	[hbm:s20], [sflag:s7] =	dma.local [spmem:s10], $0x800  }
0xb9: {  	_ =	swait.ge [sflag:s22], $0x800  }
0xba: {  	[sflag:s22] =	ssyncset.done $0x0  }
0xbb: {  	[sflag:s22] =	ssyncadd.s32 $0xFFFFF800  }
0xbc: {  	_ =	sfence.sel $0x180000  }
0xbd: {  	[bflag:$0x0] =	sbarrier.arrive $0xFFFF  }
0xbe: {  	_ =	strace $0x9000004D  }
0xbf: {  	s0 =	stileid.u32;
	[bflag:$0x2] =	sbarrier.arrive $0xFFFF  }
0xc0: {  	p0 =	sne.s32 s0, $0x0;
	s0 =	rddreg [dreg:$0x3]  }
0xc1: {  	s0 =	sadd.s32 @!p0 $0x100000, s0  }
0xc2: {  	[sflag:s0] =	ssyncadd.tile.s32 @!p0 $0x1;
	_ =	shalt  }
.Lfunc_end2:
_tile_overlayer_lowered:
.L_overlay_start_2:
0xc3: {  	(tag) =	ssettag $0x2  }
0xc4: {  	s0 =	rddreg [dreg:$0x0];
	s2 =	stileid.u32  }
0xc5: {  	s1 =	rddreg [dreg:$0x1];
	p0 =	sne.s32 s2, $0x0  }
0xc6: {  	s3 =	rddreg [dreg:$0x2];
	[bflag:$0x3] =	sbarrier.arrive $0xFFFF;
	s2 =	simm.s32 @!p0 $0x1C03  }
0xc7: {  	[timem:s3], [sflag:s2] =	dma.local @!p0 [hbm:s0], s1  }
0xc8: {  	s0 =	simm.s32 @!p0 $0x3  }
0xc9: {  	_ =	swait.ge @!p0 [sflag:s0], s1  }
0xca: {  	s1 =	ssub.s32 @!p0 $0x0, s1;
	[sflag:s0] =	ssyncset.done @!p0 $0x0  }
0xcb: {  	[sflag:s0] =	ssyncadd.s32 @!p0 s1  }
0xcc: {  	[bflag:$0x3] =	sbarrier.arrive $0xFFFF  }
0xcd: {  	_ =	shalt  }

// kernel: kernel.8.cloned.1.call-start
scs
__scs_entry_jumppad:
0x0: {  	(pc) =	sbr.rel $0x88, $3  }
0x1: {  	(tag) =	ssettag $0x0;
	lr =	simm.s32 $0x1  }
0x2: {  	[smem:$0x3F9B] =	sst lr;
	_ =	strace $0xD0000000  }
0x3: {  	_ = 	snop  }
0x4: {  	_ = 	snop  }
0x5: {  	_ = 	snop  }
0x6: {  	_ = 	snop  }
0x7: {  	_ = 	snop  }
__scs_overlays_trampoline_lowered:
0x8: {  	[smem:$0x3FAA] =	sst s0  }
0x9: {  	[smem:$0x3FAB] =	sst s1  }
0xa: {  	[smem:$0x3FAC] =	sst s2  }
0xb: {  	[smem:$0x3FAD] =	sst s3  }
0xc: {  	[smem:$0x3FAE] =	sst s4  }
0xd: {  	[smem:$0x3FAF] =	sst s5  }
0xe: {  	[smem:$0x3FB0] =	sst s6  }
0xf: {  	[smem:$0x3FB1] =	sst s7  }
0x10: {  	[smem:$0x3FB2] =	sst s8  }
0x11: {  	[smem:$0x3FB3] =	sst s9;
	s0 =	simm.s32 @!p0 $0x0  }
0x12: {  	s1 =	sld [smem:$0x3F99];
	s0 =	simm.s32 @p0 $0x1  }
0x13: {  	[smem:$0x3FB4] =	sst s0;
	s0 =	simm.s32 @!p1 $0x0  }
0x14: {  	s2 =	sld [smem:$0x3F98];
	s0 =	simm.s32 @p1 $0x1  }
0x15: {  	[smem:$0x3FB5] =	sst s0;
	s0 =	simm.s32 @!p2 $0x0  }
0x16: {  	s3 =	sld [smem:$0x3FDB];
	s0 =	simm.s32 @p2 $0x1  }
0x17: {  	s4 =	simm.s32 $0x1BF5;
	[smem:$0x3FB7] =	sst s0  }
0x18: {  	s0 =	sld [smem:$0x3F9A];
	_ =	swait.ge [sflag:s4], $0x0  }
0x19: {  	s7 =	sld [smem:$0x3F9B]  }
0x1a: {  	s8 =	sadd.s32 $0xFFFFE003, lr  }
0x1b: {  	s9 =	sadd.s32 $0xFFFFFEF7, lr;
	s5 =	simm.s32 $0xFFFFFFFF;
	p2 =	slt.u32 s8, $0xFFFFF086  }
0x1c: {  	p1 =	slt.u32 s9, $0xF7A;
	s5 =	simm.s32 @!p2 $0x0  }
0x1d: {  	s5 =	simm.s32 @p1 $0x1;
	p0 =	seq.s32 s7, s2  }
0x1e: {  	s7 =	smul.u32 @!p0 $0xF7A, s2;
	p2 =	seq.s32 @!p0 s5, $0x0  }
0x1f: {  	s9 =	smul.u32 $0xF7A, s1;
	s8 =	simm.s32 @!p0 $0x1BF5;
	p2 =	por !p2, p0  }
0x20: {  	[sflag:s8] =	ssyncset.s32 @!p0 $0xFFFFF086;
	s6 =	sadd.s32 @!p0 s3, s7;
	s7 =	simm.s32 @!p0 $0x108  }
0x21: {  	s3 =	sadd.s32 s3, s9;
	s6 =	sadd.s32 @!p0 $0x88, s6;
	s7 =	simm.s32 @p2 $0x1082  }
0x22: {  	[simem:s7], [sflag:s8] =	dma.local @!p0 [hbm:s6], $0xF7A  }
0x23: {  	s9 =	sor.u32 $0xD0000000, s2;
	s6 =	simm.s32 $0x108;
	_ =	swait.ge @!p0 [sflag:s8], $0x0  }
0x24: {  	s3 =	sadd.s32 $0x88, s3;
	s6 =	simm.s32 @!p1 $0x1082;
	[sflag:s4] =	ssyncset.s32 $0xFFFFF086  }
0x25: {  	[simem:s6], [sflag:s4] =	dma.local [hbm:s3], $0xF7A  }
0x26: {  	[smem:$0x3F9B] =	sst s1;
	(tag) =	ssettag s2;
	_ =	strace s9  }
0x27: {  	s1 =	sld [smem:$0x3FAB]  }
0x28: {  	s2 =	sld [smem:$0x3FAC]  }
0x29: {  	s4 =	sld [smem:$0x3FAE]  }
0x2a: {  	p0 =	seq.s32 s5, $0x0;
	s5 =	sld [smem:$0x3FAF]  }
0x2b: {  	s6 =	sld [smem:$0x3FB0]  }
0x2c: {  	s7 =	sld [smem:$0x3FB1]  }
0x2d: {  	s3 =	simm.s32 $0x108;
	s8 =	sld [smem:$0x3FB2]  }
0x2e: {  	s3 =	simm.s32 @!p0 $0x1082;
	s9 =	sld [smem:$0x3FB3]  }
0x2f: {  	lr =	sadd.s32 s0, s3;
	s0 =	sld [smem:$0x3FAA]  }
0x30: {  	s3 =	sld [smem:$0x3FAD]  }
0x31: {  	[smem:$0x3FB6] =	sst s10  }
0x32: {  	s10 =	sld [smem:$0x3FB4];
	_ =	sdelay $0x3  }
0x33: {  	p0 =	seq.s32 s10, $0x1;
	s10 =	sld [smem:$0x3FB6];
	_ =	sdelay $0x3  }
0x34: {  	[smem:$0x3FB6] =	sst s10  }
0x35: {  	s10 =	sld [smem:$0x3FB5];
	_ =	sdelay $0x3  }
0x36: {  	p1 =	seq.s32 s10, $0x1;
	s10 =	sld [smem:$0x3FB6];
	_ =	sdelay $0x3  }
0x37: {  	[smem:$0x3FB6] =	sst s10  }
0x38: {  	s10 =	sld [smem:$0x3FB7]  }
0x39: {  	_ = 	snop;
	(pc) =	sbr.ind lr, $3  }
0x3a: {  	_ = 	snop  }
0x3b: {  	_ = 	snop  }
0x3c: {  	p2 =	seq.s32 s10, $0x1;
	s10 =	sld [smem:$0x3FB6]  }
0x3d: {  	_ =	shalt  }
0x3e: {  	_ =	shalt  }
0x3f: {  	_ =	shalt  }
0x40: {  	_ =	shalt  }
0x41: {  	_ =	shalt  }
0x42: {  	_ =	shalt  }
0x43: {  	_ =	shalt  }
0x44: {  	_ =	shalt  }
0x45: {  	_ =	shalt  }
0x46: {  	_ =	shalt  }
0x47: {  	_ =	shalt  }
0x48: {  	_ =	shalt  }
0x49: {  	_ =	shalt  }
0x4a: {  	_ =	shalt  }
0x4b: {  	_ =	shalt  }
0x4c: {  	_ =	shalt  }
0x4d: {  	_ =	shalt  }
0x4e: {  	_ =	shalt  }
0x4f: {  	_ =	shalt  }
0x50: {  	_ =	shalt  }
0x51: {  	_ =	shalt  }
0x52: {  	_ =	shalt  }
0x53: {  	_ =	shalt  }
0x54: {  	_ =	shalt  }
0x55: {  	_ =	shalt  }
0x56: {  	_ =	shalt  }
0x57: {  	_ =	shalt  }
0x58: {  	_ =	shalt  }
0x59: {  	_ =	shalt  }
0x5a: {  	_ =	shalt  }
0x5b: {  	_ =	shalt  }
0x5c: {  	_ =	shalt  }
0x5d: {  	_ =	shalt  }
0x5e: {  	_ =	shalt  }
0x5f: {  	_ =	shalt  }
0x60: {  	_ =	shalt  }
0x61: {  	_ =	shalt  }
0x62: {  	_ =	shalt  }
0x63: {  	_ =	shalt  }
0x64: {  	_ =	shalt  }
0x65: {  	_ =	shalt  }
0x66: {  	_ =	shalt  }
0x67: {  	_ =	shalt  }
0x68: {  	_ =	shalt  }
0x69: {  	_ =	shalt  }
0x6a: {  	_ =	shalt  }
0x6b: {  	_ =	shalt  }
0x6c: {  	_ =	shalt  }
0x6d: {  	_ =	shalt  }
0x6e: {  	_ =	shalt  }
0x6f: {  	_ =	shalt  }
0x70: {  	_ =	shalt  }
0x71: {  	_ =	shalt  }
0x72: {  	_ =	shalt  }
0x73: {  	_ =	shalt  }
0x74: {  	_ =	shalt  }
0x75: {  	_ =	shalt  }
0x76: {  	_ =	shalt  }
0x77: {  	_ =	shalt  }
0x78: {  	_ =	shalt  }
0x79: {  	_ =	shalt  }
0x7a: {  	_ =	shalt  }
0x7b: {  	_ =	shalt  }
0x7c: {  	_ =	shalt  }
0x7d: {  	_ =	shalt  }
0x7e: {  	_ =	shalt  }
0x7f: {  	_ =	shalt  }
0x80: {  	_ =	shalt  }
0x81: {  	_ =	shalt  }
0x82: {  	_ =	shalt  }
0x83: {  	_ =	shalt  }
0x84: {  	_ =	shalt  }
0x85: {  	_ =	shalt  }
0x86: {  	_ =	shalt  }
0x87: {  	_ =	shalt  }
.Lfunc_end0:
.L_simem_size_0:
called_computation_lowered:
.L_overlay_start_0:
0x88: {  	s2 =	sld [smem:$0x3FD9]  }
0x89: {  	s3 =	sld [smem:$0x3FFE];
	_ =	sdelay $0x1  }
0x8a: {  	s1 =	srdreg.scid  }
0x8b: {  	s0 =	sand.u32 $0x1, s1  }
0x8c: {  	s17 =	sshll.u32 s0, $0xA;
	s2 =	sadd.s32 s3, s2  }
0x8d: {  	s2 =	sadd.s32 s2, s17  }
0x8e: {  	[smem:$0x3FC2] =	sst s2  }
0x8f: {  	_ = 	snop  }
0x90: {  	s2 =	sld [smem:$0x3FD0];
	(tm) =	ssettm $0x1  }
0x91: {  	s18 =	sld [smem:$0x3FFB];
	_ =	sdelay $0x3  }
0x92: {  	_ =	strace s18  }
0x93: {  	s3 =	sld [smem:$0x3FFC];
	_ =	sdelay $0x3  }
0x94: {  	_ =	strace s3  }
0x95: {  	s3 =	sld [smem:$0x3FFD];
	_ =	sdelay $0x3  }
0x96: {  	_ =	strace s3  }
0x97: {  	_ =	strace $0x8FFFFFFF  }
0x98: {  	s19 =	sld [smem:$0x3FDB];
	_ =	sdelay $0x1  }
0x99: {  	s4 =	simm.s32 $_scs_section_size  }
0x9a: {  	s5 =	simm.s32 $_size__tile_overlayer_lowered;
	s6 =	simm.s32 $_tile_overlayer_lowered  }
0x9b: {  	s22 =	simm.s32 $0x1BFF;
	s21 =	sshll.u32 s6, $0x1;
	s3 =	sadd.s32 s4, s19  }
0x9c: {  	s7 =	simm.s32 $0x0;
	s20 =	sshll.u32 s5, $0x1;
	s5 =	sadd.s32 s21, s3  }
0x9d: {  	[timem:s7], [sflag:s22] =	dma.local [hbm:s5], s20  }
0x9e: {  	_ =	swait.ge [sflag:s22], s20  }
0x9f: {  	s4 =	ssub.s32 $0x0, s20;
	[sflag:s22] =	ssyncset.done $0x0  }
0xa0: {  	[sflag:s22] =	ssyncadd.s32 s4;
	_ =	sdelay $0x1  }
0xa1: {  	s23 =	simm.s32 $0x1B8B  }
0xa2: {  	_ =	swait.ge [sflag:s23], $0x1  }
0xa3: {  	[sflag:s23] =	ssyncset.done $0x0  }
0xa4: {  	s25 =	simm.s32 $0x1B8E;
	s24 =	sld [smem:$0x3FFE];
	[sflag:s23] =	ssyncadd.s32 $0xFFFFFFFF  }
0xa5: {  	s26 =	simm.s32 $execute0_lowered;
	[smem:$0x3FD2] =	sst s25  }
0xa6: {  	s5 =	sshll.u32 s26, $0x1;
	_ =	strace $0x80000046;
	[dreg:$0x1] =	wrdreg $0xFFFFFFFF  }
0xa7: {  	s28 =	simm.s32 $_size_execute0_lowered;
	s3 =	sadd.s32 s3, s5;
	[dreg:$0x0] =	wrdreg $0x0  }
0xa8: {  	s5 =	sshll.u32 s28, $0x1;
	[dreg:$0x2] =	wrdreg s3  }
0xa9: {  	[dreg:$0x3] =	wrdreg s5  }
0xaa: {  	[dreg:$0x4] =	wrdreg $0xC0  }
0xab: {  	_ =	task [dreg:s7], $0x5FFFF  }
0xac: {  	[dreg:$0x1] =	wrdreg $0xFFFFFFFF  }
0xad: {  	[dreg:$0x0] =	wrdreg $0x60  }
0xae: {  	[dreg:$0x2] =	wrdreg s24  }
0xaf: {  	[dreg:$0x3] =	wrdreg s2  }
0xb0: {  	[dreg:$0x4] =	wrdreg $0xA8000  }
0xb1: {  	[dreg:$0x5] =	wrdreg $0x9  }
0xb2: {  	_ =	task.clear_ibuf [dreg:s7], $0x6FFFF;
	_ =	strace $0x90000046  }
0xb3: {  	s29 =	simm.s32 $0x9;
	_ =	strace $0x80000048  }
0xb4: {  	_ =	swait.ge [sflag:s29], $0x1  }
0xb5: {  	[sflag:s29] =	ssyncadd.s32 $0xFFFFFFFF  }
0xb6: {  	_ =	strace $0x90000048  }
0xb7: {  	_ =	sfence  }
0xb8: {  	s30 =	sld [smem:$0x0];
	_ =	sdelay $0x2  }
0xb9: {  	s31 =	sshll.u32 s1, $0xD;
	s1 =	sshrl.u32 s1, $0x2  }
0xba: {  	s3 =	sand.u32 $0x4000, s31;
	s1 =	sadd.s32 s1, s30  }
0xbb: {  	s0 =	sor.u32 s3, s0;
	s1 =	sshll.u32 s1, $0x11  }
0xbc: {  	s0 =	sor.u32 s1, s0  }
0xbd: {  	s0 =	sadd.s32 $0x8F2B, s0  }
0xbe: {  	[sflag:s0] =	ssyncadd.remote.s32 $0x1  }
0xbf: {  	_ =	sfence.sel $0xFFFF  }
0xc0: {  	[dreg:$0x0] =	wrdreg $0xFFFFFFFF;
	(pc) =	sbr.abs _section_cstart, $3  }
0xc1: {  	[dreg:$0x1] =	wrdreg $0xFFFFFFFF  }
0xc2: {  	_ =	task.clear_ibuf [dreg:s7], $0x2FFFF;
	_ =	strace $0x9FFFFFFF  }
0xc3: {  	(tm) =	ssettm $0x7FFFFFFF  }
tec
execute0_lowered:
.L_overlay_start_1:
0x0: {  	(tag) =	ssettag $0x1  }
0x1: {  	s0 =	rddreg [dreg:$0x0]  }
0x2: {  	s3 =	rddreg [dreg:$0x1]  }
0x3: {  	s1 =	rddreg [dreg:$0x2];
	s2 =	simm.s32 $0x0  }
0x4: {  	s5 =	srdreg.scid;
	s13 =	stileid.u32;
	s28 =	simm.s32 $0x1  }
0x5: {  	s29 =	simm.s32 $0x2;
	s30 =	simm.s32 $0x2700;
	s31 =	simm.s32 $0x2780  }
0x6: {  	[smem:$0x7FF] =	sst s2;
	s4 =	sadd.s32 $0xC800, s0;
	s7 =	smul.u32 $0x50000, s13  }
0x7: {  	s6 =	sadd.s32 $0x2000, s0;
	s8 =	sand.u32 $0x1, s5;
	s11 =	smul.u32 $0x14000, s13  }
0x8: {  	s5 =	sadd.s32 $0xC000, s0;
	s25 =	sshll.u32 s13, $0x6;
	s13 =	smul.u32 $0x2800, s13  }
0x9: {  	s0 =	sadd.s32 $0x34800, s0;
	s9 =	ssub.s32 $0x2, s8;
	s24 =	smul.u32 $0x28000, s8  }
0xa: {  	_ =	strace $0x80000047;
	s8 =	smul.u32 $0x140000, s8;
	s10 =	sshrl.u32 s9, $0x1  }
0xb: {  	s7 =	sshrl.u32 s7, $0x2;
	s12 =	sadd.s32 $0x4000, s11;
	s18 =	sadd.s32 $0x8000, s11  }
0xc: {  	s19 =	sadd.s32 $0xC000, s11;
	s20 =	sadd.s32 $0x10000, s11;
	s9 =	ssub.s32 s9, s10  }
0xd: {  	s7 =	sadd.s32 s7, s1;
	s14 =	sadd.s32 s12, s1;
	s26 =	sadd.s32 s18, s1  }
0xe: {  	s10 =	sadd.s32 s13, s24;
	s15 =	sadd.s32 s20, s1;
	[dreg:$0x4] =	wrdreg s7  }
0xf: {  	s11 =	sadd.s32 s11, s8;
	s22 =	sadd.s32 s8, s12;
	[dreg:$0x5] =	wrdreg s14  }
0x10: {  	s24 =	sadd.s32 s8, s18;
	s7 =	sor.u32 $0x1C03, s25;
	[dreg:$0x6] =	wrdreg s26  }
0x11: {  	s10 =	sshrl.u32 s10, $0x3;
	s14 =	sadd.s32 s19, s1;
	[dreg:$0x8] =	wrdreg s15  }
0x12: {  	s21 =	sshrl.u32 s11, $0x3;
	s23 =	sshrl.u32 s22, $0x3;
	s25 =	sadd.s32 s8, s19  }
0x13: {  	s8 =	sadd.s32 s8, s20;
	[dreg:$0x7] =	wrdreg s14;
	s16 =	sadd.s32 s6, s10  }
0x14: {  	s22 =	simm.s32 $0x3;
	s17 =	sadd.s32 s3, s10;
	[dreg:$0x9] =	wrdreg s16  }
0x15: {  	s10 =	sadd.s32 $0x280, s10;
	s26 =	sshrl.u32 s8, $0x3;
	[dreg:$0xa] =	wrdreg s17  }
0x16: {  	s14 =	sadd.s32 s6, s10;
	s15 =	sadd.s32 s3, s10;
	s16 =	sadd.s32 s0, s21  }
0x17: {  	s17 =	sadd.s32 s0, s23;
	s3 =	sshrl.u32 s24, $0x3;
	s6 =	sshrl.u32 s25, $0x3  }
0x18: {  	s20 =	sadd.s32 s0, s26;
	s21 =	smax.u32 s9, $0x1;
	s23 =	simm.s32 $0x1400  }
0x19: {  	s24 =	simm.s32 $0x80;
	s25 =	simm.s32 $0x2800;
	s26 =	simm.s32 $0x6800  }
0x1a: {  	s18 =	sadd.s32 s0, s3;
	s19 =	sadd.s32 s0, s6;
	s0 =	simm.s32 $0x0  }
.LBB2_1:
0x1b: {  	s3 =	rddreg [dreg:$0x4]  }
0x1c: {  	s3 =	sshrl.u32 s3, $0x3  }
0x1d: {  	[spmem:s3], [sflag:s7] =	dma.local [hbm:s5], $0x800  }
0x1e: {  	_ =	swait.ge [sflag:s22], $0x800  }
0x1f: {  	[sflag:s22] =	ssyncset.done $0x0;
	s6 =	rddreg [dreg:$0x5]  }
0x20: {  	[sflag:s22] =	ssyncadd.s32 $0xFFFFF800;
	s6 =	sshrl.u32 s6, $0x3  }
0x21: {  	[spmem:s6], [sflag:s7] =	dma.local [hbm:s5], $0x800  }
0x22: {  	_ =	swait.ge [sflag:s22], $0x800  }
0x23: {  	[sflag:s22] =	ssyncset.done $0x0;
	s8 =	rddreg [dreg:$0x6]  }
0x24: {  	[sflag:s22] =	ssyncadd.s32 $0xFFFFF800;
	s8 =	sshrl.u32 s8, $0x3  }
0x25: {  	[spmem:s8], [sflag:s7] =	dma.local [hbm:s5], $0x800  }
0x26: {  	_ =	swait.ge [sflag:s22], $0x800  }
0x27: {  	[sflag:s22] =	ssyncset.done $0x0;
	s9 =	rddreg [dreg:$0x7]  }
0x28: {  	[sflag:s22] =	ssyncadd.s32 $0xFFFFF800;
	s9 =	sshrl.u32 s9, $0x3  }
0x29: {  	[spmem:s9], [sflag:s7] =	dma.local [hbm:s5], $0x800  }
0x2a: {  	_ =	swait.ge [sflag:s22], $0x800  }
0x2b: {  	[sflag:s22] =	ssyncset.done $0x0;
	s10 =	rddreg [dreg:$0x8]  }
0x2c: {  	[sflag:s22] =	ssyncadd.s32 $0xFFFFF800;
	s10 =	sshrl.u32 s10, $0x3  }
0x2d: {  	[spmem:s10], [sflag:s7] =	dma.local [hbm:s5], $0x800  }
0x2e: {  	_ =	swait.ge [sflag:s22], $0x800  }
0x2f: {  	[sflag:s22] =	ssyncset.done $0x0  }
0x30: {  	[sflag:s22] =	ssyncadd.s32 $0xFFFFF800  }
0x31: {  	[bflag:$0x0] =	sbarrier.arrive $0xFFFF  }
0x32: {  	s11 =	rddreg [dreg:$0x9]  }
0x33: {  	[tilespmem:s2], [sflag:$0x3] =	stream.linear.gather [hbm4b:s11+s2], $0x1400, $0x38;
	[tilespmem:$0x1E800] =	vst v63  }
0x34: {  	_ =	swait.ge [sflag:s22], $0x1400  }
0x35: {  	[sflag:s22] =	ssyncset.done $0x0  }
0x36: {  	s12 =	rddreg [dreg:$0xa];
	[sflag:s22] =	ssyncadd.s32 $0xFFFFEC00  }
0x37: {  	[tilespmem:s23], [sflag:$0x3] =	stream.linear.gather [hbm4b:s12+s2], $0x1400, $0x38;
	[tilespmem:$0x1E800] =	vst v63  }
0x38: {  	_ =	swait.ge [sflag:s22], $0x1400  }
0x39: {  	[sflag:s22] =	ssyncset.done $0x0  }
0x3a: {  	[sflag:s22] =	ssyncadd.s32 $0xFFFFEC00  }
0x3b: {  	[tilespmem:s25], [sflag:$0x1] =	stream.indirect.gather [hbm4b:s4+s24], $0x80, s2, s24, $0xb8;
	[tilespmem:$0x1E800] =	vst v63  }
0x3c: {  	_ = 	snop  }
0x3d: {  	[tilespmem:s26], [sflag:$0x2] =	stream.indirect.gather [hbm4b:s4+s24], $0x80, s24, s24, $0xb8;
	[tilespmem:$0x1E800] =	vst v63  }
0x3e: {  	_ =	swait.ge [sflag:s28], $0x4000  }
0x3f: {  	[sflag:s28] =	ssyncset.done $0x0  }
0x40: {  	s13 =	simm.s32 $0x1400;
	[sflag:s28] =	ssyncadd.s32 $0xFFFFC000  }
0x41: {  	[spmem:s1] =	stream.indirect.scatter.add.f32 [tilespmem:s25], [sflag:$0x3], $0x80, s13, s24, $0xb8;
	[tilespmem:$0x1E800] =	vst v63  }
0x42: {  	_ =	swait.ge [sflag:s22], $0x4000  }
0x43: {  	[sflag:s22] =	ssyncset.done $0x0  }
0x44: {  	s12 =	simm.s32 $0x100;
	[sflag:s22] =	ssyncadd.s32 $0xFFFFC000  }
0x45: {  	[tilespmem:s25], [sflag:$0x1] =	stream.indirect.gather [hbm4b:s4+s24], $0x80, s12, s24, $0xb8;
	[tilespmem:$0x1E800] =	vst v63  }
0x46: {  	_ =	swait.ge [sflag:s29], $0x4000  }
0x47: {  	[sflag:s29] =	ssyncset.done $0x0  }
0x48: {  	s13 =	simm.s32 $0x1480;
	[sflag:s29] =	ssyncadd.s32 $0xFFFFC000  }
0x49: {  	[spmem:s1] =	stream.indirect.scatter.add.f32 [tilespmem:s26], [sflag:$0x3], $0x80, s13, s24, $0xb8;
	[tilespmem:$0x1E800] =	vst v63  }
0x4a: {  	_ =	swait.ge [sflag:s22], $0x4000  }
0x4b: {  	[sflag:s22] =	ssyncset.done $0x0  }
0x4c: {  	s11 =	simm.s32 $0x400;
	s12 =	simm.s32 $0x180;
	[sflag:s22] =	ssyncadd.s32 $0xFFFFC000  }
.LBB2_2:
0x4d: {  	[tilespmem:s26], [sflag:$0x2] =	stream.indirect.gather [hbm4b:s4+s24], $0x80, s12, s24, $0xb8;
	[tilespmem:$0x1E800] =	vst v63  }
0x4e: {  	s12 =	smov.u32 s11  }
0x4f: {  	p0 =	sne.s32 s11, $0x4800;
	s11 =	sadd.s32 $0x400, s11;
	_ =	swait.ge [sflag:s28], $0x4000  }
0x50: {  	s12 =	sshra.s32 s12, $0x2;
	[sflag:s28] =	ssyncset.done $0x0  }
0x51: {  	s13 =	sadd.s32 $0x1400, s12;
	[sflag:s28] =	ssyncadd.s32 $0xFFFFC000  }
0x52: {  	[spmem:s1] =	stream.indirect.scatter.add.f32 [tilespmem:s25], [sflag:$0x3], $0x80, s13, s24, $0xb8;
	[tilespmem:$0x1E800] =	vst v63  }
0x53: {  	_ =	swait.ge [sflag:s22], $0x4000  }
0x54: {  	[sflag:s22] =	ssyncset.done $0x0  }
0x55: {  	s13 =	sadd.s32 $0x100, s12;
	[sflag:s22] =	ssyncadd.s32 $0xFFFFC000  }
0x56: {  	[tilespmem:s25], [sflag:$0x1] =	stream.indirect.gather [hbm4b:s4+s24], $0x80, s13, s24, $0xb8;
	[tilespmem:$0x1E800] =	vst v63  }
0x57: {  	_ =	swait.ge [sflag:s29], $0x4000  }
0x58: {  	[sflag:s29] =	ssyncset.done $0x0  }
.Ltmp0:
0x59: {  	s13 =	sadd.s32 $0x1480, s12;
	[sflag:s29] =	ssyncadd.s32 $0xFFFFC000;
	(pc) =	sbr.rel @p0 .LBB2_2-.Ltmp0, $4  }
0x5a: {  	[spmem:s1] =	stream.indirect.scatter.add.f32 [tilespmem:s26], [sflag:$0x3], $0x80, s13, s24, $0xb8;
	[tilespmem:$0x1E800] =	vst v63  }
0x5b: {  	_ =	swait.ge [sflag:s22], $0x4000  }
0x5c: {  	[sflag:s22] =	ssyncset.done $0x0  }
0x5d: {  	s12 =	sadd.s32 $0x180, s12;
	[sflag:s22] =	ssyncadd.s32 $0xFFFFC000  }
0x5e: {  	[tilespmem:s26], [sflag:$0x2] =	stream.indirect.gather [hbm4b:s4+s24], $0x80, s12, s24, $0xb8;
	[tilespmem:$0x1E800] =	vst v63  }
0x5f: {  	_ =	swait.ge [sflag:s28], $0x4000  }
0x60: {  	[sflag:s28] =	ssyncset.done $0x0  }
0x61: {  	[sflag:s28] =	ssyncadd.s32 $0xFFFFC000  }
0x62: {  	[spmem:s1] =	stream.indirect.scatter.add.f32 [tilespmem:s25], [sflag:$0x3], $0x80, s30, s24, $0xb8;
	[tilespmem:$0x1E800] =	vst v63  }
0x63: {  	_ =	swait.ge [sflag:s22], $0x4000  }
0x64: {  	[sflag:s22] =	ssyncset.done $0x0  }
0x65: {  	[sflag:s22] =	ssyncadd.s32 $0xFFFFC000  }
0x66: {  	_ =	swait.ge [sflag:s29], $0x4000  }
0x67: {  	[sflag:s29] =	ssyncset.done $0x0  }
0x68: {  	[sflag:s29] =	ssyncadd.s32 $0xFFFFC000  }
0x69: {  	[spmem:s1] =	stream.indirect.scatter.add.f32 [tilespmem:s26], [sflag:$0x3], $0x80, s31, s24, $0xb8;
	[tilespmem:$0x1E800] =	vst v63  }
0x6a: {  	_ =	swait.ge [sflag:s22], $0x4000  }
0x6b: {  	[sflag:s22] =	ssyncset.done $0x0  }
0x6c: {  	s11 =	simm.s32 $0x0;
	[sflag:s22] =	ssyncadd.s32 $0xFFFFC000  }
0x6d: {  	[tilespmem:s11], [sflag:$0x3] =	stream.linear.gather [hbm4b:s14+s11], $0x1400, $0x38;
	[tilespmem:$0x1E800] =	vst v63  }
0x6e: {  	_ =	swait.ge [sflag:s22], $0x1400  }
0x6f: {  	[sflag:s22] =	ssyncset.done $0x0  }
0x70: {  	[sflag:s22] =	ssyncadd.s32 $0xFFFFEC00  }
0x71: {  	[tilespmem:s23], [sflag:$0x3] =	stream.linear.gather [hbm4b:s15+s11], $0x1400, $0x38;
	[tilespmem:$0x1E800] =	vst v63  }
0x72: {  	_ =	swait.ge [sflag:s22], $0x1400  }
0x73: {  	[sflag:s22] =	ssyncset.done $0x0  }
0x74: {  	[sflag:s22] =	ssyncadd.s32 $0xFFFFEC00  }
0x75: {  	[tilespmem:s25], [sflag:$0x1] =	stream.indirect.gather [hbm4b:s4+s24], $0x80, s11, s24, $0xb8;
	[tilespmem:$0x1E800] =	vst v63  }
0x76: {  	_ = 	snop  }
0x77: {  	[tilespmem:s26], [sflag:$0x2] =	stream.indirect.gather [hbm4b:s4+s24], $0x80, s24, s24, $0xb8;
	[tilespmem:$0x1E800] =	vst v63  }
0x78: {  	_ =	swait.ge [sflag:s28], $0x4000  }
0x79: {  	[sflag:s28] =	ssyncset.done $0x0  }
0x7a: {  	s13 =	simm.s32 $0x1400;
	[sflag:s28] =	ssyncadd.s32 $0xFFFFC000  }
0x7b: {  	[spmem:s1] =	stream.indirect.scatter.add.f32 [tilespmem:s25], [sflag:$0x3], $0x80, s13, s24, $0xb8;
	[tilespmem:$0x1E800] =	vst v63  }
0x7c: {  	_ =	swait.ge [sflag:s22], $0x4000  }
0x7d: {  	[sflag:s22] =	ssyncset.done $0x0  }
0x7e: {  	s12 =	simm.s32 $0x100;
	[sflag:s22] =	ssyncadd.s32 $0xFFFFC000  }
0x7f: {  	[tilespmem:s25], [sflag:$0x1] =	stream.indirect.gather [hbm4b:s4+s24], $0x80, s12, s24, $0xb8;
	[tilespmem:$0x1E800] =	vst v63  }
0x80: {  	_ =	swait.ge [sflag:s29], $0x4000  }
0x81: {  	[sflag:s29] =	ssyncset.done $0x0  }
0x82: {  	s13 =	simm.s32 $0x1480;
	[sflag:s29] =	ssyncadd.s32 $0xFFFFC000  }
0x83: {  	[spmem:s1] =	stream.indirect.scatter.add.f32 [tilespmem:s26], [sflag:$0x3], $0x80, s13, s24, $0xb8;
	[tilespmem:$0x1E800] =	vst v63  }
0x84: {  	_ =	swait.ge [sflag:s22], $0x4000  }
0x85: {  	[sflag:s22] =	ssyncset.done $0x0  }
0x86: {  	s11 =	simm.s32 $0x400;
	s12 =	simm.s32 $0x180;
	[sflag:s22] =	ssyncadd.s32 $0xFFFFC000  }
.LBB2_4:
0x87: {  	[tilespmem:s26], [sflag:$0x2] =	stream.indirect.gather [hbm4b:s4+s24], $0x80, s12, s24, $0xb8;
	[tilespmem:$0x1E800] =	vst v63  }
0x88: {  	s12 =	smov.u32 s11  }
0x89: {  	p0 =	sne.s32 s11, $0x4800;
	s11 =	sadd.s32 $0x400, s11;
	_ =	swait.ge [sflag:s28], $0x4000  }
0x8a: {  	s12 =	sshra.s32 s12, $0x2;
	[sflag:s28] =	ssyncset.done $0x0  }
0x8b: {  	s13 =	sadd.s32 $0x1400, s12;
	[sflag:s28] =	ssyncadd.s32 $0xFFFFC000  }
0x8c: {  	[spmem:s1] =	stream.indirect.scatter.add.f32 [tilespmem:s25], [sflag:$0x3], $0x80, s13, s24, $0xb8;
	[tilespmem:$0x1E800] =	vst v63  }
0x8d: {  	_ =	swait.ge [sflag:s22], $0x4000  }
0x8e: {  	[sflag:s22] =	ssyncset.done $0x0  }
0x8f: {  	s13 =	sadd.s32 $0x100, s12;
	[sflag:s22] =	ssyncadd.s32 $0xFFFFC000  }
0x90: {  	[tilespmem:s25], [sflag:$0x1] =	stream.indirect.gather [hbm4b:s4+s24], $0x80, s13, s24, $0xb8;
	[tilespmem:$0x1E800] =	vst v63  }
0x91: {  	_ =	swait.ge [sflag:s29], $0x4000  }
0x92: {  	[sflag:s29] =	ssyncset.done $0x0  }
.Ltmp1:
0x93: {  	s13 =	sadd.s32 $0x1480, s12;
	[sflag:s29] =	ssyncadd.s32 $0xFFFFC000;
	(pc) =	sbr.rel @p0 .LBB2_4-.Ltmp1, $4  }
0x94: {  	[spmem:s1] =	stream.indirect.scatter.add.f32 [tilespmem:s26], [sflag:$0x3], $0x80, s13, s24, $0xb8;
	[tilespmem:$0x1E800] =	vst v63  }
0x95: {  	_ =	swait.ge [sflag:s22], $0x4000  }
0x96: {  	[sflag:s22] =	ssyncset.done $0x0  }
0x97: {  	s12 =	sadd.s32 $0x180, s12;
	[sflag:s22] =	ssyncadd.s32 $0xFFFFC000  }
0x98: {  	[tilespmem:s26], [sflag:$0x2] =	stream.indirect.gather [hbm4b:s4+s24], $0x80, s12, s24, $0xb8;
	[tilespmem:$0x1E800] =	vst v63  }
0x99: {  	_ =	swait.ge [sflag:s28], $0x4000  }
0x9a: {  	[sflag:s28] =	ssyncset.done $0x0  }
0x9b: {  	[sflag:s28] =	ssyncadd.s32 $0xFFFFC000  }
0x9c: {  	[spmem:s1] =	stream.indirect.scatter.add.f32 [tilespmem:s25], [sflag:$0x3], $0x80, s30, s24, $0xb8;
	[tilespmem:$0x1E800] =	vst v63  }
0x9d: {  	_ =	swait.ge [sflag:s22], $0x4000  }
0x9e: {  	[sflag:s22] =	ssyncset.done $0x0  }
0x9f: {  	[sflag:s22] =	ssyncadd.s32 $0xFFFFC000  }
0xa0: {  	_ =	swait.ge [sflag:s29], $0x4000  }
0xa1: {  	[sflag:s29] =	ssyncset.done $0x0  }
0xa2: {  	[sflag:s29] =	ssyncadd.s32 $0xFFFFC000  }
0xa3: {  	[spmem:s1] =	stream.indirect.scatter.add.f32 [tilespmem:s26], [sflag:$0x3], $0x80, s31, s24, $0xb8;
	[tilespmem:$0x1E800] =	vst v63  }
0xa4: {  	_ =	swait.ge [sflag:s22], $0x4000  }
0xa5: {  	[sflag:s22] =	ssyncset.done $0x0  }
0xa6: {  	[sflag:s22] =	ssyncadd.s32 $0xFFFFC000  }
0xa7: {  	[bflag:$0x0] =	sbarrier.arrive $0xFFFF  }
0xa8: {  	[hbm:s16], [sflag:s7] =	dma.local [spmem:s3], $0x800  }
0xa9: {  	_ =	swait.ge [sflag:s22], $0x800  }
0xaa: {  	[sflag:s22] =	ssyncset.done $0x0  }
0xab: {  	[sflag:s22] =	ssyncadd.s32 $0xFFFFF800  }
0xac: {  	[hbm:s17], [sflag:s7] =	dma.local [spmem:s6], $0x800  }
0xad: {  	_ =	swait.ge [sflag:s22], $0x800  }
0xae: {  	[sflag:s22] =	ssyncset.done $0x0  }
0xaf: {  	[sflag:s22] =	ssyncadd.s32 $0xFFFFF800  }
0xb0: {  	[hbm:s18], [sflag:s7] =	dma.local [spmem:s8], $0x800  }
0xb1: {  	_ =	swait.ge [sflag:s22], $0x800  }
0xb2: {  	[sflag:s22] =	ssyncset.done $0x0  }
0xb3: {  	[sflag:s22] =	ssyncadd.s32 $0xFFFFF800  }
0xb4: {  	[hbm:s19], [sflag:s7] =	dma.local [spmem:s9], $0x800  }
0xb5: {  	s0 =	sadd.s32 $0x1, s0;
	_ =	swait.ge [sflag:s22], $0x800  }
0xb6: {  	p0 =	sne.s32 s0, s21;
	[sflag:s22] =	ssyncset.done $0x0  }
.Ltmp2:
0xb7: {  	[sflag:s22] =	ssyncadd.s32 $0xFFFFF800;
	(pc) =	sbr.rel @p0 .LBB2_1-.Ltmp2, $4  }
0xb8: {  	[hbm:s20], [sflag:s7] =	dma.local [spmem:s10], $0x800  }
0xb9: {  	_ =	swait.ge [sflag:s22], $0x800  }
0xba: {  	[sflag:s22] =	ssyncset.done $0x0  }
0xbb: {  	[sflag:s22] =	ssyncadd.s32 $0xFFFFF800  }
0xbc: {  	_ =	sfence.sel $0x180000  }
0xbd: {  	[bflag:$0x0] =	sbarrier.arrive $0xFFFF  }
0xbe: {  	_ =	strace $0x90000047  }
0xbf: {  	s0 =	stileid.u32;
	[bflag:$0x2] =	sbarrier.arrive $0xFFFF  }
0xc0: {  	p0 =	sne.s32 s0, $0x0;
	s0 =	rddreg [dreg:$0x3]  }
0xc1: {  	s0 =	sadd.s32 @!p0 $0x100000, s0  }
0xc2: {  	[sflag:s0] =	ssyncadd.tile.s32 @!p0 $0x1;
	_ =	shalt  }
.Lfunc_end2:
_tile_overlayer_lowered:
.L_overlay_start_2:
0xc3: {  	(tag) =	ssettag $0x2  }
0xc4: {  	s0 =	rddreg [dreg:$0x0];
	s2 =	stileid.u32  }
0xc5: {  	s1 =	rddreg [dreg:$0x1];
	p0 =	sne.s32 s2, $0x0  }
0xc6: {  	s3 =	rddreg [dreg:$0x2];
	[bflag:$0x3] =	sbarrier.arrive $0xFFFF;
	s2 =	simm.s32 @!p0 $0x1C03  }
0xc7: {  	[timem:s3], [sflag:s2] =	dma.local @!p0 [hbm:s0], s1  }
0xc8: {  	s0 =	simm.s32 @!p0 $0x3  }
0xc9: {  	_ =	swait.ge @!p0 [sflag:s0], s1  }
0xca: {  	s1 =	ssub.s32 @!p0 $0x0, s1;
	[sflag:s0] =	ssyncset.done @!p0 $0x0  }
0xcb: {  	[sflag:s0] =	ssyncadd.s32 @!p0 s1  }
0xcc: {  	[bflag:$0x3] =	sbarrier.arrive $0xFFFF  }
0xcd: {  	_ =	shalt  }

</sc_bundles>
